<compile_context>
chip_gen: v7x
topology: tpu7x:2x2x1
jax: 0.10.2.dev20260603
libtpu: 0.0.44.dev20260713+nightly
codegen_flags: <defaults>
</compile_context>

<pallas_src>
import functools

import jax
import jax.numpy as jnp
from jax import lax
from jax.experimental import pallas as pl
from jax.experimental.pallas import tpu as pltpu
from jax.experimental.pallas import tpu_sc as plsc

N = 10000
E = 320000
D = 128
NC = 2
NS = 16
NW = NC * NS
EW = E // NW
C = 40
NCH = EW // C
HL = NCH // 2
DC = 80
DNCH = EW // DC
NPAD = 10240
RPS = NPAD // NS
ZROWS = 128
DPS = NPAD // NS

DRING = 5


def _deg_body(dst3_hbm, out_hbm, dst3_v, ones_v, zb_v, acc_sh, *sems):
    cid = lax.axis_index("c")
    sid = lax.axis_index("s")
    wid = cid * NS + sid

    z16 = jnp.zeros((16,), jnp.float32)
    o16 = jnp.ones((16,), jnp.float32)

    def zrow(i, carry):
        zb_v[pl.ds(i * 16, 16)] = z16
        return carry

    lax.fori_loop(0, DPS // 16, zrow, 0)
    for j in range(DC // 16):
        ones_v[pl.ds(j * 16, 16)] = o16
    pltpu.sync_copy(zb_v, acc_sh.at[pl.ds(sid * DPS, DPS)])
    pltpu.sync_copy(dst3_hbm.at[wid], dst3_v)
    plsc.subcore_barrier()

    def fire(i, j):
        pltpu.async_copy(ones_v, acc_sh.at[dst3_v.at[i]], sems[j], add=True)

    def wait(j):
        pltpu.make_async_copy(ones_v, acc_sh.at[dst3_v.at[0]], sems[j]).wait()

    for j in range(DRING):
        fire(j, j)

    def body(k, carry):
        for j in range(DRING):
            wait(j)
            fire(k * DRING + j, j)
        return carry

    lax.fori_loop(1, DNCH // DRING, body, 0)
    for j in range(DRING):
        wait(j)
    plsc.subcore_barrier()
    pltpu.sync_copy(
        acc_sh.at[pl.ds(sid * DPS, DPS)],
        out_hbm.at[pl.ds(cid * NPAD + sid * DPS, DPS)],
    )


def _edge_body(y_hbm, src_hbm, dst3_hbm, out_hbm, src_all, dst3_v,
               rows_v0, rows_v1, rows_v2, acc_sh,
               gsem0, gsem1, gsem2, ssem0, ssem1, ssem2):
    cid = lax.axis_index("c")
    sid = lax.axis_index("s")
    wid = cid * NS + sid

    z16 = jnp.zeros((16,), jnp.float32)

    def zrow(i, carry):
        for j in range(D // 16):
            rows_v0[i, pl.ds(j * 16, 16)] = z16
        return carry

    lax.fori_loop(0, C, zrow, 0)

    def zacc(k, carry):
        pltpu.sync_copy(rows_v0, acc_sh.at[pl.ds(sid * RPS + k * C, C)])
        return carry

    lax.fori_loop(0, RPS // C, zacc, 0)

    pltpu.sync_copy(src_hbm.at[pl.ds(wid * EW, EW)], src_all)
    plsc.subcore_barrier()

    bufs = (rows_v0, rows_v1, rows_v2)
    gsems = (gsem0, gsem1, gsem2)
    ssems = (ssem0, ssem1, ssem2)

    def fire_g(c, b):
        pltpu.async_copy(y_hbm.at[src_all.at[pl.ds(c * C, C)]], bufs[b],
                         gsems[b])

    def wait_g(c, b):
        pltpu.make_async_copy(y_hbm.at[src_all.at[pl.ds(c * C, C)]], bufs[b],
                              gsems[b]).wait()

    def fire_s(i, b):
        pltpu.async_copy(bufs[b], acc_sh.at[dst3_v.at[i]], ssems[b], add=True)

    def wait_s(b):
        pltpu.make_async_copy(bufs[b], acc_sh.at[dst3_v.at[0]],
                              ssems[b]).wait()

    for h in range(2):
        base = h * HL
        pltpu.sync_copy(dst3_hbm.at[wid, h], dst3_v)

        def step(i, b, swait=True, gfire=True):
            wait_g(base + i, b)
            fire_s(i, b)
            if swait:
                wait_s((b + 2) % 3)
            if gfire:
                fire_g(base + i + 2, (b + 2) % 3)

        fire_g(base + 0, 0)
        fire_g(base + 1, 1)
        step(0, 0, swait=False)
        step(1, 1)
        step(2, 2)

        def body3(k, carry):
            i0 = 3 * k + 3
            step(i0, 0)
            step(i0 + 1, 1)
            step(i0 + 2, 2)
            return carry

        lax.fori_loop(0, (HL - 5) // 3, body3, 0)
        step(HL - 2, (HL - 2) % 3, gfire=False)
        step(HL - 1, (HL - 1) % 3, gfire=False)
        wait_s((HL - 1) % 3)

    plsc.subcore_barrier()
    pltpu.sync_copy(
        acc_sh.at[pl.ds(sid * RPS, RPS)],
        out_hbm.at[pl.ds(cid * NPAD + sid * RPS, RPS)],
    )


_sc_built = {}


def _deg_pass(dst):
    if "deg" not in _sc_built:
        mesh = plsc.VectorSubcoreMesh(
            core_axis_name="c", subcore_axis_name="s",
            num_cores=NC, num_subcores=NS)
        _sc_built["deg"] = pl.kernel(
            _deg_body,
            out_type=jax.ShapeDtypeStruct((NC * NPAD,), jnp.float32),
            mesh=mesh,
            scratch_types=[
                pltpu.VMEM((DNCH, DC), jnp.int32),
                pltpu.VMEM((DC,), jnp.float32),
                pltpu.VMEM((DPS,), jnp.float32),
                pltpu.VMEM_SHARED((NPAD,), jnp.float32),
            ] + [pltpu.SemaphoreType.DMA] * DRING,
        )
    return _sc_built["deg"](dst.reshape(NW, DNCH, DC))


def _edge_pass(y, src, dst):
    if "edge" not in _sc_built:
        mesh = plsc.VectorSubcoreMesh(
            core_axis_name="c", subcore_axis_name="s",
            num_cores=NC, num_subcores=NS)
        _sc_built["edge"] = pl.kernel(
            _edge_body,
            out_type=jax.ShapeDtypeStruct((NC * NPAD, D), jnp.float32),
            mesh=mesh,
            scratch_types=[
                pltpu.VMEM((EW,), jnp.int32),
                pltpu.VMEM((HL, C), jnp.int32),
                pltpu.VMEM((C, D), jnp.float32),
                pltpu.VMEM((C, D), jnp.float32),
                pltpu.VMEM((C, D), jnp.float32),
                pltpu.VMEM_SHARED((NPAD, D), jnp.float32),
            ] + [pltpu.SemaphoreType.DMA] * 6,
        )
    return _sc_built["edge"](y, src, dst.reshape(NW, 2, HL, C))


BR = 1000


def _tc_a_body(x_ref, d0_ref, d1_ref, wm0_ref, bm0_ref, wm1_ref, bm1_ref,
               wg0_ref, y_ref, dinv_ref):
    f32 = jnp.float32
    h = jnp.maximum(
        jnp.dot(x_ref[...], wm0_ref[...], preferred_element_type=f32) + bm0_ref[...], 0.0)
    m = jnp.dot(h, wm1_ref[...], preferred_element_type=f32) + bm1_ref[...]
    deg = d0_ref[...] + d1_ref[...] + 1.0
    dinv = lax.rsqrt(jnp.maximum(deg, 1e-12))
    y_ref[...] = dinv * jnp.dot(m, wg0_ref[...], preferred_element_type=f32)
    dinv_ref[...] = dinv


def _tc_b_body(z0_ref, z1_ref, y1_ref, dinv_ref, bg0_ref, wg1_ref, y2_ref):
    z = z0_ref[...] + z1_ref[...] + y1_ref[...]
    h1 = jnp.maximum(dinv_ref[...] * z + bg0_ref[...], 0.0)
    y2_ref[...] = dinv_ref[...] * jnp.dot(
        h1, wg1_ref[...], preferred_element_type=jnp.float32)


def _tc_c_body(z0_ref, z1_ref, y2_ref, dinv_ref, bg1_ref, out_ref):
    out_ref[...] = dinv_ref[...] * (
        z0_ref[...] + z1_ref[...] + y2_ref[...]) + bg1_ref[...]


def _row_spec(cols):
    return pl.BlockSpec((BR, cols), lambda i: (i, 0))


def _full_spec(r, c):
    return pl.BlockSpec((r, c), lambda i: (0, 0))


_tc_a = pl.pallas_call(
    _tc_a_body,
    grid=(N // BR,),
    in_specs=[
        _row_spec(D), _row_spec(1), _row_spec(1),
        _full_spec(128, 256), _full_spec(1, 256),
        _full_spec(256, 128), _full_spec(1, 128),
        _full_spec(128, 128),
    ],
    out_specs=[_row_spec(D), _row_spec(1)],
    out_shape=[
        jax.ShapeDtypeStruct((N, D), jnp.float32),
        jax.ShapeDtypeStruct((N, 1), jnp.float32),
    ],
)

_tc_b = pl.pallas_call(
    _tc_b_body,
    grid=(N // BR,),
    in_specs=[
        _row_spec(D), _row_spec(D), _row_spec(D), _row_spec(1),
        _full_spec(1, 128), _full_spec(128, 128),
    ],
    out_specs=_row_spec(D),
    out_shape=jax.ShapeDtypeStruct((N, D), jnp.float32),
)

_tc_c = pl.pallas_call(
    _tc_c_body,
    grid=(N // BR,),
    in_specs=[
        _row_spec(D), _row_spec(D), _row_spec(D), _row_spec(1),
        _full_spec(1, 128),
    ],
    out_specs=_row_spec(D),
    out_shape=jax.ShapeDtypeStruct((N, D), jnp.float32),
)


def kernel(X, edge_index, Wm0, bm0, Wm1, bm1, Wg0, bg0, Wg1, bg1):
    src = edge_index[0]
    dst = edge_index[1]

    degp = _deg_pass(dst)
    d0 = degp[0:N].reshape(N, 1)
    d1 = degp[NPAD:NPAD + N].reshape(N, 1)

    y1, dinv = _tc_a(X, d0, d1, Wm0, bm0.reshape(1, -1), Wm1,
                     bm1.reshape(1, -1), Wg0)

    zp1 = _edge_pass(y1, src, dst)
    y2 = _tc_b(zp1[:N], zp1[NPAD:NPAD + N], y1, dinv, bg0.reshape(1, -1), Wg1)

    zp2 = _edge_pass(y2, src, dst)
    out = _tc_c(zp2[:N], zp2[NPAD:NPAD + N], y2, dinv, bg1.reshape(1, -1))
    return out

# --- scband reference (transcript-rebuilt; emitter-appended) ---
"""Pipeline reference for scband-weather-prediction-42477226557667 (READ-ONLY COPY).

The authoritative reference and input builder live on the scoring server;
editing this copy changes nothing except your own understanding.
"""

import jax, jax.numpy as jnp
import numpy as np

N = 10000
E = 320000
D_IN = 128
MLP_H = 256
MLP_OUT = 128
GCN_H = 128
GCN_OUT = 128


def setup_inputs(seed: int = 0) -> dict:
    key = jax.random.key(seed)
    ks = jax.random.split(key, 12)
    X = jax.random.normal(ks[0], (N, D_IN), dtype=jnp.float32)
    edge_index = jax.random.randint(ks[1], (2, E), 0, N, dtype=jnp.int32)
    Wm0 = jax.random.normal(ks[2], (D_IN, MLP_H), dtype=jnp.float32) * (1.0 / np.sqrt(D_IN))
    bm0 = jnp.zeros((MLP_H,), dtype=jnp.float32)
    Wm1 = jax.random.normal(ks[3], (MLP_H, MLP_OUT), dtype=jnp.float32) * (1.0 / np.sqrt(MLP_H))
    bm1 = jnp.zeros((MLP_OUT,), dtype=jnp.float32)
    Wg0 = jax.random.normal(ks[4], (MLP_OUT, GCN_H), dtype=jnp.float32) * (1.0 / np.sqrt(MLP_OUT))
    bg0 = jnp.zeros((GCN_H,), dtype=jnp.float32)
    Wg1 = jax.random.normal(ks[5], (GCN_H, GCN_OUT), dtype=jnp.float32) * (1.0 / np.sqrt(GCN_H))
    bg1 = jnp.zeros((GCN_OUT,), dtype=jnp.float32)
    return {"X": X, "edge_index": edge_index, "Wm0": Wm0, "bm0": bm0, "Wm1": Wm1, "bm1": bm1,
            "Wg0": Wg0, "bg0": bg0, "Wg1": Wg1, "bg1": bg1}


def _mlp(X, Wm0, bm0, Wm1, bm1):
    # MLP: Linear -> ReLU -> Linear (hidden_dims=[256], output_dim=128)
    X = jax.nn.relu(X @ Wm0 + bm0)
    X = X @ Wm1 + bm1
    return X


def _gcn_conv(X, edge_index, W, b):
    # GCNConv: X' = D^{-1/2} (A + I) D^{-1/2} X W + b
    n = X.shape[0]
    loop = jnp.arange(n, dtype=edge_index.dtype)
    src = jnp.concatenate([edge_index[0], loop])
    dst = jnp.concatenate([edge_index[1], loop])
    deg = jnp.zeros((n,), dtype=X.dtype).at[dst].add(1.0)
    dinv = jax.lax.rsqrt(jnp.maximum(deg, 1e-12))
    Xw = X @ W
    norm = dinv[src] * dinv[dst]
    msg = Xw[src] * norm[:, None]
    out = jnp.zeros_like(Xw).at[dst].add(msg)
    return out + b


def reference(X, edge_index, Wm0, bm0, Wm1, bm1, Wg0, bg0, Wg1, bg1):
    # Model.forward: optional MLP, then GraphLayer (ConvGCN stack, ReLU between layers,
    # no activation on last layer)
    X = _mlp(X, Wm0, bm0, Wm1, bm1)
    X = jax.nn.relu(_gcn_conv(X, edge_index, Wg0, bg0))
    X = _gcn_conv(X, edge_index, Wg1, bg1)
    return X

if __name__ == "__main__":
    import jax
    _d = setup_inputs()
    print(jax.jit(kernel)(*tuple(_d.values())))

</pallas_src>

<mosaic_0001>
#map = affine_map<(d0, d1) -> (0, 0, 0)>
#map1 = affine_map<(d0, d1) -> (0)>
module attributes {stable_mosaic.version = 14 : i64} {
  func.func @_deg_body(%arg0: i32, %arg1: i32, %arg2: memref<32x125x80xi32, #tpu.memory_space<hbm>>, %arg3: memref<20480xf32, #tpu.memory_space<hbm>>, %arg4: memref<125x80xi32, #tpu.memory_space<vmem>>, %arg5: memref<80xf32, #tpu.memory_space<vmem>>, %arg6: memref<640xf32, #tpu.memory_space<vmem>>, %arg7: memref<10240xf32, #tpu.memory_space<vmem_shared>>, %arg8: memref<!tpu.dma_semaphore, #tpu.memory_space<semaphore_mem>>, %arg9: memref<!tpu.dma_semaphore, #tpu.memory_space<semaphore_mem>>, %arg10: memref<!tpu.dma_semaphore, #tpu.memory_space<semaphore_mem>>, %arg11: memref<!tpu.dma_semaphore, #tpu.memory_space<semaphore_mem>>, %arg12: memref<!tpu.dma_semaphore, #tpu.memory_space<semaphore_mem>>) attributes {dimension_semantics = [#tpu.dimension_semantics<core_parallel>, #tpu.dimension_semantics<subcore_parallel>], iteration_bounds = array<i64: 2, 16>, scalar_prefetch = 0 : i64, scratch_operands = 9 : i64, tpu.core_type = #tpu.core_type<sc_vector_subcore>, window_params = [{transform_indices = #map}, {transform_indices = #map1}]} {
    %mul3A = arith.constant 16 : i32
    %mul3A_0 = arith.muli %arg0, %mul3A : i32
    %add3A = arith.addi %mul3A_0, %arg1 : i32
    %broadcast_in_dim3A = arith.constant 0.000000e+00 : f32
    %broadcast_in_dim3A_1 = vector.broadcast %broadcast_in_dim3A : f32 to vector<16xf32>
    %broadcast_in_dim3A_2 = arith.constant 1.000000e+00 : f32
    %broadcast_in_dim3A_3 = vector.broadcast %broadcast_in_dim3A_2 : f32 to vector<16xf32>
    %scan3A = arith.constant 0 : i32
    %scan3A_4 = arith.constant 0 : i32
    %scan3A_5 = arith.constant 40 : i32
    %scan3A_6 = arith.addi %scan3A_4, %scan3A_5 : i32
    %scan3A_7 = arith.constant 1 : i32
    scf.for %scan3A_102 = %scan3A_4 to %scan3A_6 step %scan3A_7  : i32 {
      %mul3A_103 = arith.constant 16 : i32
      %mul3A_104 = arith.muli %scan3A_102, %mul3A_103 : i32
      %swap3A_105 = arith.index_cast %mul3A_104 : i32 to index
      %swap3A_106 = tpu.vector_load %arg6[%swap3A_105] {strides = array<i32>} : memref<640xf32, #tpu.memory_space<vmem>>, vector<16xf32>,
      %swap3A_107 = vector.shape_cast %swap3A_106 : vector<16xf32> to vector<16xf32>
      %swap3A_108 = vector.shape_cast %broadcast_in_dim3A_1 : vector<16xf32> to vector<16xf32>
      tpu.vector_store %arg6[%swap3A_105], %swap3A_108 {strides = array<i32>} : memref<640xf32, #tpu.memory_space<vmem>>, vector<16xf32>,
    }
    %scan3A_8 = arith.constant 40 : i32
    %swap3A = arith.constant 0 : index
    %swap3A_9 = tpu.vector_load %arg5[%swap3A] {strides = array<i32>} : memref<80xf32, #tpu.memory_space<vmem>>, vector<16xf32>,
    %swap3A_10 = vector.shape_cast %swap3A_9 : vector<16xf32> to vector<16xf32>
    %swap3A_11 = vector.shape_cast %broadcast_in_dim3A_3 : vector<16xf32> to vector<16xf32>
    tpu.vector_store %arg5[%swap3A], %swap3A_11 {strides = array<i32>} : memref<80xf32, #tpu.memory_space<vmem>>, vector<16xf32>,
    %swap3A_12 = arith.constant 16 : index
    %swap3A_13 = tpu.vector_load %arg5[%swap3A_12] {strides = array<i32>} : memref<80xf32, #tpu.memory_space<vmem>>, vector<16xf32>,
    %swap3A_14 = vector.shape_cast %swap3A_13 : vector<16xf32> to vector<16xf32>
    %swap3A_15 = vector.shape_cast %broadcast_in_dim3A_3 : vector<16xf32> to vector<16xf32>
    tpu.vector_store %arg5[%swap3A_12], %swap3A_15 {strides = array<i32>} : memref<80xf32, #tpu.memory_space<vmem>>, vector<16xf32>,
    %swap3A_16 = arith.constant 32 : index
    %swap3A_17 = tpu.vector_load %arg5[%swap3A_16] {strides = array<i32>} : memref<80xf32, #tpu.memory_space<vmem>>, vector<16xf32>,
    %swap3A_18 = vector.shape_cast %swap3A_17 : vector<16xf32> to vector<16xf32>
    %swap3A_19 = vector.shape_cast %broadcast_in_dim3A_3 : vector<16xf32> to vector<16xf32>
    tpu.vector_store %arg5[%swap3A_16], %swap3A_19 {strides = array<i32>} : memref<80xf32, #tpu.memory_space<vmem>>, vector<16xf32>,
    %swap3A_20 = arith.constant 48 : index
    %swap3A_21 = tpu.vector_load %arg5[%swap3A_20] {strides = array<i32>} : memref<80xf32, #tpu.memory_space<vmem>>, vector<16xf32>,
    %swap3A_22 = vector.shape_cast %swap3A_21 : vector<16xf32> to vector<16xf32>
    %swap3A_23 = vector.shape_cast %broadcast_in_dim3A_3 : vector<16xf32> to vector<16xf32>
    tpu.vector_store %arg5[%swap3A_20], %swap3A_23 {strides = array<i32>} : memref<80xf32, #tpu.memory_space<vmem>>, vector<16xf32>,
    %swap3A_24 = arith.constant 64 : index
    %swap3A_25 = tpu.vector_load %arg5[%swap3A_24] {strides = array<i32>} : memref<80xf32, #tpu.memory_space<vmem>>, vector<16xf32>,
    %swap3A_26 = vector.shape_cast %swap3A_25 : vector<16xf32> to vector<16xf32>
    %swap3A_27 = vector.shape_cast %broadcast_in_dim3A_3 : vector<16xf32> to vector<16xf32>
    tpu.vector_store %arg5[%swap3A_24], %swap3A_27 {strides = array<i32>} : memref<80xf32, #tpu.memory_space<vmem>>, vector<16xf32>,
    %mul3A_28 = arith.constant 640 : i32
    %mul3A_29 = arith.muli %arg1, %mul3A_28 : i32
    "tpu.region"() ({
      %run_scoped3A = tpu.sem_alloc : memref<!tpu.dma_semaphore, #tpu.memory_space<semaphore_mem>>
      %dma_start3A_102 = tpu.memref_slice %arg7[%mul3A_29] : memref<10240xf32, #tpu.memory_space<vmem_shared>> -> memref<640xf32, #tpu.memory_space<vmem_shared>>
      %dma_start3A_103 = tpu.memref_slice %arg7[%mul3A_29] : memref<10240xf32, #tpu.memory_space<vmem_shared>> -> memref<640xf32, #tpu.memory_space<vmem_shared>>
      tpu.enqueue_dma source(%arg6 : memref<640xf32, #tpu.memory_space<vmem>>) target(%dma_start3A_103 : memref<640xf32, #tpu.memory_space<vmem_shared>>) target_semaphore(%run_scoped3A : memref<!tpu.dma_semaphore, #tpu.memory_space<semaphore_mem>>)
      %dma_wait3A_104 = tpu.memref_slice %arg7[%mul3A_29] : memref<10240xf32, #tpu.memory_space<vmem_shared>> -> memref<640xf32, #tpu.memory_space<vmem_shared>>
      %dma_wait3A_105 = tpu.memref_slice %arg7[%mul3A_29] : memref<10240xf32, #tpu.memory_space<vmem_shared>> -> memref<640xf32, #tpu.memory_space<vmem_shared>>
      tpu.wait_dma2 semaphore(%run_scoped3A : memref<!tpu.dma_semaphore, #tpu.memory_space<semaphore_mem>>) src(%arg6 : memref<640xf32, #tpu.memory_space<vmem>>) dst(%dma_wait3A_105 : memref<640xf32, #tpu.memory_space<vmem_shared>>)
      tpu.yield
    }) : () -> ()
    "tpu.region"() ({
      %run_scoped3A = tpu.sem_alloc : memref<!tpu.dma_semaphore, #tpu.memory_space<semaphore_mem>>
      %dma_start3A_102 = arith.constant 0 : i32
      %dma_start3A_103 = arith.constant 0 : i32
      %dma_start3A_104 = tpu.memref_slice %arg2[%add3A, %dma_start3A_102, %dma_start3A_103] : memref<32x125x80xi32, #tpu.memory_space<hbm>> -> memref<1x125x80xi32, #tpu.memory_space<hbm>>
      %dma_start3A_105 = tpu.memref_squeeze %dma_start3A_104 : memref<1x125x80xi32, #tpu.memory_space<hbm>> -> memref<125x80xi32, #tpu.memory_space<hbm>>
      %dma_start3A_106 = arith.constant 0 : i32
      %dma_start3A_107 = arith.constant 0 : i32
      %dma_start3A_108 = tpu.memref_slice %arg2[%add3A, %dma_start3A_106, %dma_start3A_107] : memref<32x125x80xi32, #tpu.memory_space<hbm>> -> memref<1x125x80xi32, #tpu.memory_space<hbm>>
      %dma_start3A_109 = tpu.memref_squeeze %dma_start3A_108 : memref<1x125x80xi32, #tpu.memory_space<hbm>> -> memref<125x80xi32, #tpu.memory_space<hbm>>
      tpu.enqueue_dma source(%dma_start3A_109 : memref<125x80xi32, #tpu.memory_space<hbm>>) target(%arg4 : memref<125x80xi32, #tpu.memory_space<vmem>>) target_semaphore(%run_scoped3A : memref<!tpu.dma_semaphore, #tpu.memory_space<semaphore_mem>>)
      %dma_wait3A_110 = arith.constant 0 : i32
      %dma_wait3A_111 = arith.constant 0 : i32
      %dma_wait3A_112 = tpu.memref_slice %arg2[%add3A, %dma_wait3A_110, %dma_wait3A_111] : memref<32x125x80xi32, #tpu.memory_space<hbm>> -> memref<1x125x80xi32, #tpu.memory_space<hbm>>
      %dma_wait3A_113 = tpu.memref_squeeze %dma_wait3A_112 : memref<1x125x80xi32, #tpu.memory_space<hbm>> -> memref<125x80xi32, #tpu.memory_space<hbm>>
      %dma_wait3A_114 = arith.constant 0 : i32
      %dma_wait3A_115 = arith.constant 0 : i32
      %dma_wait3A_116 = tpu.memref_slice %arg2[%add3A, %dma_wait3A_114, %dma_wait3A_115] : memref<32x125x80xi32, #tpu.memory_space<hbm>> -> memref<1x125x80xi32, #tpu.memory_space<hbm>>
      %dma_wait3A_117 = tpu.memref_squeeze %dma_wait3A_116 : memref<1x125x80xi32, #tpu.memory_space<hbm>> -> memref<125x80xi32, #tpu.memory_space<hbm>>
      tpu.wait_dma2 semaphore(%run_scoped3A : memref<!tpu.dma_semaphore, #tpu.memory_space<semaphore_mem>>) src(%dma_wait3A_117 : memref<125x80xi32, #tpu.memory_space<hbm>>) dst(%arg4 : memref<125x80xi32, #tpu.memory_space<vmem>>)
      tpu.yield
    }) : () -> ()
    %barrier3A = arith.constant 0 : index
    tpu.barrier barrier_id(%barrier3A)
    %dma_start3A = arith.constant 0 : i32
    %dma_start3A_30 = arith.constant 0 : i32
    %dma_start3A_31 = tpu.memref_slice %arg4[%dma_start3A, %dma_start3A_30] : memref<125x80xi32, #tpu.memory_space<vmem>> -> memref<1x80xi32, #tpu.memory_space<vmem>>
    %dma_start3A_32 = tpu.memref_squeeze %dma_start3A_31 : memref<1x80xi32, #tpu.memory_space<vmem>> -> memref<80xi32, #tpu.memory_space<vmem>>
    %dma_start3A_33 = arith.constant 0 : i32
    %dma_start3A_34 = tpu.memref_slice %arg7[%dma_start3A_33] : memref<10240xf32, #tpu.memory_space<vmem_shared>> -> memref<10240xf32, #tpu.memory_space<vmem_shared>>
    tpu.enqueue_indirect_dma source(%arg5 : memref<80xf32, #tpu.memory_space<vmem>>) target(%dma_start3A_34 : memref<10240xf32, #tpu.memory_space<vmem_shared>>) offsets(%dma_start3A_32 : memref<80xi32, #tpu.memory_space<vmem>>) semaphore(%arg8 : memref<!tpu.dma_semaphore, #tpu.memory_space<semaphore_mem>>) {add = true}
    %dma_start3A_35 = arith.constant 1 : i32
    %dma_start3A_36 = arith.constant 0 : i32
    %dma_start3A_37 = tpu.memref_slice %arg4[%dma_start3A_35, %dma_start3A_36] : memref<125x80xi32, #tpu.memory_space<vmem>> -> memref<1x80xi32, #tpu.memory_space<vmem>>
    %dma_start3A_38 = tpu.memref_squeeze %dma_start3A_37 : memref<1x80xi32, #tpu.memory_space<vmem>> -> memref<80xi32, #tpu.memory_space<vmem>>
    %dma_start3A_39 = arith.constant 0 : i32
    %dma_start3A_40 = tpu.memref_slice %arg7[%dma_start3A_39] : memref<10240xf32, #tpu.memory_space<vmem_shared>> -> memref<10240xf32, #tpu.memory_space<vmem_shared>>
    tpu.enqueue_indirect_dma source(%arg5 : memref<80xf32, #tpu.memory_space<vmem>>) target(%dma_start3A_40 : memref<10240xf32, #tpu.memory_space<vmem_shared>>) offsets(%dma_start3A_38 : memref<80xi32, #tpu.memory_space<vmem>>) semaphore(%arg9 : memref<!tpu.dma_semaphore, #tpu.memory_space<semaphore_mem>>) {add = true}
    %dma_start3A_41 = arith.constant 2 : i32
    %dma_start3A_42 = arith.constant 0 : i32
    %dma_start3A_43 = tpu.memref_slice %arg4[%dma_start3A_41, %dma_start3A_42] : memref<125x80xi32, #tpu.memory_space<vmem>> -> memref<1x80xi32, #tpu.memory_space<vmem>>
    %dma_start3A_44 = tpu.memref_squeeze %dma_start3A_43 : memref<1x80xi32, #tpu.memory_space<vmem>> -> memref<80xi32, #tpu.memory_space<vmem>>
    %dma_start3A_45 = arith.constant 0 : i32
    %dma_start3A_46 = tpu.memref_slice %arg7[%dma_start3A_45] : memref<10240xf32, #tpu.memory_space<vmem_shared>> -> memref<10240xf32, #tpu.memory_space<vmem_shared>>
    tpu.enqueue_indirect_dma source(%arg5 : memref<80xf32, #tpu.memory_space<vmem>>) target(%dma_start3A_46 : memref<10240xf32, #tpu.memory_space<vmem_shared>>) offsets(%dma_start3A_44 : memref<80xi32, #tpu.memory_space<vmem>>) semaphore(%arg10 : memref<!tpu.dma_semaphore, #tpu.memory_space<semaphore_mem>>) {add = true}
    %dma_start3A_47 = arith.constant 3 : i32
    %dma_start3A_48 = arith.constant 0 : i32
    %dma_start3A_49 = tpu.memref_slice %arg4[%dma_start3A_47, %dma_start3A_48] : memref<125x80xi32, #tpu.memory_space<vmem>> -> memref<1x80xi32, #tpu.memory_space<vmem>>
    %dma_start3A_50 = tpu.memref_squeeze %dma_start3A_49 : memref<1x80xi32, #tpu.memory_space<vmem>> -> memref<80xi32, #tpu.memory_space<vmem>>
    %dma_start3A_51 = arith.constant 0 : i32
    %dma_start3A_52 = tpu.memref_slice %arg7[%dma_start3A_51] : memref<10240xf32, #tpu.memory_space<vmem_shared>> -> memref<10240xf32, #tpu.memory_space<vmem_shared>>
    tpu.enqueue_indirect_dma source(%arg5 : memref<80xf32, #tpu.memory_space<vmem>>) target(%dma_start3A_52 : memref<10240xf32, #tpu.memory_space<vmem_shared>>) offsets(%dma_start3A_50 : memref<80xi32, #tpu.memory_space<vmem>>) semaphore(%arg11 : memref<!tpu.dma_semaphore, #tpu.memory_space<semaphore_mem>>) {add = true}
    %dma_start3A_53 = arith.constant 4 : i32
    %dma_start3A_54 = arith.constant 0 : i32
    %dma_start3A_55 = tpu.memref_slice %arg4[%dma_start3A_53, %dma_start3A_54] : memref<125x80xi32, #tpu.memory_space<vmem>> -> memref<1x80xi32, #tpu.memory_space<vmem>>
    %dma_start3A_56 = tpu.memref_squeeze %dma_start3A_55 : memref<1x80xi32, #tpu.memory_space<vmem>> -> memref<80xi32, #tpu.memory_space<vmem>>
    %dma_start3A_57 = arith.constant 0 : i32
    %dma_start3A_58 = tpu.memref_slice %arg7[%dma_start3A_57] : memref<10240xf32, #tpu.memory_space<vmem_shared>> -> memref<10240xf32, #tpu.memory_space<vmem_shared>>
    tpu.enqueue_indirect_dma source(%arg5 : memref<80xf32, #tpu.memory_space<vmem>>) target(%dma_start3A_58 : memref<10240xf32, #tpu.memory_space<vmem_shared>>) offsets(%dma_start3A_56 : memref<80xi32, #tpu.memory_space<vmem>>) semaphore(%arg12 : memref<!tpu.dma_semaphore, #tpu.memory_space<semaphore_mem>>) {add = true}
    %scan3A_59 = arith.constant 0 : i32
    %scan3A_60 = arith.constant 1 : i32
    %scan3A_61 = arith.constant 24 : i32
    %scan3A_62 = arith.addi %scan3A_60, %scan3A_61 : i32
    %scan3A_63 = arith.constant 1 : i32
    scf.for %scan3A_102 = %scan3A_60 to %scan3A_62 step %scan3A_63  : i32 {
      %dma_wait3A_103 = arith.constant 0 : i32
      %dma_wait3A_104 = arith.constant 0 : i32
      %dma_wait3A_105 = tpu.memref_slice %arg4[%dma_wait3A_103, %dma_wait3A_104] : memref<125x80xi32, #tpu.memory_space<vmem>> -> memref<1x80xi32, #tpu.memory_space<vmem>>
      %dma_wait3A_106 = tpu.memref_squeeze %dma_wait3A_105 : memref<1x80xi32, #tpu.memory_space<vmem>> -> memref<80xi32, #tpu.memory_space<vmem>>
      %dma_wait3A_107 = arith.constant 0 : i32
      %dma_wait3A_108 = tpu.memref_slice %arg7[%dma_wait3A_107] : memref<10240xf32, #tpu.memory_space<vmem_shared>> -> memref<10240xf32, #tpu.memory_space<vmem_shared>>
      tpu.wait_indirect_dma semaphore(%arg8 : memref<!tpu.dma_semaphore, #tpu.memory_space<semaphore_mem>>) src(%arg5 : memref<80xf32, #tpu.memory_space<vmem>>) dst(%dma_wait3A_108 : memref<10240xf32, #tpu.memory_space<vmem_shared>>)
      %mul3A_109 = arith.constant 5 : i32
      %mul3A_110 = arith.muli %scan3A_102, %mul3A_109 : i32
      %add3A_111 = arith.constant 0 : i32
      %add3A_112 = arith.addi %mul3A_110, %add3A_111 : i32
      %dma_start3A_113 = arith.constant 0 : i32
      %dma_start3A_114 = tpu.memref_slice %arg4[%add3A_112, %dma_start3A_113] : memref<125x80xi32, #tpu.memory_space<vmem>> -> memref<1x80xi32, #tpu.memory_space<vmem>>
      %dma_start3A_115 = tpu.memref_squeeze %dma_start3A_114 : memref<1x80xi32, #tpu.memory_space<vmem>> -> memref<80xi32, #tpu.memory_space<vmem>>
      %dma_start3A_116 = arith.constant 0 : i32
      %dma_start3A_117 = tpu.memref_slice %arg7[%dma_start3A_116] : memref<10240xf32, #tpu.memory_space<vmem_shared>> -> memref<10240xf32, #tpu.memory_space<vmem_shared>>
      tpu.enqueue_indirect_dma source(%arg5 : memref<80xf32, #tpu.memory_space<vmem>>) target(%dma_start3A_117 : memref<10240xf32, #tpu.memory_space<vmem_shared>>) offsets(%dma_start3A_115 : memref<80xi32, #tpu.memory_space<vmem>>) semaphore(%arg8 : memref<!tpu.dma_semaphore, #tpu.memory_space<semaphore_mem>>) {add = true}
      %dma_wait3A_118 = arith.constant 0 : i32
      %dma_wait3A_119 = arith.constant 0 : i32
      %dma_wait3A_120 = tpu.memref_slice %arg4[%dma_wait3A_118, %dma_wait3A_119] : memref<125x80xi32, #tpu.memory_space<vmem>> -> memref<1x80xi32, #tpu.memory_space<vmem>>
      %dma_wait3A_121 = tpu.memref_squeeze %dma_wait3A_120 : memref<1x80xi32, #tpu.memory_space<vmem>> -> memref<80xi32, #tpu.memory_space<vmem>>
      %dma_wait3A_122 = arith.constant 0 : i32
      %dma_wait3A_123 = tpu.memref_slice %arg7[%dma_wait3A_122] : memref<10240xf32, #tpu.memory_space<vmem_shared>> -> memref<10240xf32, #tpu.memory_space<vmem_shared>>
      tpu.wait_indirect_dma semaphore(%arg9 : memref<!tpu.dma_semaphore, #tpu.memory_space<semaphore_mem>>) src(%arg5 : memref<80xf32, #tpu.memory_space<vmem>>) dst(%dma_wait3A_123 : memref<10240xf32, #tpu.memory_space<vmem_shared>>)
      %mul3A_124 = arith.constant 5 : i32
      %mul3A_125 = arith.muli %scan3A_102, %mul3A_124 : i32
      %add3A_126 = arith.constant 1 : i32
      %add3A_127 = arith.addi %mul3A_125, %add3A_126 : i32
      %dma_start3A_128 = arith.constant 0 : i32
      %dma_start3A_129 = tpu.memref_slice %arg4[%add3A_127, %dma_start3A_128] : memref<125x80xi32, #tpu.memory_space<vmem>> -> memref<1x80xi32, #tpu.memory_space<vmem>>
      %dma_start3A_130 = tpu.memref_squeeze %dma_start3A_129 : memref<1x80xi32, #tpu.memory_space<vmem>> -> memref<80xi32, #tpu.memory_space<vmem>>
      %dma_start3A_131 = arith.constant 0 : i32
      %dma_start3A_132 = tpu.memref_slice %arg7[%dma_start3A_131] : memref<10240xf32, #tpu.memory_space<vmem_shared>> -> memref<10240xf32, #tpu.memory_space<vmem_shared>>
      tpu.enqueue_indirect_dma source(%arg5 : memref<80xf32, #tpu.memory_space<vmem>>) target(%dma_start3A_132 : memref<10240xf32, #tpu.memory_space<vmem_shared>>) offsets(%dma_start3A_130 : memref<80xi32, #tpu.memory_space<vmem>>) semaphore(%arg9 : memref<!tpu.dma_semaphore, #tpu.memory_space<semaphore_mem>>) {add = true}
      %dma_wait3A_133 = arith.constant 0 : i32
      %dma_wait3A_134 = arith.constant 0 : i32
      %dma_wait3A_135 = tpu.memref_slice %arg4[%dma_wait3A_133, %dma_wait3A_134] : memref<125x80xi32, #tpu.memory_space<vmem>> -> memref<1x80xi32, #tpu.memory_space<vmem>>
      %dma_wait3A_136 = tpu.memref_squeeze %dma_wait3A_135 : memref<1x80xi32, #tpu.memory_space<vmem>> -> memref<80xi32, #tpu.memory_space<vmem>>
      %dma_wait3A_137 = arith.constant 0 : i32
      %dma_wait3A_138 = tpu.memref_slice %arg7[%dma_wait3A_137] : memref<10240xf32, #tpu.memory_space<vmem_shared>> -> memref<10240xf32, #tpu.memory_space<vmem_shared>>
      tpu.wait_indirect_dma semaphore(%arg10 : memref<!tpu.dma_semaphore, #tpu.memory_space<semaphore_mem>>) src(%arg5 : memref<80xf32, #tpu.memory_space<vmem>>) dst(%dma_wait3A_138 : memref<10240xf32, #tpu.memory_space<vmem_shared>>)
      %mul3A_139 = arith.constant 5 : i32
      %mul3A_140 = arith.muli %scan3A_102, %mul3A_139 : i32
      %add3A_141 = arith.constant 2 : i32
      %add3A_142 = arith.addi %mul3A_140, %add3A_141 : i32
      %dma_start3A_143 = arith.constant 0 : i32
      %dma_start3A_144 = tpu.memref_slice %arg4[%add3A_142, %dma_start3A_143] : memref<125x80xi32, #tpu.memory_space<vmem>> -> memref<1x80xi32, #tpu.memory_space<vmem>>
      %dma_start3A_145 = tpu.memref_squeeze %dma_start3A_144 : memref<1x80xi32, #tpu.memory_space<vmem>> -> memref<80xi32, #tpu.memory_space<vmem>>
      %dma_start3A_146 = arith.constant 0 : i32
      %dma_start3A_147 = tpu.memref_slice %arg7[%dma_start3A_146] : memref<10240xf32, #tpu.memory_space<vmem_shared>> -> memref<10240xf32, #tpu.memory_space<vmem_shared>>
      tpu.enqueue_indirect_dma source(%arg5 : memref<80xf32, #tpu.memory_space<vmem>>) target(%dma_start3A_147 : memref<10240xf32, #tpu.memory_space<vmem_shared>>) offsets(%dma_start3A_145 : memref<80xi32, #tpu.memory_space<vmem>>) semaphore(%arg10 : memref<!tpu.dma_semaphore, #tpu.memory_space<semaphore_mem>>) {add = true}
      %dma_wait3A_148 = arith.constant 0 : i32
      %dma_wait3A_149 = arith.constant 0 : i32
      %dma_wait3A_150 = tpu.memref_slice %arg4[%dma_wait3A_148, %dma_wait3A_149] : memref<125x80xi32, #tpu.memory_space<vmem>> -> memref<1x80xi32, #tpu.memory_space<vmem>>
      %dma_wait3A_151 = tpu.memref_squeeze %dma_wait3A_150 : memref<1x80xi32, #tpu.memory_space<vmem>> -> memref<80xi32, #tpu.memory_space<vmem>>
      %dma_wait3A_152 = arith.constant 0 : i32
      %dma_wait3A_153 = tpu.memref_slice %arg7[%dma_wait3A_152] : memref<10240xf32, #tpu.memory_space<vmem_shared>> -> memref<10240xf32, #tpu.memory_space<vmem_shared>>
      tpu.wait_indirect_dma semaphore(%arg11 : memref<!tpu.dma_semaphore, #tpu.memory_space<semaphore_mem>>) src(%arg5 : memref<80xf32, #tpu.memory_space<vmem>>) dst(%dma_wait3A_153 : memref<10240xf32, #tpu.memory_space<vmem_shared>>)
      %mul3A_154 = arith.constant 5 : i32
      %mul3A_155 = arith.muli %scan3A_102, %mul3A_154 : i32
      %add3A_156 = arith.constant 3 : i32
      %add3A_157 = arith.addi %mul3A_155, %add3A_156 : i32
      %dma_start3A_158 = arith.constant 0 : i32
      %dma_start3A_159 = tpu.memref_slice %arg4[%add3A_157, %dma_start3A_158] : memref<125x80xi32, #tpu.memory_space<vmem>> -> memref<1x80xi32, #tpu.memory_space<vmem>>
      %dma_start3A_160 = tpu.memref_squeeze %dma_start3A_159 : memref<1x80xi32, #tpu.memory_space<vmem>> -> memref<80xi32, #tpu.memory_space<vmem>>
      %dma_start3A_161 = arith.constant 0 : i32
      %dma_start3A_162 = tpu.memref_slice %arg7[%dma_start3A_161] : memref<10240xf32, #tpu.memory_space<vmem_shared>> -> memref<10240xf32, #tpu.memory_space<vmem_shared>>
      tpu.enqueue_indirect_dma source(%arg5 : memref<80xf32, #tpu.memory_space<vmem>>) target(%dma_start3A_162 : memref<10240xf32, #tpu.memory_space<vmem_shared>>) offsets(%dma_start3A_160 : memref<80xi32, #tpu.memory_space<vmem>>) semaphore(%arg11 : memref<!tpu.dma_semaphore, #tpu.memory_space<semaphore_mem>>) {add = true}
      %dma_wait3A_163 = arith.constant 0 : i32
      %dma_wait3A_164 = arith.constant 0 : i32
      %dma_wait3A_165 = tpu.memref_slice %arg4[%dma_wait3A_163, %dma_wait3A_164] : memref<125x80xi32, #tpu.memory_space<vmem>> -> memref<1x80xi32, #tpu.memory_space<vmem>>
      %dma_wait3A_166 = tpu.memref_squeeze %dma_wait3A_165 : memref<1x80xi32, #tpu.memory_space<vmem>> -> memref<80xi32, #tpu.memory_space<vmem>>
      %dma_wait3A_167 = arith.constant 0 : i32
      %dma_wait3A_168 = tpu.memref_slice %arg7[%dma_wait3A_167] : memref<10240xf32, #tpu.memory_space<vmem_shared>> -> memref<10240xf32, #tpu.memory_space<vmem_shared>>
      tpu.wait_indirect_dma semaphore(%arg12 : memref<!tpu.dma_semaphore, #tpu.memory_space<semaphore_mem>>) src(%arg5 : memref<80xf32, #tpu.memory_space<vmem>>) dst(%dma_wait3A_168 : memref<10240xf32, #tpu.memory_space<vmem_shared>>)
      %mul3A_169 = arith.constant 5 : i32
      %mul3A_170 = arith.muli %scan3A_102, %mul3A_169 : i32
      %add3A_171 = arith.constant 4 : i32
      %add3A_172 = arith.addi %mul3A_170, %add3A_171 : i32
      %dma_start3A_173 = arith.constant 0 : i32
      %dma_start3A_174 = tpu.memref_slice %arg4[%add3A_172, %dma_start3A_173] : memref<125x80xi32, #tpu.memory_space<vmem>> -> memref<1x80xi32, #tpu.memory_space<vmem>>
      %dma_start3A_175 = tpu.memref_squeeze %dma_start3A_174 : memref<1x80xi32, #tpu.memory_space<vmem>> -> memref<80xi32, #tpu.memory_space<vmem>>
      %dma_start3A_176 = arith.constant 0 : i32
      %dma_start3A_177 = tpu.memref_slice %arg7[%dma_start3A_176] : memref<10240xf32, #tpu.memory_space<vmem_shared>> -> memref<10240xf32, #tpu.memory_space<vmem_shared>>
      tpu.enqueue_indirect_dma source(%arg5 : memref<80xf32, #tpu.memory_space<vmem>>) target(%dma_start3A_177 : memref<10240xf32, #tpu.memory_space<vmem_shared>>) offsets(%dma_start3A_175 : memref<80xi32, #tpu.memory_space<vmem>>) semaphore(%arg12 : memref<!tpu.dma_semaphore, #tpu.memory_space<semaphore_mem>>) {add = true}
    }
    %scan3A_64 = arith.constant 24 : i32
    %dma_wait3A = arith.constant 0 : i32
    %dma_wait3A_65 = arith.constant 0 : i32
    %dma_wait3A_66 = tpu.memref_slice %arg4[%dma_wait3A, %dma_wait3A_65] : memref<125x80xi32, #tpu.memory_space<vmem>> -> memref<1x80xi32, #tpu.memory_space<vmem>>
    %dma_wait3A_67 = tpu.memref_squeeze %dma_wait3A_66 : memref<1x80xi32, #tpu.memory_space<vmem>> -> memref<80xi32, #tpu.memory_space<vmem>>
    %dma_wait3A_68 = arith.constant 0 : i32
    %dma_wait3A_69 = tpu.memref_slice %arg7[%dma_wait3A_68] : memref<10240xf32, #tpu.memory_space<vmem_shared>> -> memref<10240xf32, #tpu.memory_space<vmem_shared>>
    tpu.wait_indirect_dma semaphore(%arg8 : memref<!tpu.dma_semaphore, #tpu.memory_space<semaphore_mem>>) src(%arg5 : memref<80xf32, #tpu.memory_space<vmem>>) dst(%dma_wait3A_69 : memref<10240xf32, #tpu.memory_space<vmem_shared>>)
    %dma_wait3A_70 = arith.constant 0 : i32
    %dma_wait3A_71 = arith.constant 0 : i32
    %dma_wait3A_72 = tpu.memref_slice %arg4[%dma_wait3A_70, %dma_wait3A_71] : memref<125x80xi32, #tpu.memory_space<vmem>> -> memref<1x80xi32, #tpu.memory_space<vmem>>
    %dma_wait3A_73 = tpu.memref_squeeze %dma_wait3A_72 : memref<1x80xi32, #tpu.memory_space<vmem>> -> memref<80xi32, #tpu.memory_space<vmem>>
    %dma_wait3A_74 = arith.constant 0 : i32
    %dma_wait3A_75 = tpu.memref_slice %arg7[%dma_wait3A_74] : memref<10240xf32, #tpu.memory_space<vmem_shared>> -> memref<10240xf32, #tpu.memory_space<vmem_shared>>
    tpu.wait_indirect_dma semaphore(%arg9 : memref<!tpu.dma_semaphore, #tpu.memory_space<semaphore_mem>>) src(%arg5 : memref<80xf32, #tpu.memory_space<vmem>>) dst(%dma_wait3A_75 : memref<10240xf32, #tpu.memory_space<vmem_shared>>)
    %dma_wait3A_76 = arith.constant 0 : i32
    %dma_wait3A_77 = arith.constant 0 : i32
    %dma_wait3A_78 = tpu.memref_slice %arg4[%dma_wait3A_76, %dma_wait3A_77] : memref<125x80xi32, #tpu.memory_space<vmem>> -> memref<1x80xi32, #tpu.memory_space<vmem>>
    %dma_wait3A_79 = tpu.memref_squeeze %dma_wait3A_78 : memref<1x80xi32, #tpu.memory_space<vmem>> -> memref<80xi32, #tpu.memory_space<vmem>>
    %dma_wait3A_80 = arith.constant 0 : i32
    %dma_wait3A_81 = tpu.memref_slice %arg7[%dma_wait3A_80] : memref<10240xf32, #tpu.memory_space<vmem_shared>> -> memref<10240xf32, #tpu.memory_space<vmem_shared>>
    tpu.wait_indirect_dma semaphore(%arg10 : memref<!tpu.dma_semaphore, #tpu.memory_space<semaphore_mem>>) src(%arg5 : memref<80xf32, #tpu.memory_space<vmem>>) dst(%dma_wait3A_81 : memref<10240xf32, #tpu.memory_space<vmem_shared>>)
    %dma_wait3A_82 = arith.constant 0 : i32
    %dma_wait3A_83 = arith.constant 0 : i32
    %dma_wait3A_84 = tpu.memref_slice %arg4[%dma_wait3A_82, %dma_wait3A_83] : memref<125x80xi32, #tpu.memory_space<vmem>> -> memref<1x80xi32, #tpu.memory_space<vmem>>
    %dma_wait3A_85 = tpu.memref_squeeze %dma_wait3A_84 : memref<1x80xi32, #tpu.memory_space<vmem>> -> memref<80xi32, #tpu.memory_space<vmem>>
    %dma_wait3A_86 = arith.constant 0 : i32
    %dma_wait3A_87 = tpu.memref_slice %arg7[%dma_wait3A_86] : memref<10240xf32, #tpu.memory_space<vmem_shared>> -> memref<10240xf32, #tpu.memory_space<vmem_shared>>
    tpu.wait_indirect_dma semaphore(%arg11 : memref<!tpu.dma_semaphore, #tpu.memory_space<semaphore_mem>>) src(%arg5 : memref<80xf32, #tpu.memory_space<vmem>>) dst(%dma_wait3A_87 : memref<10240xf32, #tpu.memory_space<vmem_shared>>)
    %dma_wait3A_88 = arith.constant 0 : i32
    %dma_wait3A_89 = arith.constant 0 : i32
    %dma_wait3A_90 = tpu.memref_slice %arg4[%dma_wait3A_88, %dma_wait3A_89] : memref<125x80xi32, #tpu.memory_space<vmem>> -> memref<1x80xi32, #tpu.memory_space<vmem>>
    %dma_wait3A_91 = tpu.memref_squeeze %dma_wait3A_90 : memref<1x80xi32, #tpu.memory_space<vmem>> -> memref<80xi32, #tpu.memory_space<vmem>>
    %dma_wait3A_92 = arith.constant 0 : i32
    %dma_wait3A_93 = tpu.memref_slice %arg7[%dma_wait3A_92] : memref<10240xf32, #tpu.memory_space<vmem_shared>> -> memref<10240xf32, #tpu.memory_space<vmem_shared>>
    tpu.wait_indirect_dma semaphore(%arg12 : memref<!tpu.dma_semaphore, #tpu.memory_space<semaphore_mem>>) src(%arg5 : memref<80xf32, #tpu.memory_space<vmem>>) dst(%dma_wait3A_93 : memref<10240xf32, #tpu.memory_space<vmem_shared>>)
    %barrier3A_94 = arith.constant 0 : index
    tpu.barrier barrier_id(%barrier3A_94)
    %mul3A_95 = arith.constant 640 : i32
    %mul3A_96 = arith.muli %arg1, %mul3A_95 : i32
    %mul3A_97 = arith.constant 10240 : i32
    %mul3A_98 = arith.muli %arg0, %mul3A_97 : i32
    %mul3A_99 = arith.constant 640 : i32
    %mul3A_100 = arith.muli %arg1, %mul3A_99 : i32
    %add3A_101 = arith.addi %mul3A_98, %mul3A_100 : i32
    "tpu.region"() ({
      %run_scoped3A = tpu.sem_alloc : memref<!tpu.dma_semaphore, #tpu.memory_space<semaphore_mem>>
      %dma_start3A_102 = tpu.memref_slice %arg3[%add3A_101] : memref<20480xf32, #tpu.memory_space<hbm>> -> memref<640xf32, #tpu.memory_space<hbm>>
      %dma_start3A_103 = tpu.memref_slice %arg7[%mul3A_96] : memref<10240xf32, #tpu.memory_space<vmem_shared>> -> memref<640xf32, #tpu.memory_space<vmem_shared>>
      tpu.enqueue_dma source(%dma_start3A_103 : memref<640xf32, #tpu.memory_space<vmem_shared>>) target(%dma_start3A_102 : memref<640xf32, #tpu.memory_space<hbm>>) target_semaphore(%run_scoped3A : memref<!tpu.dma_semaphore, #tpu.memory_space<semaphore_mem>>)
      %dma_wait3A_104 = tpu.memref_slice %arg3[%add3A_101] : memref<20480xf32, #tpu.memory_space<hbm>> -> memref<640xf32, #tpu.memory_space<hbm>>
      %dma_wait3A_105 = tpu.memref_slice %arg7[%mul3A_96] : memref<10240xf32, #tpu.memory_space<vmem_shared>> -> memref<640xf32, #tpu.memory_space<vmem_shared>>
      tpu.wait_dma2 semaphore(%run_scoped3A : memref<!tpu.dma_semaphore, #tpu.memory_space<semaphore_mem>>) src(%dma_wait3A_105 : memref<640xf32, #tpu.memory_space<vmem_shared>>) dst(%dma_wait3A_104 : memref<640xf32, #tpu.memory_space<hbm>>)
      tpu.yield
    }) : () -> ()
    return
  }
}

#map = affine_map<(d0, d1) -> (0, 0)>
#map1 = affine_map<(d0, d1) -> (0)>
#map2 = affine_map<(d0, d1) -> (0, 0, 0, 0)>
module attributes {stable_mosaic.version = 14 : i64} {
  func.func @_edge_body(%arg0: i32, %arg1: i32, %arg2: memref<10000x128xf32, #tpu.memory_space<hbm>>, %arg3: memref<320000xi32, #tpu.memory_space<hbm>>, %arg4: memref<32x2x125x40xi32, #tpu.memory_space<hbm>>, %arg5: memref<20480x128xf32, #tpu.memory_space<hbm>>, %arg6: memref<10000xi32, #tpu.memory_space<vmem>>, %arg7: memref<125x40xi32, #tpu.memory_space<vmem>>, %arg8: memref<40x128xf32, #tpu.memory_space<vmem>>, %arg9: memref<40x128xf32, #tpu.memory_space<vmem>>, %arg10: memref<40x128xf32, #tpu.memory_space<vmem>>, %arg11: memref<10240x128xf32, #tpu.memory_space<vmem_shared>>, %arg12: memref<!tpu.dma_semaphore, #tpu.memory_space<semaphore_mem>>, %arg13: memref<!tpu.dma_semaphore, #tpu.memory_space<semaphore_mem>>, %arg14: memref<!tpu.dma_semaphore, #tpu.memory_space<semaphore_mem>>, %arg15: memref<!tpu.dma_semaphore, #tpu.memory_space<semaphore_mem>>, %arg16: memref<!tpu.dma_semaphore, #tpu.memory_space<semaphore_mem>>, %arg17: memref<!tpu.dma_semaphore, #tpu.memory_space<semaphore_mem>>) attributes {dimension_semantics = [#tpu.dimension_semantics<core_parallel>, #tpu.dimension_semantics<subcore_parallel>], iteration_bounds = array<i64: 2, 16>, scalar_prefetch = 0 : i64, scratch_operands = 12 : i64, tpu.core_type = #tpu.core_type<sc_vector_subcore>, window_params = [{transform_indices = #map}, {transform_indices = #map1}, {transform_indices = #map2}, {transform_indices = #map}]} {
    %mul3A = arith.constant 16 : i32
    %mul3A_0 = arith.muli %arg0, %mul3A : i32
    %add3A = arith.addi %mul3A_0, %arg1 : i32
    %broadcast_in_dim3A = arith.constant 0.000000e+00 : f32
    %broadcast_in_dim3A_1 = vector.broadcast %broadcast_in_dim3A : f32 to vector<16xf32>
    %scan3A = arith.constant 0 : i32
    %scan3A_2 = arith.constant 0 : i32
    %scan3A_3 = arith.constant 40 : i32
    %scan3A_4 = arith.addi %scan3A_2, %scan3A_3 : i32
    %scan3A_5 = arith.constant 1 : i32
    scf.for %scan3A_274 = %scan3A_2 to %scan3A_4 step %scan3A_5  : i32 {
      %swap3A = arith.index_cast %scan3A_274 : i32 to index
      %swap3A_275 = arith.constant 0 : index
      %swap3A_276 = tpu.vector_load %arg8[%swap3A, %swap3A_275] {strides = array<i32>} : memref<40x128xf32, #tpu.memory_space<vmem>>, vector<1x16xf32>,
      %swap3A_277 = vector.shape_cast %swap3A_276 : vector<1x16xf32> to vector<16xf32>
      %swap3A_278 = vector.shape_cast %broadcast_in_dim3A_1 : vector<16xf32> to vector<1x16xf32>
      tpu.vector_store %arg8[%swap3A, %swap3A_275], %swap3A_278 {strides = array<i32>} : memref<40x128xf32, #tpu.memory_space<vmem>>, vector<1x16xf32>,
      %swap3A_279 = arith.index_cast %scan3A_274 : i32 to index
      %swap3A_280 = arith.constant 16 : index
      %swap3A_281 = tpu.vector_load %arg8[%swap3A_279, %swap3A_280] {strides = array<i32>} : memref<40x128xf32, #tpu.memory_space<vmem>>, vector<1x16xf32>,
      %swap3A_282 = vector.shape_cast %swap3A_281 : vector<1x16xf32> to vector<16xf32>
      %swap3A_283 = vector.shape_cast %broadcast_in_dim3A_1 : vector<16xf32> to vector<1x16xf32>
      tpu.vector_store %arg8[%swap3A_279, %swap3A_280], %swap3A_283 {strides = array<i32>} : memref<40x128xf32, #tpu.memory_space<vmem>>, vector<1x16xf32>,
      %swap3A_284 = arith.index_cast %scan3A_274 : i32 to index
      %swap3A_285 = arith.constant 32 : index
      %swap3A_286 = tpu.vector_load %arg8[%swap3A_284, %swap3A_285] {strides = array<i32>} : memref<40x128xf32, #tpu.memory_space<vmem>>, vector<1x16xf32>,
      %swap3A_287 = vector.shape_cast %swap3A_286 : vector<1x16xf32> to vector<16xf32>
      %swap3A_288 = vector.shape_cast %broadcast_in_dim3A_1 : vector<16xf32> to vector<1x16xf32>
      tpu.vector_store %arg8[%swap3A_284, %swap3A_285], %swap3A_288 {strides = array<i32>} : memref<40x128xf32, #tpu.memory_space<vmem>>, vector<1x16xf32>,
      %swap3A_289 = arith.index_cast %scan3A_274 : i32 to index
      %swap3A_290 = arith.constant 48 : index
      %swap3A_291 = tpu.vector_load %arg8[%swap3A_289, %swap3A_290] {strides = array<i32>} : memref<40x128xf32, #tpu.memory_space<vmem>>, vector<1x16xf32>,
      %swap3A_292 = vector.shape_cast %swap3A_291 : vector<1x16xf32> to vector<16xf32>
      %swap3A_293 = vector.shape_cast %broadcast_in_dim3A_1 : vector<16xf32> to vector<1x16xf32>
      tpu.vector_store %arg8[%swap3A_289, %swap3A_290], %swap3A_293 {strides = array<i32>} : memref<40x128xf32, #tpu.memory_space<vmem>>, vector<1x16xf32>,
      %swap3A_294 = arith.index_cast %scan3A_274 : i32 to index
      %swap3A_295 = arith.constant 64 : index
      %swap3A_296 = tpu.vector_load %arg8[%swap3A_294, %swap3A_295] {strides = array<i32>} : memref<40x128xf32, #tpu.memory_space<vmem>>, vector<1x16xf32>,
      %swap3A_297 = vector.shape_cast %swap3A_296 : vector<1x16xf32> to vector<16xf32>
      %swap3A_298 = vector.shape_cast %broadcast_in_dim3A_1 : vector<16xf32> to vector<1x16xf32>
      tpu.vector_store %arg8[%swap3A_294, %swap3A_295], %swap3A_298 {strides = array<i32>} : memref<40x128xf32, #tpu.memory_space<vmem>>, vector<1x16xf32>,
      %swap3A_299 = arith.index_cast %scan3A_274 : i32 to index
      %swap3A_300 = arith.constant 80 : index
      %swap3A_301 = tpu.vector_load %arg8[%swap3A_299, %swap3A_300] {strides = array<i32>} : memref<40x128xf32, #tpu.memory_space<vmem>>, vector<1x16xf32>,
      %swap3A_302 = vector.shape_cast %swap3A_301 : vector<1x16xf32> to vector<16xf32>
      %swap3A_303 = vector.shape_cast %broadcast_in_dim3A_1 : vector<16xf32> to vector<1x16xf32>
      tpu.vector_store %arg8[%swap3A_299, %swap3A_300], %swap3A_303 {strides = array<i32>} : memref<40x128xf32, #tpu.memory_space<vmem>>, vector<1x16xf32>,
      %swap3A_304 = arith.index_cast %scan3A_274 : i32 to index
      %swap3A_305 = arith.constant 96 : index
      %swap3A_306 = tpu.vector_load %arg8[%swap3A_304, %swap3A_305] {strides = array<i32>} : memref<40x128xf32, #tpu.memory_space<vmem>>, vector<1x16xf32>,
      %swap3A_307 = vector.shape_cast %swap3A_306 : vector<1x16xf32> to vector<16xf32>
      %swap3A_308 = vector.shape_cast %broadcast_in_dim3A_1 : vector<16xf32> to vector<1x16xf32>
      tpu.vector_store %arg8[%swap3A_304, %swap3A_305], %swap3A_308 {strides = array<i32>} : memref<40x128xf32, #tpu.memory_space<vmem>>, vector<1x16xf32>,
      %swap3A_309 = arith.index_cast %scan3A_274 : i32 to index
      %swap3A_310 = arith.constant 112 : index
      %swap3A_311 = tpu.vector_load %arg8[%swap3A_309, %swap3A_310] {strides = array<i32>} : memref<40x128xf32, #tpu.memory_space<vmem>>, vector<1x16xf32>,
      %swap3A_312 = vector.shape_cast %swap3A_311 : vector<1x16xf32> to vector<16xf32>
      %swap3A_313 = vector.shape_cast %broadcast_in_dim3A_1 : vector<16xf32> to vector<1x16xf32>
      tpu.vector_store %arg8[%swap3A_309, %swap3A_310], %swap3A_313 {strides = array<i32>} : memref<40x128xf32, #tpu.memory_space<vmem>>, vector<1x16xf32>,
    }
    %scan3A_6 = arith.constant 40 : i32
    %scan3A_7 = arith.constant 0 : i32
    %scan3A_8 = arith.constant 0 : i32
    %scan3A_9 = arith.constant 16 : i32
    %scan3A_10 = arith.addi %scan3A_8, %scan3A_9 : i32
    %scan3A_11 = arith.constant 1 : i32
    scf.for %scan3A_274 = %scan3A_8 to %scan3A_10 step %scan3A_11  : i32 {
      %mul3A_275 = arith.constant 640 : i32
      %mul3A_276 = arith.muli %arg1, %mul3A_275 : i32
      %mul3A_277 = arith.constant 40 : i32
      %mul3A_278 = arith.muli %scan3A_274, %mul3A_277 : i32
      %add3A_279 = arith.addi %mul3A_276, %mul3A_278 : i32
      "tpu.region"() ({
        %run_scoped3A_280 = tpu.sem_alloc : memref<!tpu.dma_semaphore, #tpu.memory_space<semaphore_mem>>
        %dma_start3A_281 = arith.constant 0 : i32
        %dma_start3A_282 = tpu.memref_slice %arg11[%add3A_279, %dma_start3A_281] : memref<10240x128xf32, #tpu.memory_space<vmem_shared>> -> memref<40x128xf32, #tpu.memory_space<vmem_shared>>
        %dma_start3A_283 = arith.constant 0 : i32
        %dma_start3A_284 = tpu.memref_slice %arg11[%add3A_279, %dma_start3A_283] : memref<10240x128xf32, #tpu.memory_space<vmem_shared>> -> memref<40x128xf32, #tpu.memory_space<vmem_shared>>
        tpu.enqueue_dma source(%arg8 : memref<40x128xf32, #tpu.memory_space<vmem>>) target(%dma_start3A_284 : memref<40x128xf32, #tpu.memory_space<vmem_shared>>) target_semaphore(%run_scoped3A_280 : memref<!tpu.dma_semaphore, #tpu.memory_space<semaphore_mem>>)
        %dma_wait3A_285 = arith.constant 0 : i32
        %dma_wait3A_286 = tpu.memref_slice %arg11[%add3A_279, %dma_wait3A_285] : memref<10240x128xf32, #tpu.memory_space<vmem_shared>> -> memref<40x128xf32, #tpu.memory_space<vmem_shared>>
        %dma_wait3A_287 = arith.constant 0 : i32
        %dma_wait3A_288 = tpu.memref_slice %arg11[%add3A_279, %dma_wait3A_287] : memref<10240x128xf32, #tpu.memory_space<vmem_shared>> -> memref<40x128xf32, #tpu.memory_space<vmem_shared>>
        tpu.wait_dma2 semaphore(%run_scoped3A_280 : memref<!tpu.dma_semaphore, #tpu.memory_space<semaphore_mem>>) src(%arg8 : memref<40x128xf32, #tpu.memory_space<vmem>>) dst(%dma_wait3A_288 : memref<40x128xf32, #tpu.memory_space<vmem_shared>>)
        tpu.yield
      }) : () -> ()
    }
    %scan3A_12 = arith.constant 16 : i32
    %mul3A_13 = arith.constant 10000 : i32
    %mul3A_14 = arith.muli %add3A, %mul3A_13 : i32
    "tpu.region"() ({
      %run_scoped3A_274 = tpu.sem_alloc : memref<!tpu.dma_semaphore, #tpu.memory_space<semaphore_mem>>
      %dma_start3A_275 = tpu.memref_slice %arg3[%mul3A_14] : memref<320000xi32, #tpu.memory_space<hbm>> -> memref<10000xi32, #tpu.memory_space<hbm>>
      %dma_start3A_276 = tpu.memref_slice %arg3[%mul3A_14] : memref<320000xi32, #tpu.memory_space<hbm>> -> memref<10000xi32, #tpu.memory_space<hbm>>
      tpu.enqueue_dma source(%dma_start3A_276 : memref<10000xi32, #tpu.memory_space<hbm>>) target(%arg6 : memref<10000xi32, #tpu.memory_space<vmem>>) target_semaphore(%run_scoped3A_274 : memref<!tpu.dma_semaphore, #tpu.memory_space<semaphore_mem>>)
      %dma_wait3A_277 = tpu.memref_slice %arg3[%mul3A_14] : memref<320000xi32, #tpu.memory_space<hbm>> -> memref<10000xi32, #tpu.memory_space<hbm>>
      %dma_wait3A_278 = tpu.memref_slice %arg3[%mul3A_14] : memref<320000xi32, #tpu.memory_space<hbm>> -> memref<10000xi32, #tpu.memory_space<hbm>>
      tpu.wait_dma2 semaphore(%run_scoped3A_274 : memref<!tpu.dma_semaphore, #tpu.memory_space<semaphore_mem>>) src(%dma_wait3A_278 : memref<10000xi32, #tpu.memory_space<hbm>>) dst(%arg6 : memref<10000xi32, #tpu.memory_space<vmem>>)
      tpu.yield
    }) : () -> ()
    %barrier3A = arith.constant 0 : index
    tpu.barrier barrier_id(%barrier3A)
    %run_scoped3A = arith.constant 0 : i32
    "tpu.region"() ({
      %run_scoped3A_274 = tpu.sem_alloc : memref<!tpu.dma_semaphore, #tpu.memory_space<semaphore_mem>>
      %dma_start3A_275 = arith.constant 0 : i32
      %dma_start3A_276 = arith.constant 0 : i32
      %dma_start3A_277 = tpu.memref_slice %arg4[%add3A, %run_scoped3A, %dma_start3A_275, %dma_start3A_276] : memref<32x2x125x40xi32, #tpu.memory_space<hbm>> -> memref<1x1x125x40xi32, #tpu.memory_space<hbm>>
      %dma_start3A_278 = tpu.memref_squeeze %dma_start3A_277 : memref<1x1x125x40xi32, #tpu.memory_space<hbm>> -> memref<125x40xi32, #tpu.memory_space<hbm>>
      %dma_start3A_279 = arith.constant 0 : i32
      %dma_start3A_280 = arith.constant 0 : i32
      %dma_start3A_281 = tpu.memref_slice %arg4[%add3A, %run_scoped3A, %dma_start3A_279, %dma_start3A_280] : memref<32x2x125x40xi32, #tpu.memory_space<hbm>> -> memref<1x1x125x40xi32, #tpu.memory_space<hbm>>
      %dma_start3A_282 = tpu.memref_squeeze %dma_start3A_281 : memref<1x1x125x40xi32, #tpu.memory_space<hbm>> -> memref<125x40xi32, #tpu.memory_space<hbm>>
      tpu.enqueue_dma source(%dma_start3A_282 : memref<125x40xi32, #tpu.memory_space<hbm>>) target(%arg7 : memref<125x40xi32, #tpu.memory_space<vmem>>) target_semaphore(%run_scoped3A_274 : memref<!tpu.dma_semaphore, #tpu.memory_space<semaphore_mem>>)
      %dma_wait3A_283 = arith.constant 0 : i32
      %dma_wait3A_284 = arith.constant 0 : i32
      %dma_wait3A_285 = tpu.memref_slice %arg4[%add3A, %run_scoped3A, %dma_wait3A_283, %dma_wait3A_284] : memref<32x2x125x40xi32, #tpu.memory_space<hbm>> -> memref<1x1x125x40xi32, #tpu.memory_space<hbm>>
      %dma_wait3A_286 = tpu.memref_squeeze %dma_wait3A_285 : memref<1x1x125x40xi32, #tpu.memory_space<hbm>> -> memref<125x40xi32, #tpu.memory_space<hbm>>
      %dma_wait3A_287 = arith.constant 0 : i32
      %dma_wait3A_288 = arith.constant 0 : i32
      %dma_wait3A_289 = tpu.memref_slice %arg4[%add3A, %run_scoped3A, %dma_wait3A_287, %dma_wait3A_288] : memref<32x2x125x40xi32, #tpu.memory_space<hbm>> -> memref<1x1x125x40xi32, #tpu.memory_space<hbm>>
      %dma_wait3A_290 = tpu.memref_squeeze %dma_wait3A_289 : memref<1x1x125x40xi32, #tpu.memory_space<hbm>> -> memref<125x40xi32, #tpu.memory_space<hbm>>
      tpu.wait_dma2 semaphore(%run_scoped3A_274 : memref<!tpu.dma_semaphore, #tpu.memory_space<semaphore_mem>>) src(%dma_wait3A_290 : memref<125x40xi32, #tpu.memory_space<hbm>>) dst(%arg7 : memref<125x40xi32, #tpu.memory_space<vmem>>)
      tpu.yield
    }) : () -> ()
    %dma_start3A = arith.constant 0 : i32
    %dma_start3A_15 = tpu.memref_slice %arg6[%dma_start3A] : memref<10000xi32, #tpu.memory_space<vmem>> -> memref<40xi32, #tpu.memory_space<vmem>>
    %dma_start3A_16 = arith.constant 0 : i32
    %dma_start3A_17 = arith.constant 0 : i32
    %dma_start3A_18 = tpu.memref_slice %arg2[%dma_start3A_16, %dma_start3A_17] : memref<10000x128xf32, #tpu.memory_space<hbm>> -> memref<10000x128xf32, #tpu.memory_space<hbm>>
    tpu.enqueue_indirect_dma source(%dma_start3A_18 : memref<10000x128xf32, #tpu.memory_space<hbm>>) target(%arg8 : memref<40x128xf32, #tpu.memory_space<vmem>>) offsets(%dma_start3A_15 : memref<40xi32, #tpu.memory_space<vmem>>) semaphore(%arg12 : memref<!tpu.dma_semaphore, #tpu.memory_space<semaphore_mem>>)
    %dma_start3A_19 = arith.constant 40 : i32
    %dma_start3A_20 = tpu.memref_slice %arg6[%dma_start3A_19] : memref<10000xi32, #tpu.memory_space<vmem>> -> memref<40xi32, #tpu.memory_space<vmem>>
    %dma_start3A_21 = arith.constant 0 : i32
    %dma_start3A_22 = arith.constant 0 : i32
    %dma_start3A_23 = tpu.memref_slice %arg2[%dma_start3A_21, %dma_start3A_22] : memref<10000x128xf32, #tpu.memory_space<hbm>> -> memref<10000x128xf32, #tpu.memory_space<hbm>>
    tpu.enqueue_indirect_dma source(%dma_start3A_23 : memref<10000x128xf32, #tpu.memory_space<hbm>>) target(%arg9 : memref<40x128xf32, #tpu.memory_space<vmem>>) offsets(%dma_start3A_20 : memref<40xi32, #tpu.memory_space<vmem>>) semaphore(%arg13 : memref<!tpu.dma_semaphore, #tpu.memory_space<semaphore_mem>>)
    %dma_wait3A = arith.constant 0 : i32
    %dma_wait3A_24 = tpu.memref_slice %arg6[%dma_wait3A] : memref<10000xi32, #tpu.memory_space<vmem>> -> memref<40xi32, #tpu.memory_space<vmem>>
    %dma_wait3A_25 = arith.constant 0 : i32
    %dma_wait3A_26 = arith.constant 0 : i32
    %dma_wait3A_27 = tpu.memref_slice %arg2[%dma_wait3A_25, %dma_wait3A_26] : memref<10000x128xf32, #tpu.memory_space<hbm>> -> memref<10000x128xf32, #tpu.memory_space<hbm>>
    tpu.wait_indirect_dma semaphore(%arg12 : memref<!tpu.dma_semaphore, #tpu.memory_space<semaphore_mem>>) src(%dma_wait3A_27 : memref<10000x128xf32, #tpu.memory_space<hbm>>) dst(%arg8 : memref<40x128xf32, #tpu.memory_space<vmem>>)
    %dma_start3A_28 = arith.constant 0 : i32
    %dma_start3A_29 = arith.constant 0 : i32
    %dma_start3A_30 = tpu.memref_slice %arg7[%dma_start3A_28, %dma_start3A_29] : memref<125x40xi32, #tpu.memory_space<vmem>> -> memref<1x40xi32, #tpu.memory_space<vmem>>
    %dma_start3A_31 = tpu.memref_squeeze %dma_start3A_30 : memref<1x40xi32, #tpu.memory_space<vmem>> -> memref<40xi32, #tpu.memory_space<vmem>>
    %dma_start3A_32 = arith.constant 0 : i32
    %dma_start3A_33 = arith.constant 0 : i32
    %dma_start3A_34 = tpu.memref_slice %arg11[%dma_start3A_32, %dma_start3A_33] : memref<10240x128xf32, #tpu.memory_space<vmem_shared>> -> memref<10240x128xf32, #tpu.memory_space<vmem_shared>>
    tpu.enqueue_indirect_dma source(%arg8 : memref<40x128xf32, #tpu.memory_space<vmem>>) target(%dma_start3A_34 : memref<10240x128xf32, #tpu.memory_space<vmem_shared>>) offsets(%dma_start3A_31 : memref<40xi32, #tpu.memory_space<vmem>>) semaphore(%arg15 : memref<!tpu.dma_semaphore, #tpu.memory_space<semaphore_mem>>) {add = true}
    %dma_start3A_35 = arith.constant 80 : i32
    %dma_start3A_36 = tpu.memref_slice %arg6[%dma_start3A_35] : memref<10000xi32, #tpu.memory_space<vmem>> -> memref<40xi32, #tpu.memory_space<vmem>>
    %dma_start3A_37 = arith.constant 0 : i32
    %dma_start3A_38 = arith.constant 0 : i32
    %dma_start3A_39 = tpu.memref_slice %arg2[%dma_start3A_37, %dma_start3A_38] : memref<10000x128xf32, #tpu.memory_space<hbm>> -> memref<10000x128xf32, #tpu.memory_space<hbm>>
    tpu.enqueue_indirect_dma source(%dma_start3A_39 : memref<10000x128xf32, #tpu.memory_space<hbm>>) target(%arg10 : memref<40x128xf32, #tpu.memory_space<vmem>>) offsets(%dma_start3A_36 : memref<40xi32, #tpu.memory_space<vmem>>) semaphore(%arg14 : memref<!tpu.dma_semaphore, #tpu.memory_space<semaphore_mem>>)
    %dma_wait3A_40 = arith.constant 40 : i32
    %dma_wait3A_41 = tpu.memref_slice %arg6[%dma_wait3A_40] : memref<10000xi32, #tpu.memory_space<vmem>> -> memref<40xi32, #tpu.memory_space<vmem>>
    %dma_wait3A_42 = arith.constant 0 : i32
    %dma_wait3A_43 = arith.constant 0 : i32
    %dma_wait3A_44 = tpu.memref_slice %arg2[%dma_wait3A_42, %dma_wait3A_43] : memref<10000x128xf32, #tpu.memory_space<hbm>> -> memref<10000x128xf32, #tpu.memory_space<hbm>>
    tpu.wait_indirect_dma semaphore(%arg13 : memref<!tpu.dma_semaphore, #tpu.memory_space<semaphore_mem>>) src(%dma_wait3A_44 : memref<10000x128xf32, #tpu.memory_space<hbm>>) dst(%arg9 : memref<40x128xf32, #tpu.memory_space<vmem>>)
    %dma_start3A_45 = arith.constant 1 : i32
    %dma_start3A_46 = arith.constant 0 : i32
    %dma_start3A_47 = tpu.memref_slice %arg7[%dma_start3A_45, %dma_start3A_46] : memref<125x40xi32, #tpu.memory_space<vmem>> -> memref<1x40xi32, #tpu.memory_space<vmem>>
    %dma_start3A_48 = tpu.memref_squeeze %dma_start3A_47 : memref<1x40xi32, #tpu.memory_space<vmem>> -> memref<40xi32, #tpu.memory_space<vmem>>
    %dma_start3A_49 = arith.constant 0 : i32
    %dma_start3A_50 = arith.constant 0 : i32
    %dma_start3A_51 = tpu.memref_slice %arg11[%dma_start3A_49, %dma_start3A_50] : memref<10240x128xf32, #tpu.memory_space<vmem_shared>> -> memref<10240x128xf32, #tpu.memory_space<vmem_shared>>
    tpu.enqueue_indirect_dma source(%arg9 : memref<40x128xf32, #tpu.memory_space<vmem>>) target(%dma_start3A_51 : memref<10240x128xf32, #tpu.memory_space<vmem_shared>>) offsets(%dma_start3A_48 : memref<40xi32, #tpu.memory_space<vmem>>) semaphore(%arg16 : memref<!tpu.dma_semaphore, #tpu.memory_space<semaphore_mem>>) {add = true}
    %dma_wait3A_52 = arith.constant 0 : i32
    %dma_wait3A_53 = arith.constant 0 : i32
    %dma_wait3A_54 = tpu.memref_slice %arg7[%dma_wait3A_52, %dma_wait3A_53] : memref<125x40xi32, #tpu.memory_space<vmem>> -> memref<1x40xi32, #tpu.memory_space<vmem>>
    %dma_wait3A_55 = tpu.memref_squeeze %dma_wait3A_54 : memref<1x40xi32, #tpu.memory_space<vmem>> -> memref<40xi32, #tpu.memory_space<vmem>>
    %dma_wait3A_56 = arith.constant 0 : i32
    %dma_wait3A_57 = arith.constant 0 : i32
    %dma_wait3A_58 = tpu.memref_slice %arg11[%dma_wait3A_56, %dma_wait3A_57] : memref<10240x128xf32, #tpu.memory_space<vmem_shared>> -> memref<10240x128xf32, #tpu.memory_space<vmem_shared>>
    tpu.wait_indirect_dma semaphore(%arg15 : memref<!tpu.dma_semaphore, #tpu.memory_space<semaphore_mem>>) src(%arg8 : memref<40x128xf32, #tpu.memory_space<vmem>>) dst(%dma_wait3A_58 : memref<10240x128xf32, #tpu.memory_space<vmem_shared>>)
    %dma_start3A_59 = arith.constant 120 : i32
    %dma_start3A_60 = tpu.memref_slice %arg6[%dma_start3A_59] : memref<10000xi32, #tpu.memory_space<vmem>> -> memref<40xi32, #tpu.memory_space<vmem>>
    %dma_start3A_61 = arith.constant 0 : i32
    %dma_start3A_62 = arith.constant 0 : i32
    %dma_start3A_63 = tpu.memref_slice %arg2[%dma_start3A_61, %dma_start3A_62] : memref<10000x128xf32, #tpu.memory_space<hbm>> -> memref<10000x128xf32, #tpu.memory_space<hbm>>
    tpu.enqueue_indirect_dma source(%dma_start3A_63 : memref<10000x128xf32, #tpu.memory_space<hbm>>) target(%arg8 : memref<40x128xf32, #tpu.memory_space<vmem>>) offsets(%dma_start3A_60 : memref<40xi32, #tpu.memory_space<vmem>>) semaphore(%arg12 : memref<!tpu.dma_semaphore, #tpu.memory_space<semaphore_mem>>)
    %dma_wait3A_64 = arith.constant 80 : i32
    %dma_wait3A_65 = tpu.memref_slice %arg6[%dma_wait3A_64] : memref<10000xi32, #tpu.memory_space<vmem>> -> memref<40xi32, #tpu.memory_space<vmem>>
    %dma_wait3A_66 = arith.constant 0 : i32
    %dma_wait3A_67 = arith.constant 0 : i32
    %dma_wait3A_68 = tpu.memref_slice %arg2[%dma_wait3A_66, %dma_wait3A_67] : memref<10000x128xf32, #tpu.memory_space<hbm>> -> memref<10000x128xf32, #tpu.memory_space<hbm>>
    tpu.wait_indirect_dma semaphore(%arg14 : memref<!tpu.dma_semaphore, #tpu.memory_space<semaphore_mem>>) src(%dma_wait3A_68 : memref<10000x128xf32, #tpu.memory_space<hbm>>) dst(%arg10 : memref<40x128xf32, #tpu.memory_space<vmem>>)
    %dma_start3A_69 = arith.constant 2 : i32
    %dma_start3A_70 = arith.constant 0 : i32
    %dma_start3A_71 = tpu.memref_slice %arg7[%dma_start3A_69, %dma_start3A_70] : memref<125x40xi32, #tpu.memory_space<vmem>> -> memref<1x40xi32, #tpu.memory_space<vmem>>
    %dma_start3A_72 = tpu.memref_squeeze %dma_start3A_71 : memref<1x40xi32, #tpu.memory_space<vmem>> -> memref<40xi32, #tpu.memory_space<vmem>>
    %dma_start3A_73 = arith.constant 0 : i32
    %dma_start3A_74 = arith.constant 0 : i32
    %dma_start3A_75 = tpu.memref_slice %arg11[%dma_start3A_73, %dma_start3A_74] : memref<10240x128xf32, #tpu.memory_space<vmem_shared>> -> memref<10240x128xf32, #tpu.memory_space<vmem_shared>>
    tpu.enqueue_indirect_dma source(%arg10 : memref<40x128xf32, #tpu.memory_space<vmem>>) target(%dma_start3A_75 : memref<10240x128xf32, #tpu.memory_space<vmem_shared>>) offsets(%dma_start3A_72 : memref<40xi32, #tpu.memory_space<vmem>>) semaphore(%arg17 : memref<!tpu.dma_semaphore, #tpu.memory_space<semaphore_mem>>) {add = true}
    %dma_wait3A_76 = arith.constant 0 : i32
    %dma_wait3A_77 = arith.constant 0 : i32
    %dma_wait3A_78 = tpu.memref_slice %arg7[%dma_wait3A_76, %dma_wait3A_77] : memref<125x40xi32, #tpu.memory_space<vmem>> -> memref<1x40xi32, #tpu.memory_space<vmem>>
    %dma_wait3A_79 = tpu.memref_squeeze %dma_wait3A_78 : memref<1x40xi32, #tpu.memory_space<vmem>> -> memref<40xi32, #tpu.memory_space<vmem>>
    %dma_wait3A_80 = arith.constant 0 : i32
    %dma_wait3A_81 = arith.constant 0 : i32
    %dma_wait3A_82 = tpu.memref_slice %arg11[%dma_wait3A_80, %dma_wait3A_81] : memref<10240x128xf32, #tpu.memory_space<vmem_shared>> -> memref<10240x128xf32, #tpu.memory_space<vmem_shared>>
    tpu.wait_indirect_dma semaphore(%arg16 : memref<!tpu.dma_semaphore, #tpu.memory_space<semaphore_mem>>) src(%arg9 : memref<40x128xf32, #tpu.memory_space<vmem>>) dst(%dma_wait3A_82 : memref<10240x128xf32, #tpu.memory_space<vmem_shared>>)
    %dma_start3A_83 = arith.constant 160 : i32
    %dma_start3A_84 = tpu.memref_slice %arg6[%dma_start3A_83] : memref<10000xi32, #tpu.memory_space<vmem>> -> memref<40xi32, #tpu.memory_space<vmem>>
    %dma_start3A_85 = arith.constant 0 : i32
    %dma_start3A_86 = arith.constant 0 : i32
    %dma_start3A_87 = tpu.memref_slice %arg2[%dma_start3A_85, %dma_start3A_86] : memref<10000x128xf32, #tpu.memory_space<hbm>> -> memref<10000x128xf32, #tpu.memory_space<hbm>>
    tpu.enqueue_indirect_dma source(%dma_start3A_87 : memref<10000x128xf32, #tpu.memory_space<hbm>>) target(%arg9 : memref<40x128xf32, #tpu.memory_space<vmem>>) offsets(%dma_start3A_84 : memref<40xi32, #tpu.memory_space<vmem>>) semaphore(%arg13 : memref<!tpu.dma_semaphore, #tpu.memory_space<semaphore_mem>>)
    %scan3A_88 = arith.constant 0 : i32
    %scan3A_89 = arith.constant 0 : i32
    %scan3A_90 = arith.constant 40 : i32
    %scan3A_91 = arith.addi %scan3A_89, %scan3A_90 : i32
    %scan3A_92 = arith.constant 1 : i32
    scf.for %scan3A_274 = %scan3A_89 to %scan3A_91 step %scan3A_92  : i32 {
      %mul3A_275 = arith.constant 3 : i32
      %mul3A_276 = arith.muli %mul3A_275, %scan3A_274 : i32
      %add3A_277 = arith.constant 3 : i32
      %add3A_278 = arith.addi %mul3A_276, %add3A_277 : i32
      %add3A_279 = arith.constant 0 : i32
      %add3A_280 = arith.addi %add3A_279, %add3A_278 : i32
      %mul3A_281 = arith.constant 40 : i32
      %mul3A_282 = arith.muli %add3A_280, %mul3A_281 : i32
      %dma_wait3A_283 = tpu.memref_slice %arg6[%mul3A_282] : memref<10000xi32, #tpu.memory_space<vmem>> -> memref<40xi32, #tpu.memory_space<vmem>>
      %dma_wait3A_284 = arith.constant 0 : i32
      %dma_wait3A_285 = arith.constant 0 : i32
      %dma_wait3A_286 = tpu.memref_slice %arg2[%dma_wait3A_284, %dma_wait3A_285] : memref<10000x128xf32, #tpu.memory_space<hbm>> -> memref<10000x128xf32, #tpu.memory_space<hbm>>
      tpu.wait_indirect_dma semaphore(%arg12 : memref<!tpu.dma_semaphore, #tpu.memory_space<semaphore_mem>>) src(%dma_wait3A_286 : memref<10000x128xf32, #tpu.memory_space<hbm>>) dst(%arg8 : memref<40x128xf32, #tpu.memory_space<vmem>>)
      %dma_start3A_287 = arith.constant 0 : i32
      %dma_start3A_288 = tpu.memref_slice %arg7[%add3A_278, %dma_start3A_287] : memref<125x40xi32, #tpu.memory_space<vmem>> -> memref<1x40xi32, #tpu.memory_space<vmem>>
      %dma_start3A_289 = tpu.memref_squeeze %dma_start3A_288 : memref<1x40xi32, #tpu.memory_space<vmem>> -> memref<40xi32, #tpu.memory_space<vmem>>
      %dma_start3A_290 = arith.constant 0 : i32
      %dma_start3A_291 = arith.constant 0 : i32
      %dma_start3A_292 = tpu.memref_slice %arg11[%dma_start3A_290, %dma_start3A_291] : memref<10240x128xf32, #tpu.memory_space<vmem_shared>> -> memref<10240x128xf32, #tpu.memory_space<vmem_shared>>
      tpu.enqueue_indirect_dma source(%arg8 : memref<40x128xf32, #tpu.memory_space<vmem>>) target(%dma_start3A_292 : memref<10240x128xf32, #tpu.memory_space<vmem_shared>>) offsets(%dma_start3A_289 : memref<40xi32, #tpu.memory_space<vmem>>) semaphore(%arg15 : memref<!tpu.dma_semaphore, #tpu.memory_space<semaphore_mem>>) {add = true}
      %dma_wait3A_293 = arith.constant 0 : i32
      %dma_wait3A_294 = arith.constant 0 : i32
      %dma_wait3A_295 = tpu.memref_slice %arg7[%dma_wait3A_293, %dma_wait3A_294] : memref<125x40xi32, #tpu.memory_space<vmem>> -> memref<1x40xi32, #tpu.memory_space<vmem>>
      %dma_wait3A_296 = tpu.memref_squeeze %dma_wait3A_295 : memref<1x40xi32, #tpu.memory_space<vmem>> -> memref<40xi32, #tpu.memory_space<vmem>>
      %dma_wait3A_297 = arith.constant 0 : i32
      %dma_wait3A_298 = arith.constant 0 : i32
      %dma_wait3A_299 = tpu.memref_slice %arg11[%dma_wait3A_297, %dma_wait3A_298] : memref<10240x128xf32, #tpu.memory_space<vmem_shared>> -> memref<10240x128xf32, #tpu.memory_space<vmem_shared>>
      tpu.wait_indirect_dma semaphore(%arg17 : memref<!tpu.dma_semaphore, #tpu.memory_space<semaphore_mem>>) src(%arg10 : memref<40x128xf32, #tpu.memory_space<vmem>>) dst(%dma_wait3A_299 : memref<10240x128xf32, #tpu.memory_space<vmem_shared>>)
      %add3A_300 = arith.constant 0 : i32
      %add3A_301 = arith.addi %add3A_300, %add3A_278 : i32
      %add3A_302 = arith.constant 2 : i32
      %add3A_303 = arith.addi %add3A_301, %add3A_302 : i32
      %mul3A_304 = arith.constant 40 : i32
      %mul3A_305 = arith.muli %add3A_303, %mul3A_304 : i32
      %dma_start3A_306 = tpu.memref_slice %arg6[%mul3A_305] : memref<10000xi32, #tpu.memory_space<vmem>> -> memref<40xi32, #tpu.memory_space<vmem>>
      %dma_start3A_307 = arith.constant 0 : i32
      %dma_start3A_308 = arith.constant 0 : i32
      %dma_start3A_309 = tpu.memref_slice %arg2[%dma_start3A_307, %dma_start3A_308] : memref<10000x128xf32, #tpu.memory_space<hbm>> -> memref<10000x128xf32, #tpu.memory_space<hbm>>
      tpu.enqueue_indirect_dma source(%dma_start3A_309 : memref<10000x128xf32, #tpu.memory_space<hbm>>) target(%arg10 : memref<40x128xf32, #tpu.memory_space<vmem>>) offsets(%dma_start3A_306 : memref<40xi32, #tpu.memory_space<vmem>>) semaphore(%arg14 : memref<!tpu.dma_semaphore, #tpu.memory_space<semaphore_mem>>)
      %add3A_310 = arith.constant 1 : i32
      %add3A_311 = arith.addi %add3A_278, %add3A_310 : i32
      %add3A_312 = arith.constant 0 : i32
      %add3A_313 = arith.addi %add3A_312, %add3A_311 : i32
      %mul3A_314 = arith.constant 40 : i32
      %mul3A_315 = arith.muli %add3A_313, %mul3A_314 : i32
      %dma_wait3A_316 = tpu.memref_slice %arg6[%mul3A_315] : memref<10000xi32, #tpu.memory_space<vmem>> -> memref<40xi32, #tpu.memory_space<vmem>>
      %dma_wait3A_317 = arith.constant 0 : i32
      %dma_wait3A_318 = arith.constant 0 : i32
      %dma_wait3A_319 = tpu.memref_slice %arg2[%dma_wait3A_317, %dma_wait3A_318] : memref<10000x128xf32, #tpu.memory_space<hbm>> -> memref<10000x128xf32, #tpu.memory_space<hbm>>
      tpu.wait_indirect_dma semaphore(%arg13 : memref<!tpu.dma_semaphore, #tpu.memory_space<semaphore_mem>>) src(%dma_wait3A_319 : memref<10000x128xf32, #tpu.memory_space<hbm>>) dst(%arg9 : memref<40x128xf32, #tpu.memory_space<vmem>>)
      %dma_start3A_320 = arith.constant 0 : i32
      %dma_start3A_321 = tpu.memref_slice %arg7[%add3A_311, %dma_start3A_320] : memref<125x40xi32, #tpu.memory_space<vmem>> -> memref<1x40xi32, #tpu.memory_space<vmem>>
      %dma_start3A_322 = tpu.memref_squeeze %dma_start3A_321 : memref<1x40xi32, #tpu.memory_space<vmem>> -> memref<40xi32, #tpu.memory_space<vmem>>
      %dma_start3A_323 = arith.constant 0 : i32
      %dma_start3A_324 = arith.constant 0 : i32
      %dma_start3A_325 = tpu.memref_slice %arg11[%dma_start3A_323, %dma_start3A_324] : memref<10240x128xf32, #tpu.memory_space<vmem_shared>> -> memref<10240x128xf32, #tpu.memory_space<vmem_shared>>
      tpu.enqueue_indirect_dma source(%arg9 : memref<40x128xf32, #tpu.memory_space<vmem>>) target(%dma_start3A_325 : memref<10240x128xf32, #tpu.memory_space<vmem_shared>>) offsets(%dma_start3A_322 : memref<40xi32, #tpu.memory_space<vmem>>) semaphore(%arg16 : memref<!tpu.dma_semaphore, #tpu.memory_space<semaphore_mem>>) {add = true}
      %dma_wait3A_326 = arith.constant 0 : i32
      %dma_wait3A_327 = arith.constant 0 : i32
      %dma_wait3A_328 = tpu.memref_slice %arg7[%dma_wait3A_326, %dma_wait3A_327] : memref<125x40xi32, #tpu.memory_space<vmem>> -> memref<1x40xi32, #tpu.memory_space<vmem>>
      %dma_wait3A_329 = tpu.memref_squeeze %dma_wait3A_328 : memref<1x40xi32, #tpu.memory_space<vmem>> -> memref<40xi32, #tpu.memory_space<vmem>>
      %dma_wait3A_330 = arith.constant 0 : i32
      %dma_wait3A_331 = arith.constant 0 : i32
      %dma_wait3A_332 = tpu.memref_slice %arg11[%dma_wait3A_330, %dma_wait3A_331] : memref<10240x128xf32, #tpu.memory_space<vmem_shared>> -> memref<10240x128xf32, #tpu.memory_space<vmem_shared>>
      tpu.wait_indirect_dma semaphore(%arg15 : memref<!tpu.dma_semaphore, #tpu.memory_space<semaphore_mem>>) src(%arg8 : memref<40x128xf32, #tpu.memory_space<vmem>>) dst(%dma_wait3A_332 : memref<10240x128xf32, #tpu.memory_space<vmem_shared>>)
      %add3A_333 = arith.constant 0 : i32
      %add3A_334 = arith.addi %add3A_333, %add3A_311 : i32
      %add3A_335 = arith.constant 2 : i32
      %add3A_336 = arith.addi %add3A_334, %add3A_335 : i32
      %mul3A_337 = arith.constant 40 : i32
      %mul3A_338 = arith.muli %add3A_336, %mul3A_337 : i32
      %dma_start3A_339 = tpu.memref_slice %arg6[%mul3A_338] : memref<10000xi32, #tpu.memory_space<vmem>> -> memref<40xi32, #tpu.memory_space<vmem>>
      %dma_start3A_340 = arith.constant 0 : i32
      %dma_start3A_341 = arith.constant 0 : i32
      %dma_start3A_342 = tpu.memref_slice %arg2[%dma_start3A_340, %dma_start3A_341] : memref<10000x128xf32, #tpu.memory_space<hbm>> -> memref<10000x128xf32, #tpu.memory_space<hbm>>
      tpu.enqueue_indirect_dma source(%dma_start3A_342 : memref<10000x128xf32, #tpu.memory_space<hbm>>) target(%arg8 : memref<40x128xf32, #tpu.memory_space<vmem>>) offsets(%dma_start3A_339 : memref<40xi32, #tpu.memory_space<vmem>>) semaphore(%arg12 : memref<!tpu.dma_semaphore, #tpu.memory_space<semaphore_mem>>)
      %add3A_343 = arith.constant 2 : i32
      %add3A_344 = arith.addi %add3A_278, %add3A_343 : i32
      %add3A_345 = arith.constant 0 : i32
      %add3A_346 = arith.addi %add3A_345, %add3A_344 : i32
      %mul3A_347 = arith.constant 40 : i32
      %mul3A_348 = arith.muli %add3A_346, %mul3A_347 : i32
      %dma_wait3A_349 = tpu.memref_slice %arg6[%mul3A_348] : memref<10000xi32, #tpu.memory_space<vmem>> -> memref<40xi32, #tpu.memory_space<vmem>>
      %dma_wait3A_350 = arith.constant 0 : i32
      %dma_wait3A_351 = arith.constant 0 : i32
      %dma_wait3A_352 = tpu.memref_slice %arg2[%dma_wait3A_350, %dma_wait3A_351] : memref<10000x128xf32, #tpu.memory_space<hbm>> -> memref<10000x128xf32, #tpu.memory_space<hbm>>
      tpu.wait_indirect_dma semaphore(%arg14 : memref<!tpu.dma_semaphore, #tpu.memory_space<semaphore_mem>>) src(%dma_wait3A_352 : memref<10000x128xf32, #tpu.memory_space<hbm>>) dst(%arg10 : memref<40x128xf32, #tpu.memory_space<vmem>>)
      %dma_start3A_353 = arith.constant 0 : i32
      %dma_start3A_354 = tpu.memref_slice %arg7[%add3A_344, %dma_start3A_353] : memref<125x40xi32, #tpu.memory_space<vmem>> -> memref<1x40xi32, #tpu.memory_space<vmem>>
      %dma_start3A_355 = tpu.memref_squeeze %dma_start3A_354 : memref<1x40xi32, #tpu.memory_space<vmem>> -> memref<40xi32, #tpu.memory_space<vmem>>
      %dma_start3A_356 = arith.constant 0 : i32
      %dma_start3A_357 = arith.constant 0 : i32
      %dma_start3A_358 = tpu.memref_slice %arg11[%dma_start3A_356, %dma_start3A_357] : memref<10240x128xf32, #tpu.memory_space<vmem_shared>> -> memref<10240x128xf32, #tpu.memory_space<vmem_shared>>
      tpu.enqueue_indirect_dma source(%arg10 : memref<40x128xf32, #tpu.memory_space<vmem>>) target(%dma_start3A_358 : memref<10240x128xf32, #tpu.memory_space<vmem_shared>>) offsets(%dma_start3A_355 : memref<40xi32, #tpu.memory_space<vmem>>) semaphore(%arg17 : memref<!tpu.dma_semaphore, #tpu.memory_space<semaphore_mem>>) {add = true}
      %dma_wait3A_359 = arith.constant 0 : i32
      %dma_wait3A_360 = arith.constant 0 : i32
      %dma_wait3A_361 = tpu.memref_slice %arg7[%dma_wait3A_359, %dma_wait3A_360] : memref<125x40xi32, #tpu.memory_space<vmem>> -> memref<1x40xi32, #tpu.memory_space<vmem>>
      %dma_wait3A_362 = tpu.memref_squeeze %dma_wait3A_361 : memref<1x40xi32, #tpu.memory_space<vmem>> -> memref<40xi32, #tpu.memory_space<vmem>>
      %dma_wait3A_363 = arith.constant 0 : i32
      %dma_wait3A_364 = arith.constant 0 : i32
      %dma_wait3A_365 = tpu.memref_slice %arg11[%dma_wait3A_363, %dma_wait3A_364] : memref<10240x128xf32, #tpu.memory_space<vmem_shared>> -> memref<10240x128xf32, #tpu.memory_space<vmem_shared>>
      tpu.wait_indirect_dma semaphore(%arg16 : memref<!tpu.dma_semaphore, #tpu.memory_space<semaphore_mem>>) src(%arg9 : memref<40x128xf32, #tpu.memory_space<vmem>>) dst(%dma_wait3A_365 : memref<10240x128xf32, #tpu.memory_space<vmem_shared>>)
      %add3A_366 = arith.constant 0 : i32
      %add3A_367 = arith.addi %add3A_366, %add3A_344 : i32
      %add3A_368 = arith.constant 2 : i32
      %add3A_369 = arith.addi %add3A_367, %add3A_368 : i32
      %mul3A_370 = arith.constant 40 : i32
      %mul3A_371 = arith.muli %add3A_369, %mul3A_370 : i32
      %dma_start3A_372 = tpu.memref_slice %arg6[%mul3A_371] : memref<10000xi32, #tpu.memory_space<vmem>> -> memref<40xi32, #tpu.memory_space<vmem>>
      %dma_start3A_373 = arith.constant 0 : i32
      %dma_start3A_374 = arith.constant 0 : i32
      %dma_start3A_375 = tpu.memref_slice %arg2[%dma_start3A_373, %dma_start3A_374] : memref<10000x128xf32, #tpu.memory_space<hbm>> -> memref<10000x128xf32, #tpu.memory_space<hbm>>
      tpu.enqueue_indirect_dma source(%dma_start3A_375 : memref<10000x128xf32, #tpu.memory_space<hbm>>) target(%arg9 : memref<40x128xf32, #tpu.memory_space<vmem>>) offsets(%dma_start3A_372 : memref<40xi32, #tpu.memory_space<vmem>>) semaphore(%arg13 : memref<!tpu.dma_semaphore, #tpu.memory_space<semaphore_mem>>)
    }
    %scan3A_93 = arith.constant 40 : i32
    %dma_wait3A_94 = arith.constant 4920 : i32
    %dma_wait3A_95 = tpu.memref_slice %arg6[%dma_wait3A_94] : memref<10000xi32, #tpu.memory_space<vmem>> -> memref<40xi32, #tpu.memory_space<vmem>>
    %dma_wait3A_96 = arith.constant 0 : i32
    %dma_wait3A_97 = arith.constant 0 : i32
    %dma_wait3A_98 = tpu.memref_slice %arg2[%dma_wait3A_96, %dma_wait3A_97] : memref<10000x128xf32, #tpu.memory_space<hbm>> -> memref<10000x128xf32, #tpu.memory_space<hbm>>
    tpu.wait_indirect_dma semaphore(%arg12 : memref<!tpu.dma_semaphore, #tpu.memory_space<semaphore_mem>>) src(%dma_wait3A_98 : memref<10000x128xf32, #tpu.memory_space<hbm>>) dst(%arg8 : memref<40x128xf32, #tpu.memory_space<vmem>>)
    %dma_start3A_99 = arith.constant 123 : i32
    %dma_start3A_100 = arith.constant 0 : i32
    %dma_start3A_101 = tpu.memref_slice %arg7[%dma_start3A_99, %dma_start3A_100] : memref<125x40xi32, #tpu.memory_space<vmem>> -> memref<1x40xi32, #tpu.memory_space<vmem>>
    %dma_start3A_102 = tpu.memref_squeeze %dma_start3A_101 : memref<1x40xi32, #tpu.memory_space<vmem>> -> memref<40xi32, #tpu.memory_space<vmem>>
    %dma_start3A_103 = arith.constant 0 : i32
    %dma_start3A_104 = arith.constant 0 : i32
    %dma_start3A_105 = tpu.memref_slice %arg11[%dma_start3A_103, %dma_start3A_104] : memref<10240x128xf32, #tpu.memory_space<vmem_shared>> -> memref<10240x128xf32, #tpu.memory_space<vmem_shared>>
    tpu.enqueue_indirect_dma source(%arg8 : memref<40x128xf32, #tpu.memory_space<vmem>>) target(%dma_start3A_105 : memref<10240x128xf32, #tpu.memory_space<vmem_shared>>) offsets(%dma_start3A_102 : memref<40xi32, #tpu.memory_space<vmem>>) semaphore(%arg15 : memref<!tpu.dma_semaphore, #tpu.memory_space<semaphore_mem>>) {add = true}
    %dma_wait3A_106 = arith.constant 0 : i32
    %dma_wait3A_107 = arith.constant 0 : i32
    %dma_wait3A_108 = tpu.memref_slice %arg7[%dma_wait3A_106, %dma_wait3A_107] : memref<125x40xi32, #tpu.memory_space<vmem>> -> memref<1x40xi32, #tpu.memory_space<vmem>>
    %dma_wait3A_109 = tpu.memref_squeeze %dma_wait3A_108 : memref<1x40xi32, #tpu.memory_space<vmem>> -> memref<40xi32, #tpu.memory_space<vmem>>
    %dma_wait3A_110 = arith.constant 0 : i32
    %dma_wait3A_111 = arith.constant 0 : i32
    %dma_wait3A_112 = tpu.memref_slice %arg11[%dma_wait3A_110, %dma_wait3A_111] : memref<10240x128xf32, #tpu.memory_space<vmem_shared>> -> memref<10240x128xf32, #tpu.memory_space<vmem_shared>>
    tpu.wait_indirect_dma semaphore(%arg17 : memref<!tpu.dma_semaphore, #tpu.memory_space<semaphore_mem>>) src(%arg10 : memref<40x128xf32, #tpu.memory_space<vmem>>) dst(%dma_wait3A_112 : memref<10240x128xf32, #tpu.memory_space<vmem_shared>>)
    %dma_wait3A_113 = arith.constant 4960 : i32
    %dma_wait3A_114 = tpu.memref_slice %arg6[%dma_wait3A_113] : memref<10000xi32, #tpu.memory_space<vmem>> -> memref<40xi32, #tpu.memory_space<vmem>>
    %dma_wait3A_115 = arith.constant 0 : i32
    %dma_wait3A_116 = arith.constant 0 : i32
    %dma_wait3A_117 = tpu.memref_slice %arg2[%dma_wait3A_115, %dma_wait3A_116] : memref<10000x128xf32, #tpu.memory_space<hbm>> -> memref<10000x128xf32, #tpu.memory_space<hbm>>
    tpu.wait_indirect_dma semaphore(%arg13 : memref<!tpu.dma_semaphore, #tpu.memory_space<semaphore_mem>>) src(%dma_wait3A_117 : memref<10000x128xf32, #tpu.memory_space<hbm>>) dst(%arg9 : memref<40x128xf32, #tpu.memory_space<vmem>>)
    %dma_start3A_118 = arith.constant 124 : i32
    %dma_start3A_119 = arith.constant 0 : i32
    %dma_start3A_120 = tpu.memref_slice %arg7[%dma_start3A_118, %dma_start3A_119] : memref<125x40xi32, #tpu.memory_space<vmem>> -> memref<1x40xi32, #tpu.memory_space<vmem>>
    %dma_start3A_121 = tpu.memref_squeeze %dma_start3A_120 : memref<1x40xi32, #tpu.memory_space<vmem>> -> memref<40xi32, #tpu.memory_space<vmem>>
    %dma_start3A_122 = arith.constant 0 : i32
    %dma_start3A_123 = arith.constant 0 : i32
    %dma_start3A_124 = tpu.memref_slice %arg11[%dma_start3A_122, %dma_start3A_123] : memref<10240x128xf32, #tpu.memory_space<vmem_shared>> -> memref<10240x128xf32, #tpu.memory_space<vmem_shared>>
    tpu.enqueue_indirect_dma source(%arg9 : memref<40x128xf32, #tpu.memory_space<vmem>>) target(%dma_start3A_124 : memref<10240x128xf32, #tpu.memory_space<vmem_shared>>) offsets(%dma_start3A_121 : memref<40xi32, #tpu.memory_space<vmem>>) semaphore(%arg16 : memref<!tpu.dma_semaphore, #tpu.memory_space<semaphore_mem>>) {add = true}
    %dma_wait3A_125 = arith.constant 0 : i32
    %dma_wait3A_126 = arith.constant 0 : i32
    %dma_wait3A_127 = tpu.memref_slice %arg7[%dma_wait3A_125, %dma_wait3A_126] : memref<125x40xi32, #tpu.memory_space<vmem>> -> memref<1x40xi32, #tpu.memory_space<vmem>>
    %dma_wait3A_128 = tpu.memref_squeeze %dma_wait3A_127 : memref<1x40xi32, #tpu.memory_space<vmem>> -> memref<40xi32, #tpu.memory_space<vmem>>
    %dma_wait3A_129 = arith.constant 0 : i32
    %dma_wait3A_130 = arith.constant 0 : i32
    %dma_wait3A_131 = tpu.memref_slice %arg11[%dma_wait3A_129, %dma_wait3A_130] : memref<10240x128xf32, #tpu.memory_space<vmem_shared>> -> memref<10240x128xf32, #tpu.memory_space<vmem_shared>>
    tpu.wait_indirect_dma semaphore(%arg15 : memref<!tpu.dma_semaphore, #tpu.memory_space<semaphore_mem>>) src(%arg8 : memref<40x128xf32, #tpu.memory_space<vmem>>) dst(%dma_wait3A_131 : memref<10240x128xf32, #tpu.memory_space<vmem_shared>>)
    %dma_wait3A_132 = arith.constant 0 : i32
    %dma_wait3A_133 = arith.constant 0 : i32
    %dma_wait3A_134 = tpu.memref_slice %arg7[%dma_wait3A_132, %dma_wait3A_133] : memref<125x40xi32, #tpu.memory_space<vmem>> -> memref<1x40xi32, #tpu.memory_space<vmem>>
    %dma_wait3A_135 = tpu.memref_squeeze %dma_wait3A_134 : memref<1x40xi32, #tpu.memory_space<vmem>> -> memref<40xi32, #tpu.memory_space<vmem>>
    %dma_wait3A_136 = arith.constant 0 : i32
    %dma_wait3A_137 = arith.constant 0 : i32
    %dma_wait3A_138 = tpu.memref_slice %arg11[%dma_wait3A_136, %dma_wait3A_137] : memref<10240x128xf32, #tpu.memory_space<vmem_shared>> -> memref<10240x128xf32, #tpu.memory_space<vmem_shared>>
    tpu.wait_indirect_dma semaphore(%arg16 : memref<!tpu.dma_semaphore, #tpu.memory_space<semaphore_mem>>) src(%arg9 : memref<40x128xf32, #tpu.memory_space<vmem>>) dst(%dma_wait3A_138 : memref<10240x128xf32, #tpu.memory_space<vmem_shared>>)
    %run_scoped3A_139 = arith.constant 1 : i32
    "tpu.region"() ({
      %run_scoped3A_274 = tpu.sem_alloc : memref<!tpu.dma_semaphore, #tpu.memory_space<semaphore_mem>>
      %dma_start3A_275 = arith.constant 0 : i32
      %dma_start3A_276 = arith.constant 0 : i32
      %dma_start3A_277 = tpu.memref_slice %arg4[%add3A, %run_scoped3A_139, %dma_start3A_275, %dma_start3A_276] : memref<32x2x125x40xi32, #tpu.memory_space<hbm>> -> memref<1x1x125x40xi32, #tpu.memory_space<hbm>>
      %dma_start3A_278 = tpu.memref_squeeze %dma_start3A_277 : memref<1x1x125x40xi32, #tpu.memory_space<hbm>> -> memref<125x40xi32, #tpu.memory_space<hbm>>
      %dma_start3A_279 = arith.constant 0 : i32
      %dma_start3A_280 = arith.constant 0 : i32
      %dma_start3A_281 = tpu.memref_slice %arg4[%add3A, %run_scoped3A_139, %dma_start3A_279, %dma_start3A_280] : memref<32x2x125x40xi32, #tpu.memory_space<hbm>> -> memref<1x1x125x40xi32, #tpu.memory_space<hbm>>
      %dma_start3A_282 = tpu.memref_squeeze %dma_start3A_281 : memref<1x1x125x40xi32, #tpu.memory_space<hbm>> -> memref<125x40xi32, #tpu.memory_space<hbm>>
      tpu.enqueue_dma source(%dma_start3A_282 : memref<125x40xi32, #tpu.memory_space<hbm>>) target(%arg7 : memref<125x40xi32, #tpu.memory_space<vmem>>) target_semaphore(%run_scoped3A_274 : memref<!tpu.dma_semaphore, #tpu.memory_space<semaphore_mem>>)
      %dma_wait3A_283 = arith.constant 0 : i32
      %dma_wait3A_284 = arith.constant 0 : i32
      %dma_wait3A_285 = tpu.memref_slice %arg4[%add3A, %run_scoped3A_139, %dma_wait3A_283, %dma_wait3A_284] : memref<32x2x125x40xi32, #tpu.memory_space<hbm>> -> memref<1x1x125x40xi32, #tpu.memory_space<hbm>>
      %dma_wait3A_286 = tpu.memref_squeeze %dma_wait3A_285 : memref<1x1x125x40xi32, #tpu.memory_space<hbm>> -> memref<125x40xi32, #tpu.memory_space<hbm>>
      %dma_wait3A_287 = arith.constant 0 : i32
      %dma_wait3A_288 = arith.constant 0 : i32
      %dma_wait3A_289 = tpu.memref_slice %arg4[%add3A, %run_scoped3A_139, %dma_wait3A_287, %dma_wait3A_288] : memref<32x2x125x40xi32, #tpu.memory_space<hbm>> -> memref<1x1x125x40xi32, #tpu.memory_space<hbm>>
      %dma_wait3A_290 = tpu.memref_squeeze %dma_wait3A_289 : memref<1x1x125x40xi32, #tpu.memory_space<hbm>> -> memref<125x40xi32, #tpu.memory_space<hbm>>
      tpu.wait_dma2 semaphore(%run_scoped3A_274 : memref<!tpu.dma_semaphore, #tpu.memory_space<semaphore_mem>>) src(%dma_wait3A_290 : memref<125x40xi32, #tpu.memory_space<hbm>>) dst(%arg7 : memref<125x40xi32, #tpu.memory_space<vmem>>)
      tpu.yield
    }) : () -> ()
    %dma_start3A_140 = arith.constant 5000 : i32
    %dma_start3A_141 = tpu.memref_slice %arg6[%dma_start3A_140] : memref<10000xi32, #tpu.memory_space<vmem>> -> memref<40xi32, #tpu.memory_space<vmem>>
    %dma_start3A_142 = arith.constant 0 : i32
    %dma_start3A_143 = arith.constant 0 : i32
    %dma_start3A_144 = tpu.memref_slice %arg2[%dma_start3A_142, %dma_start3A_143] : memref<10000x128xf32, #tpu.memory_space<hbm>> -> memref<10000x128xf32, #tpu.memory_space<hbm>>
    tpu.enqueue_indirect_dma source(%dma_start3A_144 : memref<10000x128xf32, #tpu.memory_space<hbm>>) target(%arg8 : memref<40x128xf32, #tpu.memory_space<vmem>>) offsets(%dma_start3A_141 : memref<40xi32, #tpu.memory_space<vmem>>) semaphore(%arg12 : memref<!tpu.dma_semaphore, #tpu.memory_space<semaphore_mem>>)
    %dma_start3A_145 = arith.constant 5040 : i32
    %dma_start3A_146 = tpu.memref_slice %arg6[%dma_start3A_145] : memref<10000xi32, #tpu.memory_space<vmem>> -> memref<40xi32, #tpu.memory_space<vmem>>
    %dma_start3A_147 = arith.constant 0 : i32
    %dma_start3A_148 = arith.constant 0 : i32
    %dma_start3A_149 = tpu.memref_slice %arg2[%dma_start3A_147, %dma_start3A_148] : memref<10000x128xf32, #tpu.memory_space<hbm>> -> memref<10000x128xf32, #tpu.memory_space<hbm>>
    tpu.enqueue_indirect_dma source(%dma_start3A_149 : memref<10000x128xf32, #tpu.memory_space<hbm>>) target(%arg9 : memref<40x128xf32, #tpu.memory_space<vmem>>) offsets(%dma_start3A_146 : memref<40xi32, #tpu.memory_space<vmem>>) semaphore(%arg13 : memref<!tpu.dma_semaphore, #tpu.memory_space<semaphore_mem>>)
    %dma_wait3A_150 = arith.constant 5000 : i32
    %dma_wait3A_151 = tpu.memref_slice %arg6[%dma_wait3A_150] : memref<10000xi32, #tpu.memory_space<vmem>> -> memref<40xi32, #tpu.memory_space<vmem>>
    %dma_wait3A_152 = arith.constant 0 : i32
    %dma_wait3A_153 = arith.constant 0 : i32
    %dma_wait3A_154 = tpu.memref_slice %arg2[%dma_wait3A_152, %dma_wait3A_153] : memref<10000x128xf32, #tpu.memory_space<hbm>> -> memref<10000x128xf32, #tpu.memory_space<hbm>>
    tpu.wait_indirect_dma semaphore(%arg12 : memref<!tpu.dma_semaphore, #tpu.memory_space<semaphore_mem>>) src(%dma_wait3A_154 : memref<10000x128xf32, #tpu.memory_space<hbm>>) dst(%arg8 : memref<40x128xf32, #tpu.memory_space<vmem>>)
    %dma_start3A_155 = arith.constant 0 : i32
    %dma_start3A_156 = arith.constant 0 : i32
    %dma_start3A_157 = tpu.memref_slice %arg7[%dma_start3A_155, %dma_start3A_156] : memref<125x40xi32, #tpu.memory_space<vmem>> -> memref<1x40xi32, #tpu.memory_space<vmem>>
    %dma_start3A_158 = tpu.memref_squeeze %dma_start3A_157 : memref<1x40xi32, #tpu.memory_space<vmem>> -> memref<40xi32, #tpu.memory_space<vmem>>
    %dma_start3A_159 = arith.constant 0 : i32
    %dma_start3A_160 = arith.constant 0 : i32
    %dma_start3A_161 = tpu.memref_slice %arg11[%dma_start3A_159, %dma_start3A_160] : memref<10240x128xf32, #tpu.memory_space<vmem_shared>> -> memref<10240x128xf32, #tpu.memory_space<vmem_shared>>
    tpu.enqueue_indirect_dma source(%arg8 : memref<40x128xf32, #tpu.memory_space<vmem>>) target(%dma_start3A_161 : memref<10240x128xf32, #tpu.memory_space<vmem_shared>>) offsets(%dma_start3A_158 : memref<40xi32, #tpu.memory_space<vmem>>) semaphore(%arg15 : memref<!tpu.dma_semaphore, #tpu.memory_space<semaphore_mem>>) {add = true}
    %dma_start3A_162 = arith.constant 5080 : i32
    %dma_start3A_163 = tpu.memref_slice %arg6[%dma_start3A_162] : memref<10000xi32, #tpu.memory_space<vmem>> -> memref<40xi32, #tpu.memory_space<vmem>>
    %dma_start3A_164 = arith.constant 0 : i32
    %dma_start3A_165 = arith.constant 0 : i32
    %dma_start3A_166 = tpu.memref_slice %arg2[%dma_start3A_164, %dma_start3A_165] : memref<10000x128xf32, #tpu.memory_space<hbm>> -> memref<10000x128xf32, #tpu.memory_space<hbm>>
    tpu.enqueue_indirect_dma source(%dma_start3A_166 : memref<10000x128xf32, #tpu.memory_space<hbm>>) target(%arg10 : memref<40x128xf32, #tpu.memory_space<vmem>>) offsets(%dma_start3A_163 : memref<40xi32, #tpu.memory_space<vmem>>) semaphore(%arg14 : memref<!tpu.dma_semaphore, #tpu.memory_space<semaphore_mem>>)
    %dma_wait3A_167 = arith.constant 5040 : i32
    %dma_wait3A_168 = tpu.memref_slice %arg6[%dma_wait3A_167] : memref<10000xi32, #tpu.memory_space<vmem>> -> memref<40xi32, #tpu.memory_space<vmem>>
    %dma_wait3A_169 = arith.constant 0 : i32
    %dma_wait3A_170 = arith.constant 0 : i32
    %dma_wait3A_171 = tpu.memref_slice %arg2[%dma_wait3A_169, %dma_wait3A_170] : memref<10000x128xf32, #tpu.memory_space<hbm>> -> memref<10000x128xf32, #tpu.memory_space<hbm>>
    tpu.wait_indirect_dma semaphore(%arg13 : memref<!tpu.dma_semaphore, #tpu.memory_space<semaphore_mem>>) src(%dma_wait3A_171 : memref<10000x128xf32, #tpu.memory_space<hbm>>) dst(%arg9 : memref<40x128xf32, #tpu.memory_space<vmem>>)
    %dma_start3A_172 = arith.constant 1 : i32
    %dma_start3A_173 = arith.constant 0 : i32
    %dma_start3A_174 = tpu.memref_slice %arg7[%dma_start3A_172, %dma_start3A_173] : memref<125x40xi32, #tpu.memory_space<vmem>> -> memref<1x40xi32, #tpu.memory_space<vmem>>
    %dma_start3A_175 = tpu.memref_squeeze %dma_start3A_174 : memref<1x40xi32, #tpu.memory_space<vmem>> -> memref<40xi32, #tpu.memory_space<vmem>>
    %dma_start3A_176 = arith.constant 0 : i32
    %dma_start3A_177 = arith.constant 0 : i32
    %dma_start3A_178 = tpu.memref_slice %arg11[%dma_start3A_176, %dma_start3A_177] : memref<10240x128xf32, #tpu.memory_space<vmem_shared>> -> memref<10240x128xf32, #tpu.memory_space<vmem_shared>>
    tpu.enqueue_indirect_dma source(%arg9 : memref<40x128xf32, #tpu.memory_space<vmem>>) target(%dma_start3A_178 : memref<10240x128xf32, #tpu.memory_space<vmem_shared>>) offsets(%dma_start3A_175 : memref<40xi32, #tpu.memory_space<vmem>>) semaphore(%arg16 : memref<!tpu.dma_semaphore, #tpu.memory_space<semaphore_mem>>) {add = true}
    %dma_wait3A_179 = arith.constant 0 : i32
    %dma_wait3A_180 = arith.constant 0 : i32
    %dma_wait3A_181 = tpu.memref_slice %arg7[%dma_wait3A_179, %dma_wait3A_180] : memref<125x40xi32, #tpu.memory_space<vmem>> -> memref<1x40xi32, #tpu.memory_space<vmem>>
    %dma_wait3A_182 = tpu.memref_squeeze %dma_wait3A_181 : memref<1x40xi32, #tpu.memory_space<vmem>> -> memref<40xi32, #tpu.memory_space<vmem>>
    %dma_wait3A_183 = arith.constant 0 : i32
    %dma_wait3A_184 = arith.constant 0 : i32
    %dma_wait3A_185 = tpu.memref_slice %arg11[%dma_wait3A_183, %dma_wait3A_184] : memref<10240x128xf32, #tpu.memory_space<vmem_shared>> -> memref<10240x128xf32, #tpu.memory_space<vmem_shared>>
    tpu.wait_indirect_dma semaphore(%arg15 : memref<!tpu.dma_semaphore, #tpu.memory_space<semaphore_mem>>) src(%arg8 : memref<40x128xf32, #tpu.memory_space<vmem>>) dst(%dma_wait3A_185 : memref<10240x128xf32, #tpu.memory_space<vmem_shared>>)
    %dma_start3A_186 = arith.constant 5120 : i32
    %dma_start3A_187 = tpu.memref_slice %arg6[%dma_start3A_186] : memref<10000xi32, #tpu.memory_space<vmem>> -> memref<40xi32, #tpu.memory_space<vmem>>
    %dma_start3A_188 = arith.constant 0 : i32
    %dma_start3A_189 = arith.constant 0 : i32
    %dma_start3A_190 = tpu.memref_slice %arg2[%dma_start3A_188, %dma_start3A_189] : memref<10000x128xf32, #tpu.memory_space<hbm>> -> memref<10000x128xf32, #tpu.memory_space<hbm>>
    tpu.enqueue_indirect_dma source(%dma_start3A_190 : memref<10000x128xf32, #tpu.memory_space<hbm>>) target(%arg8 : memref<40x128xf32, #tpu.memory_space<vmem>>) offsets(%dma_start3A_187 : memref<40xi32, #tpu.memory_space<vmem>>) semaphore(%arg12 : memref<!tpu.dma_semaphore, #tpu.memory_space<semaphore_mem>>)
    %dma_wait3A_191 = arith.constant 5080 : i32
    %dma_wait3A_192 = tpu.memref_slice %arg6[%dma_wait3A_191] : memref<10000xi32, #tpu.memory_space<vmem>> -> memref<40xi32, #tpu.memory_space<vmem>>
    %dma_wait3A_193 = arith.constant 0 : i32
    %dma_wait3A_194 = arith.constant 0 : i32
    %dma_wait3A_195 = tpu.memref_slice %arg2[%dma_wait3A_193, %dma_wait3A_194] : memref<10000x128xf32, #tpu.memory_space<hbm>> -> memref<10000x128xf32, #tpu.memory_space<hbm>>
    tpu.wait_indirect_dma semaphore(%arg14 : memref<!tpu.dma_semaphore, #tpu.memory_space<semaphore_mem>>) src(%dma_wait3A_195 : memref<10000x128xf32, #tpu.memory_space<hbm>>) dst(%arg10 : memref<40x128xf32, #tpu.memory_space<vmem>>)
    %dma_start3A_196 = arith.constant 2 : i32
    %dma_start3A_197 = arith.constant 0 : i32
    %dma_start3A_198 = tpu.memref_slice %arg7[%dma_start3A_196, %dma_start3A_197] : memref<125x40xi32, #tpu.memory_space<vmem>> -> memref<1x40xi32, #tpu.memory_space<vmem>>
    %dma_start3A_199 = tpu.memref_squeeze %dma_start3A_198 : memref<1x40xi32, #tpu.memory_space<vmem>> -> memref<40xi32, #tpu.memory_space<vmem>>
    %dma_start3A_200 = arith.constant 0 : i32
    %dma_start3A_201 = arith.constant 0 : i32
    %dma_start3A_202 = tpu.memref_slice %arg11[%dma_start3A_200, %dma_start3A_201] : memref<10240x128xf32, #tpu.memory_space<vmem_shared>> -> memref<10240x128xf32, #tpu.memory_space<vmem_shared>>
    tpu.enqueue_indirect_dma source(%arg10 : memref<40x128xf32, #tpu.memory_space<vmem>>) target(%dma_start3A_202 : memref<10240x128xf32, #tpu.memory_space<vmem_shared>>) offsets(%dma_start3A_199 : memref<40xi32, #tpu.memory_space<vmem>>) semaphore(%arg17 : memref<!tpu.dma_semaphore, #tpu.memory_space<semaphore_mem>>) {add = true}
    %dma_wait3A_203 = arith.constant 0 : i32
    %dma_wait3A_204 = arith.constant 0 : i32
    %dma_wait3A_205 = tpu.memref_slice %arg7[%dma_wait3A_203, %dma_wait3A_204] : memref<125x40xi32, #tpu.memory_space<vmem>> -> memref<1x40xi32, #tpu.memory_space<vmem>>
    %dma_wait3A_206 = tpu.memref_squeeze %dma_wait3A_205 : memref<1x40xi32, #tpu.memory_space<vmem>> -> memref<40xi32, #tpu.memory_space<vmem>>
    %dma_wait3A_207 = arith.constant 0 : i32
    %dma_wait3A_208 = arith.constant 0 : i32
    %dma_wait3A_209 = tpu.memref_slice %arg11[%dma_wait3A_207, %dma_wait3A_208] : memref<10240x128xf32, #tpu.memory_space<vmem_shared>> -> memref<10240x128xf32, #tpu.memory_space<vmem_shared>>
    tpu.wait_indirect_dma semaphore(%arg16 : memref<!tpu.dma_semaphore, #tpu.memory_space<semaphore_mem>>) src(%arg9 : memref<40x128xf32, #tpu.memory_space<vmem>>) dst(%dma_wait3A_209 : memref<10240x128xf32, #tpu.memory_space<vmem_shared>>)
    %dma_start3A_210 = arith.constant 5160 : i32
    %dma_start3A_211 = tpu.memref_slice %arg6[%dma_start3A_210] : memref<10000xi32, #tpu.memory_space<vmem>> -> memref<40xi32, #tpu.memory_space<vmem>>
    %dma_start3A_212 = arith.constant 0 : i32
    %dma_start3A_213 = arith.constant 0 : i32
    %dma_start3A_214 = tpu.memref_slice %arg2[%dma_start3A_212, %dma_start3A_213] : memref<10000x128xf32, #tpu.memory_space<hbm>> -> memref<10000x128xf32, #tpu.memory_space<hbm>>
    tpu.enqueue_indirect_dma source(%dma_start3A_214 : memref<10000x128xf32, #tpu.memory_space<hbm>>) target(%arg9 : memref<40x128xf32, #tpu.memory_space<vmem>>) offsets(%dma_start3A_211 : memref<40xi32, #tpu.memory_space<vmem>>) semaphore(%arg13 : memref<!tpu.dma_semaphore, #tpu.memory_space<semaphore_mem>>)
    %scan3A_215 = arith.constant 0 : i32
    %scan3A_216 = arith.constant 0 : i32
    %scan3A_217 = arith.constant 40 : i32
    %scan3A_218 = arith.addi %scan3A_216, %scan3A_217 : i32
    %scan3A_219 = arith.constant 1 : i32
    scf.for %scan3A_274 = %scan3A_216 to %scan3A_218 step %scan3A_219  : i32 {
      %mul3A_275 = arith.constant 3 : i32
      %mul3A_276 = arith.muli %mul3A_275, %scan3A_274 : i32
      %add3A_277 = arith.constant 3 : i32
      %add3A_278 = arith.addi %mul3A_276, %add3A_277 : i32
      %add3A_279 = arith.constant 125 : i32
      %add3A_280 = arith.addi %add3A_279, %add3A_278 : i32
      %mul3A_281 = arith.constant 40 : i32
      %mul3A_282 = arith.muli %add3A_280, %mul3A_281 : i32
      %dma_wait3A_283 = tpu.memref_slice %arg6[%mul3A_282] : memref<10000xi32, #tpu.memory_space<vmem>> -> memref<40xi32, #tpu.memory_space<vmem>>
      %dma_wait3A_284 = arith.constant 0 : i32
      %dma_wait3A_285 = arith.constant 0 : i32
      %dma_wait3A_286 = tpu.memref_slice %arg2[%dma_wait3A_284, %dma_wait3A_285] : memref<10000x128xf32, #tpu.memory_space<hbm>> -> memref<10000x128xf32, #tpu.memory_space<hbm>>
      tpu.wait_indirect_dma semaphore(%arg12 : memref<!tpu.dma_semaphore, #tpu.memory_space<semaphore_mem>>) src(%dma_wait3A_286 : memref<10000x128xf32, #tpu.memory_space<hbm>>) dst(%arg8 : memref<40x128xf32, #tpu.memory_space<vmem>>)
      %dma_start3A_287 = arith.constant 0 : i32
      %dma_start3A_288 = tpu.memref_slice %arg7[%add3A_278, %dma_start3A_287] : memref<125x40xi32, #tpu.memory_space<vmem>> -> memref<1x40xi32, #tpu.memory_space<vmem>>
      %dma_start3A_289 = tpu.memref_squeeze %dma_start3A_288 : memref<1x40xi32, #tpu.memory_space<vmem>> -> memref<40xi32, #tpu.memory_space<vmem>>
      %dma_start3A_290 = arith.constant 0 : i32
      %dma_start3A_291 = arith.constant 0 : i32
      %dma_start3A_292 = tpu.memref_slice %arg11[%dma_start3A_290, %dma_start3A_291] : memref<10240x128xf32, #tpu.memory_space<vmem_shared>> -> memref<10240x128xf32, #tpu.memory_space<vmem_shared>>
      tpu.enqueue_indirect_dma source(%arg8 : memref<40x128xf32, #tpu.memory_space<vmem>>) target(%dma_start3A_292 : memref<10240x128xf32, #tpu.memory_space<vmem_shared>>) offsets(%dma_start3A_289 : memref<40xi32, #tpu.memory_space<vmem>>) semaphore(%arg15 : memref<!tpu.dma_semaphore, #tpu.memory_space<semaphore_mem>>) {add = true}
      %dma_wait3A_293 = arith.constant 0 : i32
      %dma_wait3A_294 = arith.constant 0 : i32
      %dma_wait3A_295 = tpu.memref_slice %arg7[%dma_wait3A_293, %dma_wait3A_294] : memref<125x40xi32, #tpu.memory_space<vmem>> -> memref<1x40xi32, #tpu.memory_space<vmem>>
      %dma_wait3A_296 = tpu.memref_squeeze %dma_wait3A_295 : memref<1x40xi32, #tpu.memory_space<vmem>> -> memref<40xi32, #tpu.memory_space<vmem>>
      %dma_wait3A_297 = arith.constant 0 : i32
      %dma_wait3A_298 = arith.constant 0 : i32
      %dma_wait3A_299 = tpu.memref_slice %arg11[%dma_wait3A_297, %dma_wait3A_298] : memref<10240x128xf32, #tpu.memory_space<vmem_shared>> -> memref<10240x128xf32, #tpu.memory_space<vmem_shared>>
      tpu.wait_indirect_dma semaphore(%arg17 : memref<!tpu.dma_semaphore, #tpu.memory_space<semaphore_mem>>) src(%arg10 : memref<40x128xf32, #tpu.memory_space<vmem>>) dst(%dma_wait3A_299 : memref<10240x128xf32, #tpu.memory_space<vmem_shared>>)
      %add3A_300 = arith.constant 125 : i32
      %add3A_301 = arith.addi %add3A_300, %add3A_278 : i32
      %add3A_302 = arith.constant 2 : i32
      %add3A_303 = arith.addi %add3A_301, %add3A_302 : i32
      %mul3A_304 = arith.constant 40 : i32
      %mul3A_305 = arith.muli %add3A_303, %mul3A_304 : i32
      %dma_start3A_306 = tpu.memref_slice %arg6[%mul3A_305] : memref<10000xi32, #tpu.memory_space<vmem>> -> memref<40xi32, #tpu.memory_space<vmem>>
      %dma_start3A_307 = arith.constant 0 : i32
      %dma_start3A_308 = arith.constant 0 : i32
      %dma_start3A_309 = tpu.memref_slice %arg2[%dma_start3A_307, %dma_start3A_308] : memref<10000x128xf32, #tpu.memory_space<hbm>> -> memref<10000x128xf32, #tpu.memory_space<hbm>>
      tpu.enqueue_indirect_dma source(%dma_start3A_309 : memref<10000x128xf32, #tpu.memory_space<hbm>>) target(%arg10 : memref<40x128xf32, #tpu.memory_space<vmem>>) offsets(%dma_start3A_306 : memref<40xi32, #tpu.memory_space<vmem>>) semaphore(%arg14 : memref<!tpu.dma_semaphore, #tpu.memory_space<semaphore_mem>>)
      %add3A_310 = arith.constant 1 : i32
      %add3A_311 = arith.addi %add3A_278, %add3A_310 : i32
      %add3A_312 = arith.constant 125 : i32
      %add3A_313 = arith.addi %add3A_312, %add3A_311 : i32
      %mul3A_314 = arith.constant 40 : i32
      %mul3A_315 = arith.muli %add3A_313, %mul3A_314 : i32
      %dma_wait3A_316 = tpu.memref_slice %arg6[%mul3A_315] : memref<10000xi32, #tpu.memory_space<vmem>> -> memref<40xi32, #tpu.memory_space<vmem>>
      %dma_wait3A_317 = arith.constant 0 : i32
      %dma_wait3A_318 = arith.constant 0 : i32
      %dma_wait3A_319 = tpu.memref_slice %arg2[%dma_wait3A_317, %dma_wait3A_318] : memref<10000x128xf32, #tpu.memory_space<hbm>> -> memref<10000x128xf32, #tpu.memory_space<hbm>>
      tpu.wait_indirect_dma semaphore(%arg13 : memref<!tpu.dma_semaphore, #tpu.memory_space<semaphore_mem>>) src(%dma_wait3A_319 : memref<10000x128xf32, #tpu.memory_space<hbm>>) dst(%arg9 : memref<40x128xf32, #tpu.memory_space<vmem>>)
      %dma_start3A_320 = arith.constant 0 : i32
      %dma_start3A_321 = tpu.memref_slice %arg7[%add3A_311, %dma_start3A_320] : memref<125x40xi32, #tpu.memory_space<vmem>> -> memref<1x40xi32, #tpu.memory_space<vmem>>
      %dma_start3A_322 = tpu.memref_squeeze %dma_start3A_321 : memref<1x40xi32, #tpu.memory_space<vmem>> -> memref<40xi32, #tpu.memory_space<vmem>>
      %dma_start3A_323 = arith.constant 0 : i32
      %dma_start3A_324 = arith.constant 0 : i32
      %dma_start3A_325 = tpu.memref_slice %arg11[%dma_start3A_323, %dma_start3A_324] : memref<10240x128xf32, #tpu.memory_space<vmem_shared>> -> memref<10240x128xf32, #tpu.memory_space<vmem_shared>>
      tpu.enqueue_indirect_dma source(%arg9 : memref<40x128xf32, #tpu.memory_space<vmem>>) target(%dma_start3A_325 : memref<10240x128xf32, #tpu.memory_space<vmem_shared>>) offsets(%dma_start3A_322 : memref<40xi32, #tpu.memory_space<vmem>>) semaphore(%arg16 : memref<!tpu.dma_semaphore, #tpu.memory_space<semaphore_mem>>) {add = true}
      %dma_wait3A_326 = arith.constant 0 : i32
      %dma_wait3A_327 = arith.constant 0 : i32
      %dma_wait3A_328 = tpu.memref_slice %arg7[%dma_wait3A_326, %dma_wait3A_327] : memref<125x40xi32, #tpu.memory_space<vmem>> -> memref<1x40xi32, #tpu.memory_space<vmem>>
      %dma_wait3A_329 = tpu.memref_squeeze %dma_wait3A_328 : memref<1x40xi32, #tpu.memory_space<vmem>> -> memref<40xi32, #tpu.memory_space<vmem>>
      %dma_wait3A_330 = arith.constant 0 : i32
      %dma_wait3A_331 = arith.constant 0 : i32
      %dma_wait3A_332 = tpu.memref_slice %arg11[%dma_wait3A_330, %dma_wait3A_331] : memref<10240x128xf32, #tpu.memory_space<vmem_shared>> -> memref<10240x128xf32, #tpu.memory_space<vmem_shared>>
      tpu.wait_indirect_dma semaphore(%arg15 : memref<!tpu.dma_semaphore, #tpu.memory_space<semaphore_mem>>) src(%arg8 : memref<40x128xf32, #tpu.memory_space<vmem>>) dst(%dma_wait3A_332 : memref<10240x128xf32, #tpu.memory_space<vmem_shared>>)
      %add3A_333 = arith.constant 125 : i32
      %add3A_334 = arith.addi %add3A_333, %add3A_311 : i32
      %add3A_335 = arith.constant 2 : i32
      %add3A_336 = arith.addi %add3A_334, %add3A_335 : i32
      %mul3A_337 = arith.constant 40 : i32
      %mul3A_338 = arith.muli %add3A_336, %mul3A_337 : i32
      %dma_start3A_339 = tpu.memref_slice %arg6[%mul3A_338] : memref<10000xi32, #tpu.memory_space<vmem>> -> memref<40xi32, #tpu.memory_space<vmem>>
      %dma_start3A_340 = arith.constant 0 : i32
      %dma_start3A_341 = arith.constant 0 : i32
      %dma_start3A_342 = tpu.memref_slice %arg2[%dma_start3A_340, %dma_start3A_341] : memref<10000x128xf32, #tpu.memory_space<hbm>> -> memref<10000x128xf32, #tpu.memory_space<hbm>>
      tpu.enqueue_indirect_dma source(%dma_start3A_342 : memref<10000x128xf32, #tpu.memory_space<hbm>>) target(%arg8 : memref<40x128xf32, #tpu.memory_space<vmem>>) offsets(%dma_start3A_339 : memref<40xi32, #tpu.memory_space<vmem>>) semaphore(%arg12 : memref<!tpu.dma_semaphore, #tpu.memory_space<semaphore_mem>>)
      %add3A_343 = arith.constant 2 : i32
      %add3A_344 = arith.addi %add3A_278, %add3A_343 : i32
      %add3A_345 = arith.constant 125 : i32
      %add3A_346 = arith.addi %add3A_345, %add3A_344 : i32
      %mul3A_347 = arith.constant 40 : i32
      %mul3A_348 = arith.muli %add3A_346, %mul3A_347 : i32
      %dma_wait3A_349 = tpu.memref_slice %arg6[%mul3A_348] : memref<10000xi32, #tpu.memory_space<vmem>> -> memref<40xi32, #tpu.memory_space<vmem>>
      %dma_wait3A_350 = arith.constant 0 : i32
      %dma_wait3A_351 = arith.constant 0 : i32
      %dma_wait3A_352 = tpu.memref_slice %arg2[%dma_wait3A_350, %dma_wait3A_351] : memref<10000x128xf32, #tpu.memory_space<hbm>> -> memref<10000x128xf32, #tpu.memory_space<hbm>>
      tpu.wait_indirect_dma semaphore(%arg14 : memref<!tpu.dma_semaphore, #tpu.memory_space<semaphore_mem>>) src(%dma_wait3A_352 : memref<10000x128xf32, #tpu.memory_space<hbm>>) dst(%arg10 : memref<40x128xf32, #tpu.memory_space<vmem>>)
      %dma_start3A_353 = arith.constant 0 : i32
      %dma_start3A_354 = tpu.memref_slice %arg7[%add3A_344, %dma_start3A_353] : memref<125x40xi32, #tpu.memory_space<vmem>> -> memref<1x40xi32, #tpu.memory_space<vmem>>
      %dma_start3A_355 = tpu.memref_squeeze %dma_start3A_354 : memref<1x40xi32, #tpu.memory_space<vmem>> -> memref<40xi32, #tpu.memory_space<vmem>>
      %dma_start3A_356 = arith.constant 0 : i32
      %dma_start3A_357 = arith.constant 0 : i32
      %dma_start3A_358 = tpu.memref_slice %arg11[%dma_start3A_356, %dma_start3A_357] : memref<10240x128xf32, #tpu.memory_space<vmem_shared>> -> memref<10240x128xf32, #tpu.memory_space<vmem_shared>>
      tpu.enqueue_indirect_dma source(%arg10 : memref<40x128xf32, #tpu.memory_space<vmem>>) target(%dma_start3A_358 : memref<10240x128xf32, #tpu.memory_space<vmem_shared>>) offsets(%dma_start3A_355 : memref<40xi32, #tpu.memory_space<vmem>>) semaphore(%arg17 : memref<!tpu.dma_semaphore, #tpu.memory_space<semaphore_mem>>) {add = true}
      %dma_wait3A_359 = arith.constant 0 : i32
      %dma_wait3A_360 = arith.constant 0 : i32
      %dma_wait3A_361 = tpu.memref_slice %arg7[%dma_wait3A_359, %dma_wait3A_360] : memref<125x40xi32, #tpu.memory_space<vmem>> -> memref<1x40xi32, #tpu.memory_space<vmem>>
      %dma_wait3A_362 = tpu.memref_squeeze %dma_wait3A_361 : memref<1x40xi32, #tpu.memory_space<vmem>> -> memref<40xi32, #tpu.memory_space<vmem>>
      %dma_wait3A_363 = arith.constant 0 : i32
      %dma_wait3A_364 = arith.constant 0 : i32
      %dma_wait3A_365 = tpu.memref_slice %arg11[%dma_wait3A_363, %dma_wait3A_364] : memref<10240x128xf32, #tpu.memory_space<vmem_shared>> -> memref<10240x128xf32, #tpu.memory_space<vmem_shared>>
      tpu.wait_indirect_dma semaphore(%arg16 : memref<!tpu.dma_semaphore, #tpu.memory_space<semaphore_mem>>) src(%arg9 : memref<40x128xf32, #tpu.memory_space<vmem>>) dst(%dma_wait3A_365 : memref<10240x128xf32, #tpu.memory_space<vmem_shared>>)
      %add3A_366 = arith.constant 125 : i32
      %add3A_367 = arith.addi %add3A_366, %add3A_344 : i32
      %add3A_368 = arith.constant 2 : i32
      %add3A_369 = arith.addi %add3A_367, %add3A_368 : i32
      %mul3A_370 = arith.constant 40 : i32
      %mul3A_371 = arith.muli %add3A_369, %mul3A_370 : i32
      %dma_start3A_372 = tpu.memref_slice %arg6[%mul3A_371] : memref<10000xi32, #tpu.memory_space<vmem>> -> memref<40xi32, #tpu.memory_space<vmem>>
      %dma_start3A_373 = arith.constant 0 : i32
      %dma_start3A_374 = arith.constant 0 : i32
      %dma_start3A_375 = tpu.memref_slice %arg2[%dma_start3A_373, %dma_start3A_374] : memref<10000x128xf32, #tpu.memory_space<hbm>> -> memref<10000x128xf32, #tpu.memory_space<hbm>>
      tpu.enqueue_indirect_dma source(%dma_start3A_375 : memref<10000x128xf32, #tpu.memory_space<hbm>>) target(%arg9 : memref<40x128xf32, #tpu.memory_space<vmem>>) offsets(%dma_start3A_372 : memref<40xi32, #tpu.memory_space<vmem>>) semaphore(%arg13 : memref<!tpu.dma_semaphore, #tpu.memory_space<semaphore_mem>>)
    }
    %scan3A_220 = arith.constant 40 : i32
    %dma_wait3A_221 = arith.constant 9920 : i32
    %dma_wait3A_222 = tpu.memref_slice %arg6[%dma_wait3A_221] : memref<10000xi32, #tpu.memory_space<vmem>> -> memref<40xi32, #tpu.memory_space<vmem>>
    %dma_wait3A_223 = arith.constant 0 : i32
    %dma_wait3A_224 = arith.constant 0 : i32
    %dma_wait3A_225 = tpu.memref_slice %arg2[%dma_wait3A_223, %dma_wait3A_224] : memref<10000x128xf32, #tpu.memory_space<hbm>> -> memref<10000x128xf32, #tpu.memory_space<hbm>>
    tpu.wait_indirect_dma semaphore(%arg12 : memref<!tpu.dma_semaphore, #tpu.memory_space<semaphore_mem>>) src(%dma_wait3A_225 : memref<10000x128xf32, #tpu.memory_space<hbm>>) dst(%arg8 : memref<40x128xf32, #tpu.memory_space<vmem>>)
    %dma_start3A_226 = arith.constant 123 : i32
    %dma_start3A_227 = arith.constant 0 : i32
    %dma_start3A_228 = tpu.memref_slice %arg7[%dma_start3A_226, %dma_start3A_227] : memref<125x40xi32, #tpu.memory_space<vmem>> -> memref<1x40xi32, #tpu.memory_space<vmem>>
    %dma_start3A_229 = tpu.memref_squeeze %dma_start3A_228 : memref<1x40xi32, #tpu.memory_space<vmem>> -> memref<40xi32, #tpu.memory_space<vmem>>
    %dma_start3A_230 = arith.constant 0 : i32
    %dma_start3A_231 = arith.constant 0 : i32
    %dma_start3A_232 = tpu.memref_slice %arg11[%dma_start3A_230, %dma_start3A_231] : memref<10240x128xf32, #tpu.memory_space<vmem_shared>> -> memref<10240x128xf32, #tpu.memory_space<vmem_shared>>
    tpu.enqueue_indirect_dma source(%arg8 : memref<40x128xf32, #tpu.memory_space<vmem>>) target(%dma_start3A_232 : memref<10240x128xf32, #tpu.memory_space<vmem_shared>>) offsets(%dma_start3A_229 : memref<40xi32, #tpu.memory_space<vmem>>) semaphore(%arg15 : memref<!tpu.dma_semaphore, #tpu.memory_space<semaphore_mem>>) {add = true}
    %dma_wait3A_233 = arith.constant 0 : i32
    %dma_wait3A_234 = arith.constant 0 : i32
    %dma_wait3A_235 = tpu.memref_slice %arg7[%dma_wait3A_233, %dma_wait3A_234] : memref<125x40xi32, #tpu.memory_space<vmem>> -> memref<1x40xi32, #tpu.memory_space<vmem>>
    %dma_wait3A_236 = tpu.memref_squeeze %dma_wait3A_235 : memref<1x40xi32, #tpu.memory_space<vmem>> -> memref<40xi32, #tpu.memory_space<vmem>>
    %dma_wait3A_237 = arith.constant 0 : i32
    %dma_wait3A_238 = arith.constant 0 : i32
    %dma_wait3A_239 = tpu.memref_slice %arg11[%dma_wait3A_237, %dma_wait3A_238] : memref<10240x128xf32, #tpu.memory_space<vmem_shared>> -> memref<10240x128xf32, #tpu.memory_space<vmem_shared>>
    tpu.wait_indirect_dma semaphore(%arg17 : memref<!tpu.dma_semaphore, #tpu.memory_space<semaphore_mem>>) src(%arg10 : memref<40x128xf32, #tpu.memory_space<vmem>>) dst(%dma_wait3A_239 : memref<10240x128xf32, #tpu.memory_space<vmem_shared>>)
    %dma_wait3A_240 = arith.constant 9960 : i32
    %dma_wait3A_241 = tpu.memref_slice %arg6[%dma_wait3A_240] : memref<10000xi32, #tpu.memory_space<vmem>> -> memref<40xi32, #tpu.memory_space<vmem>>
    %dma_wait3A_242 = arith.constant 0 : i32
    %dma_wait3A_243 = arith.constant 0 : i32
    %dma_wait3A_244 = tpu.memref_slice %arg2[%dma_wait3A_242, %dma_wait3A_243] : memref<10000x128xf32, #tpu.memory_space<hbm>> -> memref<10000x128xf32, #tpu.memory_space<hbm>>
    tpu.wait_indirect_dma semaphore(%arg13 : memref<!tpu.dma_semaphore, #tpu.memory_space<semaphore_mem>>) src(%dma_wait3A_244 : memref<10000x128xf32, #tpu.memory_space<hbm>>) dst(%arg9 : memref<40x128xf32, #tpu.memory_space<vmem>>)
    %dma_start3A_245 = arith.constant 124 : i32
    %dma_start3A_246 = arith.constant 0 : i32
    %dma_start3A_247 = tpu.memref_slice %arg7[%dma_start3A_245, %dma_start3A_246] : memref<125x40xi32, #tpu.memory_space<vmem>> -> memref<1x40xi32, #tpu.memory_space<vmem>>
    %dma_start3A_248 = tpu.memref_squeeze %dma_start3A_247 : memref<1x40xi32, #tpu.memory_space<vmem>> -> memref<40xi32, #tpu.memory_space<vmem>>
    %dma_start3A_249 = arith.constant 0 : i32
    %dma_start3A_250 = arith.constant 0 : i32
    %dma_start3A_251 = tpu.memref_slice %arg11[%dma_start3A_249, %dma_start3A_250] : memref<10240x128xf32, #tpu.memory_space<vmem_shared>> -> memref<10240x128xf32, #tpu.memory_space<vmem_shared>>
    tpu.enqueue_indirect_dma source(%arg9 : memref<40x128xf32, #tpu.memory_space<vmem>>) target(%dma_start3A_251 : memref<10240x128xf32, #tpu.memory_space<vmem_shared>>) offsets(%dma_start3A_248 : memref<40xi32, #tpu.memory_space<vmem>>) semaphore(%arg16 : memref<!tpu.dma_semaphore, #tpu.memory_space<semaphore_mem>>) {add = true}
    %dma_wait3A_252 = arith.constant 0 : i32
    %dma_wait3A_253 = arith.constant 0 : i32
    %dma_wait3A_254 = tpu.memref_slice %arg7[%dma_wait3A_252, %dma_wait3A_253] : memref<125x40xi32, #tpu.memory_space<vmem>> -> memref<1x40xi32, #tpu.memory_space<vmem>>
    %dma_wait3A_255 = tpu.memref_squeeze %dma_wait3A_254 : memref<1x40xi32, #tpu.memory_space<vmem>> -> memref<40xi32, #tpu.memory_space<vmem>>
    %dma_wait3A_256 = arith.constant 0 : i32
    %dma_wait3A_257 = arith.constant 0 : i32
    %dma_wait3A_258 = tpu.memref_slice %arg11[%dma_wait3A_256, %dma_wait3A_257] : memref<10240x128xf32, #tpu.memory_space<vmem_shared>> -> memref<10240x128xf32, #tpu.memory_space<vmem_shared>>
    tpu.wait_indirect_dma semaphore(%arg15 : memref<!tpu.dma_semaphore, #tpu.memory_space<semaphore_mem>>) src(%arg8 : memref<40x128xf32, #tpu.memory_space<vmem>>) dst(%dma_wait3A_258 : memref<10240x128xf32, #tpu.memory_space<vmem_shared>>)
    %dma_wait3A_259 = arith.constant 0 : i32
    %dma_wait3A_260 = arith.constant 0 : i32
    %dma_wait3A_261 = tpu.memref_slice %arg7[%dma_wait3A_259, %dma_wait3A_260] : memref<125x40xi32, #tpu.memory_space<vmem>> -> memref<1x40xi32, #tpu.memory_space<vmem>>
    %dma_wait3A_262 = tpu.memref_squeeze %dma_wait3A_261 : memref<1x40xi32, #tpu.memory_space<vmem>> -> memref<40xi32, #tpu.memory_space<vmem>>
    %dma_wait3A_263 = arith.constant 0 : i32
    %dma_wait3A_264 = arith.constant 0 : i32
    %dma_wait3A_265 = tpu.memref_slice %arg11[%dma_wait3A_263, %dma_wait3A_264] : memref<10240x128xf32, #tpu.memory_space<vmem_shared>> -> memref<10240x128xf32, #tpu.memory_space<vmem_shared>>
    tpu.wait_indirect_dma semaphore(%arg16 : memref<!tpu.dma_semaphore, #tpu.memory_space<semaphore_mem>>) src(%arg9 : memref<40x128xf32, #tpu.memory_space<vmem>>) dst(%dma_wait3A_265 : memref<10240x128xf32, #tpu.memory_space<vmem_shared>>)
    %barrier3A_266 = arith.constant 0 : index
    tpu.barrier barrier_id(%barrier3A_266)
    %mul3A_267 = arith.constant 640 : i32
    %mul3A_268 = arith.muli %arg1, %mul3A_267 : i32
    %mul3A_269 = arith.constant 10240 : i32
    %mul3A_270 = arith.muli %arg0, %mul3A_269 : i32
    %mul3A_271 = arith.constant 640 : i32
    %mul3A_272 = arith.muli %arg1, %mul3A_271 : i32
    %add3A_273 = arith.addi %mul3A_270, %mul3A_272 : i32
    "tpu.region"() ({
      %run_scoped3A_274 = tpu.sem_alloc : memref<!tpu.dma_semaphore, #tpu.memory_space<semaphore_mem>>
      %dma_start3A_275 = arith.constant 0 : i32
      %dma_start3A_276 = tpu.memref_slice %arg5[%add3A_273, %dma_start3A_275] : memref<20480x128xf32, #tpu.memory_space<hbm>> -> memref<640x128xf32, #tpu.memory_space<hbm>>
      %dma_start3A_277 = arith.constant 0 : i32
      %dma_start3A_278 = tpu.memref_slice %arg11[%mul3A_268, %dma_start3A_277] : memref<10240x128xf32, #tpu.memory_space<vmem_shared>> -> memref<640x128xf32, #tpu.memory_space<vmem_shared>>
      tpu.enqueue_dma source(%dma_start3A_278 : memref<640x128xf32, #tpu.memory_space<vmem_shared>>) target(%dma_start3A_276 : memref<640x128xf32, #tpu.memory_space<hbm>>) target_semaphore(%run_scoped3A_274 : memref<!tpu.dma_semaphore, #tpu.memory_space<semaphore_mem>>)
      %dma_wait3A_279 = arith.constant 0 : i32
      %dma_wait3A_280 = tpu.memref_slice %arg5[%add3A_273, %dma_wait3A_279] : memref<20480x128xf32, #tpu.memory_space<hbm>> -> memref<640x128xf32, #tpu.memory_space<hbm>>
      %dma_wait3A_281 = arith.constant 0 : i32
      %dma_wait3A_282 = tpu.memref_slice %arg11[%mul3A_268, %dma_wait3A_281] : memref<10240x128xf32, #tpu.memory_space<vmem_shared>> -> memref<640x128xf32, #tpu.memory_space<vmem_shared>>
      tpu.wait_dma2 semaphore(%run_scoped3A_274 : memref<!tpu.dma_semaphore, #tpu.memory_space<semaphore_mem>>) src(%dma_wait3A_282 : memref<640x128xf32, #tpu.memory_space<vmem_shared>>) dst(%dma_wait3A_280 : memref<640x128xf32, #tpu.memory_space<hbm>>)
      tpu.yield
    }) : () -> ()
    return
  }
}

#map = affine_map<(d0, d1) -> (0, 0)>
#map1 = affine_map<(d0, d1) -> (0)>
#map2 = affine_map<(d0, d1) -> (0, 0, 0, 0)>
module attributes {stable_mosaic.version = 14 : i64} {
  func.func @_edge_body(%arg0: i32, %arg1: i32, %arg2: memref<10000x128xf32, #tpu.memory_space<hbm>>, %arg3: memref<320000xi32, #tpu.memory_space<hbm>>, %arg4: memref<32x2x125x40xi32, #tpu.memory_space<hbm>>, %arg5: memref<20480x128xf32, #tpu.memory_space<hbm>>, %arg6: memref<10000xi32, #tpu.memory_space<vmem>>, %arg7: memref<125x40xi32, #tpu.memory_space<vmem>>, %arg8: memref<40x128xf32, #tpu.memory_space<vmem>>, %arg9: memref<40x128xf32, #tpu.memory_space<vmem>>, %arg10: memref<40x128xf32, #tpu.memory_space<vmem>>, %arg11: memref<10240x128xf32, #tpu.memory_space<vmem_shared>>, %arg12: memref<!tpu.dma_semaphore, #tpu.memory_space<semaphore_mem>>, %arg13: memref<!tpu.dma_semaphore, #tpu.memory_space<semaphore_mem>>, %arg14: memref<!tpu.dma_semaphore, #tpu.memory_space<semaphore_mem>>, %arg15: memref<!tpu.dma_semaphore, #tpu.memory_space<semaphore_mem>>, %arg16: memref<!tpu.dma_semaphore, #tpu.memory_space<semaphore_mem>>, %arg17: memref<!tpu.dma_semaphore, #tpu.memory_space<semaphore_mem>>) attributes {dimension_semantics = [#tpu.dimension_semantics<core_parallel>, #tpu.dimension_semantics<subcore_parallel>], iteration_bounds = array<i64: 2, 16>, scalar_prefetch = 0 : i64, scratch_operands = 12 : i64, tpu.core_type = #tpu.core_type<sc_vector_subcore>, window_params = [{transform_indices = #map}, {transform_indices = #map1}, {transform_indices = #map2}, {transform_indices = #map}]} {
    %mul3A = arith.constant 16 : i32
    %mul3A_0 = arith.muli %arg0, %mul3A : i32
    %add3A = arith.addi %mul3A_0, %arg1 : i32
    %broadcast_in_dim3A = arith.constant 0.000000e+00 : f32
    %broadcast_in_dim3A_1 = vector.broadcast %broadcast_in_dim3A : f32 to vector<16xf32>
    %scan3A = arith.constant 0 : i32
    %scan3A_2 = arith.constant 0 : i32
    %scan3A_3 = arith.constant 40 : i32
    %scan3A_4 = arith.addi %scan3A_2, %scan3A_3 : i32
    %scan3A_5 = arith.constant 1 : i32
    scf.for %scan3A_274 = %scan3A_2 to %scan3A_4 step %scan3A_5  : i32 {
      %swap3A = arith.index_cast %scan3A_274 : i32 to index
      %swap3A_275 = arith.constant 0 : index
      %swap3A_276 = tpu.vector_load %arg8[%swap3A, %swap3A_275] {strides = array<i32>} : memref<40x128xf32, #tpu.memory_space<vmem>>, vector<1x16xf32>,
      %swap3A_277 = vector.shape_cast %swap3A_276 : vector<1x16xf32> to vector<16xf32>
      %swap3A_278 = vector.shape_cast %broadcast_in_dim3A_1 : vector<16xf32> to vector<1x16xf32>
      tpu.vector_store %arg8[%swap3A, %swap3A_275], %swap3A_278 {strides = array<i32>} : memref<40x128xf32, #tpu.memory_space<vmem>>, vector<1x16xf32>,
      %swap3A_279 = arith.index_cast %scan3A_274 : i32 to index
      %swap3A_280 = arith.constant 16 : index
      %swap3A_281 = tpu.vector_load %arg8[%swap3A_279, %swap3A_280] {strides = array<i32>} : memref<40x128xf32, #tpu.memory_space<vmem>>, vector<1x16xf32>,
      %swap3A_282 = vector.shape_cast %swap3A_281 : vector<1x16xf32> to vector<16xf32>
      %swap3A_283 = vector.shape_cast %broadcast_in_dim3A_1 : vector<16xf32> to vector<1x16xf32>
      tpu.vector_store %arg8[%swap3A_279, %swap3A_280], %swap3A_283 {strides = array<i32>} : memref<40x128xf32, #tpu.memory_space<vmem>>, vector<1x16xf32>,
      %swap3A_284 = arith.index_cast %scan3A_274 : i32 to index
      %swap3A_285 = arith.constant 32 : index
      %swap3A_286 = tpu.vector_load %arg8[%swap3A_284, %swap3A_285] {strides = array<i32>} : memref<40x128xf32, #tpu.memory_space<vmem>>, vector<1x16xf32>,
      %swap3A_287 = vector.shape_cast %swap3A_286 : vector<1x16xf32> to vector<16xf32>
      %swap3A_288 = vector.shape_cast %broadcast_in_dim3A_1 : vector<16xf32> to vector<1x16xf32>
      tpu.vector_store %arg8[%swap3A_284, %swap3A_285], %swap3A_288 {strides = array<i32>} : memref<40x128xf32, #tpu.memory_space<vmem>>, vector<1x16xf32>,
      %swap3A_289 = arith.index_cast %scan3A_274 : i32 to index
      %swap3A_290 = arith.constant 48 : index
      %swap3A_291 = tpu.vector_load %arg8[%swap3A_289, %swap3A_290] {strides = array<i32>} : memref<40x128xf32, #tpu.memory_space<vmem>>, vector<1x16xf32>,
      %swap3A_292 = vector.shape_cast %swap3A_291 : vector<1x16xf32> to vector<16xf32>
      %swap3A_293 = vector.shape_cast %broadcast_in_dim3A_1 : vector<16xf32> to vector<1x16xf32>
      tpu.vector_store %arg8[%swap3A_289, %swap3A_290], %swap3A_293 {strides = array<i32>} : memref<40x128xf32, #tpu.memory_space<vmem>>, vector<1x16xf32>,
      %swap3A_294 = arith.index_cast %scan3A_274 : i32 to index
      %swap3A_295 = arith.constant 64 : index
      %swap3A_296 = tpu.vector_load %arg8[%swap3A_294, %swap3A_295] {strides = array<i32>} : memref<40x128xf32, #tpu.memory_space<vmem>>, vector<1x16xf32>,
      %swap3A_297 = vector.shape_cast %swap3A_296 : vector<1x16xf32> to vector<16xf32>
      %swap3A_298 = vector.shape_cast %broadcast_in_dim3A_1 : vector<16xf32> to vector<1x16xf32>
      tpu.vector_store %arg8[%swap3A_294, %swap3A_295], %swap3A_298 {strides = array<i32>} : memref<40x128xf32, #tpu.memory_space<vmem>>, vector<1x16xf32>,
      %swap3A_299 = arith.index_cast %scan3A_274 : i32 to index
      %swap3A_300 = arith.constant 80 : index
      %swap3A_301 = tpu.vector_load %arg8[%swap3A_299, %swap3A_300] {strides = array<i32>} : memref<40x128xf32, #tpu.memory_space<vmem>>, vector<1x16xf32>,
      %swap3A_302 = vector.shape_cast %swap3A_301 : vector<1x16xf32> to vector<16xf32>
      %swap3A_303 = vector.shape_cast %broadcast_in_dim3A_1 : vector<16xf32> to vector<1x16xf32>
      tpu.vector_store %arg8[%swap3A_299, %swap3A_300], %swap3A_303 {strides = array<i32>} : memref<40x128xf32, #tpu.memory_space<vmem>>, vector<1x16xf32>,
      %swap3A_304 = arith.index_cast %scan3A_274 : i32 to index
      %swap3A_305 = arith.constant 96 : index
      %swap3A_306 = tpu.vector_load %arg8[%swap3A_304, %swap3A_305] {strides = array<i32>} : memref<40x128xf32, #tpu.memory_space<vmem>>, vector<1x16xf32>,
      %swap3A_307 = vector.shape_cast %swap3A_306 : vector<1x16xf32> to vector<16xf32>
      %swap3A_308 = vector.shape_cast %broadcast_in_dim3A_1 : vector<16xf32> to vector<1x16xf32>
      tpu.vector_store %arg8[%swap3A_304, %swap3A_305], %swap3A_308 {strides = array<i32>} : memref<40x128xf32, #tpu.memory_space<vmem>>, vector<1x16xf32>,
      %swap3A_309 = arith.index_cast %scan3A_274 : i32 to index
      %swap3A_310 = arith.constant 112 : index
      %swap3A_311 = tpu.vector_load %arg8[%swap3A_309, %swap3A_310] {strides = array<i32>} : memref<40x128xf32, #tpu.memory_space<vmem>>, vector<1x16xf32>,
      %swap3A_312 = vector.shape_cast %swap3A_311 : vector<1x16xf32> to vector<16xf32>
      %swap3A_313 = vector.shape_cast %broadcast_in_dim3A_1 : vector<16xf32> to vector<1x16xf32>
      tpu.vector_store %arg8[%swap3A_309, %swap3A_310], %swap3A_313 {strides = array<i32>} : memref<40x128xf32, #tpu.memory_space<vmem>>, vector<1x16xf32>,
    }
    %scan3A_6 = arith.constant 40 : i32
    %scan3A_7 = arith.constant 0 : i32
    %scan3A_8 = arith.constant 0 : i32
    %scan3A_9 = arith.constant 16 : i32
    %scan3A_10 = arith.addi %scan3A_8, %scan3A_9 : i32
    %scan3A_11 = arith.constant 1 : i32
    scf.for %scan3A_274 = %scan3A_8 to %scan3A_10 step %scan3A_11  : i32 {
      %mul3A_275 = arith.constant 640 : i32
      %mul3A_276 = arith.muli %arg1, %mul3A_275 : i32
      %mul3A_277 = arith.constant 40 : i32
      %mul3A_278 = arith.muli %scan3A_274, %mul3A_277 : i32
      %add3A_279 = arith.addi %mul3A_276, %mul3A_278 : i32
      "tpu.region"() ({
        %run_scoped3A_280 = tpu.sem_alloc : memref<!tpu.dma_semaphore, #tpu.memory_space<semaphore_mem>>
        %dma_start3A_281 = arith.constant 0 : i32
        %dma_start3A_282 = tpu.memref_slice %arg11[%add3A_279, %dma_start3A_281] : memref<10240x128xf32, #tpu.memory_space<vmem_shared>> -> memref<40x128xf32, #tpu.memory_space<vmem_shared>>
        %dma_start3A_283 = arith.constant 0 : i32
        %dma_start3A_284 = tpu.memref_slice %arg11[%add3A_279, %dma_start3A_283] : memref<10240x128xf32, #tpu.memory_space<vmem_shared>> -> memref<40x128xf32, #tpu.memory_space<vmem_shared>>
        tpu.enqueue_dma source(%arg8 : memref<40x128xf32, #tpu.memory_space<vmem>>) target(%dma_start3A_284 : memref<40x128xf32, #tpu.memory_space<vmem_shared>>) target_semaphore(%run_scoped3A_280 : memref<!tpu.dma_semaphore, #tpu.memory_space<semaphore_mem>>)
        %dma_wait3A_285 = arith.constant 0 : i32
        %dma_wait3A_286 = tpu.memref_slice %arg11[%add3A_279, %dma_wait3A_285] : memref<10240x128xf32, #tpu.memory_space<vmem_shared>> -> memref<40x128xf32, #tpu.memory_space<vmem_shared>>
        %dma_wait3A_287 = arith.constant 0 : i32
        %dma_wait3A_288 = tpu.memref_slice %arg11[%add3A_279, %dma_wait3A_287] : memref<10240x128xf32, #tpu.memory_space<vmem_shared>> -> memref<40x128xf32, #tpu.memory_space<vmem_shared>>
        tpu.wait_dma2 semaphore(%run_scoped3A_280 : memref<!tpu.dma_semaphore, #tpu.memory_space<semaphore_mem>>) src(%arg8 : memref<40x128xf32, #tpu.memory_space<vmem>>) dst(%dma_wait3A_288 : memref<40x128xf32, #tpu.memory_space<vmem_shared>>)
        tpu.yield
      }) : () -> ()
    }
    %scan3A_12 = arith.constant 16 : i32
    %mul3A_13 = arith.constant 10000 : i32
    %mul3A_14 = arith.muli %add3A, %mul3A_13 : i32
    "tpu.region"() ({
      %run_scoped3A_274 = tpu.sem_alloc : memref<!tpu.dma_semaphore, #tpu.memory_space<semaphore_mem>>
      %dma_start3A_275 = tpu.memref_slice %arg3[%mul3A_14] : memref<320000xi32, #tpu.memory_space<hbm>> -> memref<10000xi32, #tpu.memory_space<hbm>>
      %dma_start3A_276 = tpu.memref_slice %arg3[%mul3A_14] : memref<320000xi32, #tpu.memory_space<hbm>> -> memref<10000xi32, #tpu.memory_space<hbm>>
      tpu.enqueue_dma source(%dma_start3A_276 : memref<10000xi32, #tpu.memory_space<hbm>>) target(%arg6 : memref<10000xi32, #tpu.memory_space<vmem>>) target_semaphore(%run_scoped3A_274 : memref<!tpu.dma_semaphore, #tpu.memory_space<semaphore_mem>>)
      %dma_wait3A_277 = tpu.memref_slice %arg3[%mul3A_14] : memref<320000xi32, #tpu.memory_space<hbm>> -> memref<10000xi32, #tpu.memory_space<hbm>>
      %dma_wait3A_278 = tpu.memref_slice %arg3[%mul3A_14] : memref<320000xi32, #tpu.memory_space<hbm>> -> memref<10000xi32, #tpu.memory_space<hbm>>
      tpu.wait_dma2 semaphore(%run_scoped3A_274 : memref<!tpu.dma_semaphore, #tpu.memory_space<semaphore_mem>>) src(%dma_wait3A_278 : memref<10000xi32, #tpu.memory_space<hbm>>) dst(%arg6 : memref<10000xi32, #tpu.memory_space<vmem>>)
      tpu.yield
    }) : () -> ()
    %barrier3A = arith.constant 0 : index
    tpu.barrier barrier_id(%barrier3A)
    %run_scoped3A = arith.constant 0 : i32
    "tpu.region"() ({
      %run_scoped3A_274 = tpu.sem_alloc : memref<!tpu.dma_semaphore, #tpu.memory_space<semaphore_mem>>
      %dma_start3A_275 = arith.constant 0 : i32
      %dma_start3A_276 = arith.constant 0 : i32
      %dma_start3A_277 = tpu.memref_slice %arg4[%add3A, %run_scoped3A, %dma_start3A_275, %dma_start3A_276] : memref<32x2x125x40xi32, #tpu.memory_space<hbm>> -> memref<1x1x125x40xi32, #tpu.memory_space<hbm>>
      %dma_start3A_278 = tpu.memref_squeeze %dma_start3A_277 : memref<1x1x125x40xi32, #tpu.memory_space<hbm>> -> memref<125x40xi32, #tpu.memory_space<hbm>>
      %dma_start3A_279 = arith.constant 0 : i32
      %dma_start3A_280 = arith.constant 0 : i32
      %dma_start3A_281 = tpu.memref_slice %arg4[%add3A, %run_scoped3A, %dma_start3A_279, %dma_start3A_280] : memref<32x2x125x40xi32, #tpu.memory_space<hbm>> -> memref<1x1x125x40xi32, #tpu.memory_space<hbm>>
      %dma_start3A_282 = tpu.memref_squeeze %dma_start3A_281 : memref<1x1x125x40xi32, #tpu.memory_space<hbm>> -> memref<125x40xi32, #tpu.memory_space<hbm>>
      tpu.enqueue_dma source(%dma_start3A_282 : memref<125x40xi32, #tpu.memory_space<hbm>>) target(%arg7 : memref<125x40xi32, #tpu.memory_space<vmem>>) target_semaphore(%run_scoped3A_274 : memref<!tpu.dma_semaphore, #tpu.memory_space<semaphore_mem>>)
      %dma_wait3A_283 = arith.constant 0 : i32
      %dma_wait3A_284 = arith.constant 0 : i32
      %dma_wait3A_285 = tpu.memref_slice %arg4[%add3A, %run_scoped3A, %dma_wait3A_283, %dma_wait3A_284] : memref<32x2x125x40xi32, #tpu.memory_space<hbm>> -> memref<1x1x125x40xi32, #tpu.memory_space<hbm>>
      %dma_wait3A_286 = tpu.memref_squeeze %dma_wait3A_285 : memref<1x1x125x40xi32, #tpu.memory_space<hbm>> -> memref<125x40xi32, #tpu.memory_space<hbm>>
      %dma_wait3A_287 = arith.constant 0 : i32
      %dma_wait3A_288 = arith.constant 0 : i32
      %dma_wait3A_289 = tpu.memref_slice %arg4[%add3A, %run_scoped3A, %dma_wait3A_287, %dma_wait3A_288] : memref<32x2x125x40xi32, #tpu.memory_space<hbm>> -> memref<1x1x125x40xi32, #tpu.memory_space<hbm>>
      %dma_wait3A_290 = tpu.memref_squeeze %dma_wait3A_289 : memref<1x1x125x40xi32, #tpu.memory_space<hbm>> -> memref<125x40xi32, #tpu.memory_space<hbm>>
      tpu.wait_dma2 semaphore(%run_scoped3A_274 : memref<!tpu.dma_semaphore, #tpu.memory_space<semaphore_mem>>) src(%dma_wait3A_290 : memref<125x40xi32, #tpu.memory_space<hbm>>) dst(%arg7 : memref<125x40xi32, #tpu.memory_space<vmem>>)
      tpu.yield
    }) : () -> ()
    %dma_start3A = arith.constant 0 : i32
    %dma_start3A_15 = tpu.memref_slice %arg6[%dma_start3A] : memref<10000xi32, #tpu.memory_space<vmem>> -> memref<40xi32, #tpu.memory_space<vmem>>
    %dma_start3A_16 = arith.constant 0 : i32
    %dma_start3A_17 = arith.constant 0 : i32
    %dma_start3A_18 = tpu.memref_slice %arg2[%dma_start3A_16, %dma_start3A_17] : memref<10000x128xf32, #tpu.memory_space<hbm>> -> memref<10000x128xf32, #tpu.memory_space<hbm>>
    tpu.enqueue_indirect_dma source(%dma_start3A_18 : memref<10000x128xf32, #tpu.memory_space<hbm>>) target(%arg8 : memref<40x128xf32, #tpu.memory_space<vmem>>) offsets(%dma_start3A_15 : memref<40xi32, #tpu.memory_space<vmem>>) semaphore(%arg12 : memref<!tpu.dma_semaphore, #tpu.memory_space<semaphore_mem>>)
    %dma_start3A_19 = arith.constant 40 : i32
    %dma_start3A_20 = tpu.memref_slice %arg6[%dma_start3A_19] : memref<10000xi32, #tpu.memory_space<vmem>> -> memref<40xi32, #tpu.memory_space<vmem>>
    %dma_start3A_21 = arith.constant 0 : i32
    %dma_start3A_22 = arith.constant 0 : i32
    %dma_start3A_23 = tpu.memref_slice %arg2[%dma_start3A_21, %dma_start3A_22] : memref<10000x128xf32, #tpu.memory_space<hbm>> -> memref<10000x128xf32, #tpu.memory_space<hbm>>
    tpu.enqueue_indirect_dma source(%dma_start3A_23 : memref<10000x128xf32, #tpu.memory_space<hbm>>) target(%arg9 : memref<40x128xf32, #tpu.memory_space<vmem>>) offsets(%dma_start3A_20 : memref<40xi32, #tpu.memory_space<vmem>>) semaphore(%arg13 : memref<!tpu.dma_semaphore, #tpu.memory_space<semaphore_mem>>)
    %dma_wait3A = arith.constant 0 : i32
    %dma_wait3A_24 = tpu.memref_slice %arg6[%dma_wait3A] : memref<10000xi32, #tpu.memory_space<vmem>> -> memref<40xi32, #tpu.memory_space<vmem>>
    %dma_wait3A_25 = arith.constant 0 : i32
    %dma_wait3A_26 = arith.constant 0 : i32
    %dma_wait3A_27 = tpu.memref_slice %arg2[%dma_wait3A_25, %dma_wait3A_26] : memref<10000x128xf32, #tpu.memory_space<hbm>> -> memref<10000x128xf32, #tpu.memory_space<hbm>>
    tpu.wait_indirect_dma semaphore(%arg12 : memref<!tpu.dma_semaphore, #tpu.memory_space<semaphore_mem>>) src(%dma_wait3A_27 : memref<10000x128xf32, #tpu.memory_space<hbm>>) dst(%arg8 : memref<40x128xf32, #tpu.memory_space<vmem>>)
    %dma_start3A_28 = arith.constant 0 : i32
    %dma_start3A_29 = arith.constant 0 : i32
    %dma_start3A_30 = tpu.memref_slice %arg7[%dma_start3A_28, %dma_start3A_29] : memref<125x40xi32, #tpu.memory_space<vmem>> -> memref<1x40xi32, #tpu.memory_space<vmem>>
    %dma_start3A_31 = tpu.memref_squeeze %dma_start3A_30 : memref<1x40xi32, #tpu.memory_space<vmem>> -> memref<40xi32, #tpu.memory_space<vmem>>
    %dma_start3A_32 = arith.constant 0 : i32
    %dma_start3A_33 = arith.constant 0 : i32
    %dma_start3A_34 = tpu.memref_slice %arg11[%dma_start3A_32, %dma_start3A_33] : memref<10240x128xf32, #tpu.memory_space<vmem_shared>> -> memref<10240x128xf32, #tpu.memory_space<vmem_shared>>
    tpu.enqueue_indirect_dma source(%arg8 : memref<40x128xf32, #tpu.memory_space<vmem>>) target(%dma_start3A_34 : memref<10240x128xf32, #tpu.memory_space<vmem_shared>>) offsets(%dma_start3A_31 : memref<40xi32, #tpu.memory_space<vmem>>) semaphore(%arg15 : memref<!tpu.dma_semaphore, #tpu.memory_space<semaphore_mem>>) {add = true}
    %dma_start3A_35 = arith.constant 80 : i32
    %dma_start3A_36 = tpu.memref_slice %arg6[%dma_start3A_35] : memref<10000xi32, #tpu.memory_space<vmem>> -> memref<40xi32, #tpu.memory_space<vmem>>
    %dma_start3A_37 = arith.constant 0 : i32
    %dma_start3A_38 = arith.constant 0 : i32
    %dma_start3A_39 = tpu.memref_slice %arg2[%dma_start3A_37, %dma_start3A_38] : memref<10000x128xf32, #tpu.memory_space<hbm>> -> memref<10000x128xf32, #tpu.memory_space<hbm>>
    tpu.enqueue_indirect_dma source(%dma_start3A_39 : memref<10000x128xf32, #tpu.memory_space<hbm>>) target(%arg10 : memref<40x128xf32, #tpu.memory_space<vmem>>) offsets(%dma_start3A_36 : memref<40xi32, #tpu.memory_space<vmem>>) semaphore(%arg14 : memref<!tpu.dma_semaphore, #tpu.memory_space<semaphore_mem>>)
    %dma_wait3A_40 = arith.constant 40 : i32
    %dma_wait3A_41 = tpu.memref_slice %arg6[%dma_wait3A_40] : memref<10000xi32, #tpu.memory_space<vmem>> -> memref<40xi32, #tpu.memory_space<vmem>>
    %dma_wait3A_42 = arith.constant 0 : i32
    %dma_wait3A_43 = arith.constant 0 : i32
    %dma_wait3A_44 = tpu.memref_slice %arg2[%dma_wait3A_42, %dma_wait3A_43] : memref<10000x128xf32, #tpu.memory_space<hbm>> -> memref<10000x128xf32, #tpu.memory_space<hbm>>
    tpu.wait_indirect_dma semaphore(%arg13 : memref<!tpu.dma_semaphore, #tpu.memory_space<semaphore_mem>>) src(%dma_wait3A_44 : memref<10000x128xf32, #tpu.memory_space<hbm>>) dst(%arg9 : memref<40x128xf32, #tpu.memory_space<vmem>>)
    %dma_start3A_45 = arith.constant 1 : i32
    %dma_start3A_46 = arith.constant 0 : i32
    %dma_start3A_47 = tpu.memref_slice %arg7[%dma_start3A_45, %dma_start3A_46] : memref<125x40xi32, #tpu.memory_space<vmem>> -> memref<1x40xi32, #tpu.memory_space<vmem>>
    %dma_start3A_48 = tpu.memref_squeeze %dma_start3A_47 : memref<1x40xi32, #tpu.memory_space<vmem>> -> memref<40xi32, #tpu.memory_space<vmem>>
    %dma_start3A_49 = arith.constant 0 : i32
    %dma_start3A_50 = arith.constant 0 : i32
    %dma_start3A_51 = tpu.memref_slice %arg11[%dma_start3A_49, %dma_start3A_50] : memref<10240x128xf32, #tpu.memory_space<vmem_shared>> -> memref<10240x128xf32, #tpu.memory_space<vmem_shared>>
    tpu.enqueue_indirect_dma source(%arg9 : memref<40x128xf32, #tpu.memory_space<vmem>>) target(%dma_start3A_51 : memref<10240x128xf32, #tpu.memory_space<vmem_shared>>) offsets(%dma_start3A_48 : memref<40xi32, #tpu.memory_space<vmem>>) semaphore(%arg16 : memref<!tpu.dma_semaphore, #tpu.memory_space<semaphore_mem>>) {add = true}
    %dma_wait3A_52 = arith.constant 0 : i32
    %dma_wait3A_53 = arith.constant 0 : i32
    %dma_wait3A_54 = tpu.memref_slice %arg7[%dma_wait3A_52, %dma_wait3A_53] : memref<125x40xi32, #tpu.memory_space<vmem>> -> memref<1x40xi32, #tpu.memory_space<vmem>>
    %dma_wait3A_55 = tpu.memref_squeeze %dma_wait3A_54 : memref<1x40xi32, #tpu.memory_space<vmem>> -> memref<40xi32, #tpu.memory_space<vmem>>
    %dma_wait3A_56 = arith.constant 0 : i32
    %dma_wait3A_57 = arith.constant 0 : i32
    %dma_wait3A_58 = tpu.memref_slice %arg11[%dma_wait3A_56, %dma_wait3A_57] : memref<10240x128xf32, #tpu.memory_space<vmem_shared>> -> memref<10240x128xf32, #tpu.memory_space<vmem_shared>>
    tpu.wait_indirect_dma semaphore(%arg15 : memref<!tpu.dma_semaphore, #tpu.memory_space<semaphore_mem>>) src(%arg8 : memref<40x128xf32, #tpu.memory_space<vmem>>) dst(%dma_wait3A_58 : memref<10240x128xf32, #tpu.memory_space<vmem_shared>>)
    %dma_start3A_59 = arith.constant 120 : i32
    %dma_start3A_60 = tpu.memref_slice %arg6[%dma_start3A_59] : memref<10000xi32, #tpu.memory_space<vmem>> -> memref<40xi32, #tpu.memory_space<vmem>>
    %dma_start3A_61 = arith.constant 0 : i32
    %dma_start3A_62 = arith.constant 0 : i32
    %dma_start3A_63 = tpu.memref_slice %arg2[%dma_start3A_61, %dma_start3A_62] : memref<10000x128xf32, #tpu.memory_space<hbm>> -> memref<10000x128xf32, #tpu.memory_space<hbm>>
    tpu.enqueue_indirect_dma source(%dma_start3A_63 : memref<10000x128xf32, #tpu.memory_space<hbm>>) target(%arg8 : memref<40x128xf32, #tpu.memory_space<vmem>>) offsets(%dma_start3A_60 : memref<40xi32, #tpu.memory_space<vmem>>) semaphore(%arg12 : memref<!tpu.dma_semaphore, #tpu.memory_space<semaphore_mem>>)
    %dma_wait3A_64 = arith.constant 80 : i32
    %dma_wait3A_65 = tpu.memref_slice %arg6[%dma_wait3A_64] : memref<10000xi32, #tpu.memory_space<vmem>> -> memref<40xi32, #tpu.memory_space<vmem>>
    %dma_wait3A_66 = arith.constant 0 : i32
    %dma_wait3A_67 = arith.constant 0 : i32
    %dma_wait3A_68 = tpu.memref_slice %arg2[%dma_wait3A_66, %dma_wait3A_67] : memref<10000x128xf32, #tpu.memory_space<hbm>> -> memref<10000x128xf32, #tpu.memory_space<hbm>>
    tpu.wait_indirect_dma semaphore(%arg14 : memref<!tpu.dma_semaphore, #tpu.memory_space<semaphore_mem>>) src(%dma_wait3A_68 : memref<10000x128xf32, #tpu.memory_space<hbm>>) dst(%arg10 : memref<40x128xf32, #tpu.memory_space<vmem>>)
    %dma_start3A_69 = arith.constant 2 : i32
    %dma_start3A_70 = arith.constant 0 : i32
    %dma_start3A_71 = tpu.memref_slice %arg7[%dma_start3A_69, %dma_start3A_70] : memref<125x40xi32, #tpu.memory_space<vmem>> -> memref<1x40xi32, #tpu.memory_space<vmem>>
    %dma_start3A_72 = tpu.memref_squeeze %dma_start3A_71 : memref<1x40xi32, #tpu.memory_space<vmem>> -> memref<40xi32, #tpu.memory_space<vmem>>
    %dma_start3A_73 = arith.constant 0 : i32
    %dma_start3A_74 = arith.constant 0 : i32
    %dma_start3A_75 = tpu.memref_slice %arg11[%dma_start3A_73, %dma_start3A_74] : memref<10240x128xf32, #tpu.memory_space<vmem_shared>> -> memref<10240x128xf32, #tpu.memory_space<vmem_shared>>
    tpu.enqueue_indirect_dma source(%arg10 : memref<40x128xf32, #tpu.memory_space<vmem>>) target(%dma_start3A_75 : memref<10240x128xf32, #tpu.memory_space<vmem_shared>>) offsets(%dma_start3A_72 : memref<40xi32, #tpu.memory_space<vmem>>) semaphore(%arg17 : memref<!tpu.dma_semaphore, #tpu.memory_space<semaphore_mem>>) {add = true}
    %dma_wait3A_76 = arith.constant 0 : i32
    %dma_wait3A_77 = arith.constant 0 : i32
    %dma_wait3A_78 = tpu.memref_slice %arg7[%dma_wait3A_76, %dma_wait3A_77] : memref<125x40xi32, #tpu.memory_space<vmem>> -> memref<1x40xi32, #tpu.memory_space<vmem>>
    %dma_wait3A_79 = tpu.memref_squeeze %dma_wait3A_78 : memref<1x40xi32, #tpu.memory_space<vmem>> -> memref<40xi32, #tpu.memory_space<vmem>>
    %dma_wait3A_80 = arith.constant 0 : i32
    %dma_wait3A_81 = arith.constant 0 : i32
    %dma_wait3A_82 = tpu.memref_slice %arg11[%dma_wait3A_80, %dma_wait3A_81] : memref<10240x128xf32, #tpu.memory_space<vmem_shared>> -> memref<10240x128xf32, #tpu.memory_space<vmem_shared>>
    tpu.wait_indirect_dma semaphore(%arg16 : memref<!tpu.dma_semaphore, #tpu.memory_space<semaphore_mem>>) src(%arg9 : memref<40x128xf32, #tpu.memory_space<vmem>>) dst(%dma_wait3A_82 : memref<10240x128xf32, #tpu.memory_space<vmem_shared>>)
    %dma_start3A_83 = arith.constant 160 : i32
    %dma_start3A_84 = tpu.memref_slice %arg6[%dma_start3A_83] : memref<10000xi32, #tpu.memory_space<vmem>> -> memref<40xi32, #tpu.memory_space<vmem>>
    %dma_start3A_85 = arith.constant 0 : i32
    %dma_start3A_86 = arith.constant 0 : i32
    %dma_start3A_87 = tpu.memref_slice %arg2[%dma_start3A_85, %dma_start3A_86] : memref<10000x128xf32, #tpu.memory_space<hbm>> -> memref<10000x128xf32, #tpu.memory_space<hbm>>
    tpu.enqueue_indirect_dma source(%dma_start3A_87 : memref<10000x128xf32, #tpu.memory_space<hbm>>) target(%arg9 : memref<40x128xf32, #tpu.memory_space<vmem>>) offsets(%dma_start3A_84 : memref<40xi32, #tpu.memory_space<vmem>>) semaphore(%arg13 : memref<!tpu.dma_semaphore, #tpu.memory_space<semaphore_mem>>)
    %scan3A_88 = arith.constant 0 : i32
    %scan3A_89 = arith.constant 0 : i32
    %scan3A_90 = arith.constant 40 : i32
    %scan3A_91 = arith.addi %scan3A_89, %scan3A_90 : i32
    %scan3A_92 = arith.constant 1 : i32
    scf.for %scan3A_274 = %scan3A_89 to %scan3A_91 step %scan3A_92  : i32 {
      %mul3A_275 = arith.constant 3 : i32
      %mul3A_276 = arith.muli %mul3A_275, %scan3A_274 : i32
      %add3A_277 = arith.constant 3 : i32
      %add3A_278 = arith.addi %mul3A_276, %add3A_277 : i32
      %add3A_279 = arith.constant 0 : i32
      %add3A_280 = arith.addi %add3A_279, %add3A_278 : i32
      %mul3A_281 = arith.constant 40 : i32
      %mul3A_282 = arith.muli %add3A_280, %mul3A_281 : i32
      %dma_wait3A_283 = tpu.memref_slice %arg6[%mul3A_282] : memref<10000xi32, #tpu.memory_space<vmem>> -> memref<40xi32, #tpu.memory_space<vmem>>
      %dma_wait3A_284 = arith.constant 0 : i32
      %dma_wait3A_285 = arith.constant 0 : i32
      %dma_wait3A_286 = tpu.memref_slice %arg2[%dma_wait3A_284, %dma_wait3A_285] : memref<10000x128xf32, #tpu.memory_space<hbm>> -> memref<10000x128xf32, #tpu.memory_space<hbm>>
      tpu.wait_indirect_dma semaphore(%arg12 : memref<!tpu.dma_semaphore, #tpu.memory_space<semaphore_mem>>) src(%dma_wait3A_286 : memref<10000x128xf32, #tpu.memory_space<hbm>>) dst(%arg8 : memref<40x128xf32, #tpu.memory_space<vmem>>)
      %dma_start3A_287 = arith.constant 0 : i32
      %dma_start3A_288 = tpu.memref_slice %arg7[%add3A_278, %dma_start3A_287] : memref<125x40xi32, #tpu.memory_space<vmem>> -> memref<1x40xi32, #tpu.memory_space<vmem>>
      %dma_start3A_289 = tpu.memref_squeeze %dma_start3A_288 : memref<1x40xi32, #tpu.memory_space<vmem>> -> memref<40xi32, #tpu.memory_space<vmem>>
      %dma_start3A_290 = arith.constant 0 : i32
      %dma_start3A_291 = arith.constant 0 : i32
      %dma_start3A_292 = tpu.memref_slice %arg11[%dma_start3A_290, %dma_start3A_291] : memref<10240x128xf32, #tpu.memory_space<vmem_shared>> -> memref<10240x128xf32, #tpu.memory_space<vmem_shared>>
      tpu.enqueue_indirect_dma source(%arg8 : memref<40x128xf32, #tpu.memory_space<vmem>>) target(%dma_start3A_292 : memref<10240x128xf32, #tpu.memory_space<vmem_shared>>) offsets(%dma_start3A_289 : memref<40xi32, #tpu.memory_space<vmem>>) semaphore(%arg15 : memref<!tpu.dma_semaphore, #tpu.memory_space<semaphore_mem>>) {add = true}
      %dma_wait3A_293 = arith.constant 0 : i32
      %dma_wait3A_294 = arith.constant 0 : i32
      %dma_wait3A_295 = tpu.memref_slice %arg7[%dma_wait3A_293, %dma_wait3A_294] : memref<125x40xi32, #tpu.memory_space<vmem>> -> memref<1x40xi32, #tpu.memory_space<vmem>>
      %dma_wait3A_296 = tpu.memref_squeeze %dma_wait3A_295 : memref<1x40xi32, #tpu.memory_space<vmem>> -> memref<40xi32, #tpu.memory_space<vmem>>
      %dma_wait3A_297 = arith.constant 0 : i32
      %dma_wait3A_298 = arith.constant 0 : i32
      %dma_wait3A_299 = tpu.memref_slice %arg11[%dma_wait3A_297, %dma_wait3A_298] : memref<10240x128xf32, #tpu.memory_space<vmem_shared>> -> memref<10240x128xf32, #tpu.memory_space<vmem_shared>>
      tpu.wait_indirect_dma semaphore(%arg17 : memref<!tpu.dma_semaphore, #tpu.memory_space<semaphore_mem>>) src(%arg10 : memref<40x128xf32, #tpu.memory_space<vmem>>) dst(%dma_wait3A_299 : memref<10240x128xf32, #tpu.memory_space<vmem_shared>>)
      %add3A_300 = arith.constant 0 : i32
      %add3A_301 = arith.addi %add3A_300, %add3A_278 : i32
      %add3A_302 = arith.constant 2 : i32
      %add3A_303 = arith.addi %add3A_301, %add3A_302 : i32
      %mul3A_304 = arith.constant 40 : i32
      %mul3A_305 = arith.muli %add3A_303, %mul3A_304 : i32
      %dma_start3A_306 = tpu.memref_slice %arg6[%mul3A_305] : memref<10000xi32, #tpu.memory_space<vmem>> -> memref<40xi32, #tpu.memory_space<vmem>>
      %dma_start3A_307 = arith.constant 0 : i32
      %dma_start3A_308 = arith.constant 0 : i32
      %dma_start3A_309 = tpu.memref_slice %arg2[%dma_start3A_307, %dma_start3A_308] : memref<10000x128xf32, #tpu.memory_space<hbm>> -> memref<10000x128xf32, #tpu.memory_space<hbm>>
      tpu.enqueue_indirect_dma source(%dma_start3A_309 : memref<10000x128xf32, #tpu.memory_space<hbm>>) target(%arg10 : memref<40x128xf32, #tpu.memory_space<vmem>>) offsets(%dma_start3A_306 : memref<40xi32, #tpu.memory_space<vmem>>) semaphore(%arg14 : memref<!tpu.dma_semaphore, #tpu.memory_space<semaphore_mem>>)
      %add3A_310 = arith.constant 1 : i32
      %add3A_311 = arith.addi %add3A_278, %add3A_310 : i32
      %add3A_312 = arith.constant 0 : i32
      %add3A_313 = arith.addi %add3A_312, %add3A_311 : i32
      %mul3A_314 = arith.constant 40 : i32
      %mul3A_315 = arith.muli %add3A_313, %mul3A_314 : i32
      %dma_wait3A_316 = tpu.memref_slice %arg6[%mul3A_315] : memref<10000xi32, #tpu.memory_space<vmem>> -> memref<40xi32, #tpu.memory_space<vmem>>
      %dma_wait3A_317 = arith.constant 0 : i32
      %dma_wait3A_318 = arith.constant 0 : i32
      %dma_wait3A_319 = tpu.memref_slice %arg2[%dma_wait3A_317, %dma_wait3A_318] : memref<10000x128xf32, #tpu.memory_space<hbm>> -> memref<10000x128xf32, #tpu.memory_space<hbm>>
      tpu.wait_indirect_dma semaphore(%arg13 : memref<!tpu.dma_semaphore, #tpu.memory_space<semaphore_mem>>) src(%dma_wait3A_319 : memref<10000x128xf32, #tpu.memory_space<hbm>>) dst(%arg9 : memref<40x128xf32, #tpu.memory_space<vmem>>)
      %dma_start3A_320 = arith.constant 0 : i32
      %dma_start3A_321 = tpu.memref_slice %arg7[%add3A_311, %dma_start3A_320] : memref<125x40xi32, #tpu.memory_space<vmem>> -> memref<1x40xi32, #tpu.memory_space<vmem>>
      %dma_start3A_322 = tpu.memref_squeeze %dma_start3A_321 : memref<1x40xi32, #tpu.memory_space<vmem>> -> memref<40xi32, #tpu.memory_space<vmem>>
      %dma_start3A_323 = arith.constant 0 : i32
      %dma_start3A_324 = arith.constant 0 : i32
      %dma_start3A_325 = tpu.memref_slice %arg11[%dma_start3A_323, %dma_start3A_324] : memref<10240x128xf32, #tpu.memory_space<vmem_shared>> -> memref<10240x128xf32, #tpu.memory_space<vmem_shared>>
      tpu.enqueue_indirect_dma source(%arg9 : memref<40x128xf32, #tpu.memory_space<vmem>>) target(%dma_start3A_325 : memref<10240x128xf32, #tpu.memory_space<vmem_shared>>) offsets(%dma_start3A_322 : memref<40xi32, #tpu.memory_space<vmem>>) semaphore(%arg16 : memref<!tpu.dma_semaphore, #tpu.memory_space<semaphore_mem>>) {add = true}
      %dma_wait3A_326 = arith.constant 0 : i32
      %dma_wait3A_327 = arith.constant 0 : i32
      %dma_wait3A_328 = tpu.memref_slice %arg7[%dma_wait3A_326, %dma_wait3A_327] : memref<125x40xi32, #tpu.memory_space<vmem>> -> memref<1x40xi32, #tpu.memory_space<vmem>>
      %dma_wait3A_329 = tpu.memref_squeeze %dma_wait3A_328 : memref<1x40xi32, #tpu.memory_space<vmem>> -> memref<40xi32, #tpu.memory_space<vmem>>
      %dma_wait3A_330 = arith.constant 0 : i32
      %dma_wait3A_331 = arith.constant 0 : i32
      %dma_wait3A_332 = tpu.memref_slice %arg11[%dma_wait3A_330, %dma_wait3A_331] : memref<10240x128xf32, #tpu.memory_space<vmem_shared>> -> memref<10240x128xf32, #tpu.memory_space<vmem_shared>>
      tpu.wait_indirect_dma semaphore(%arg15 : memref<!tpu.dma_semaphore, #tpu.memory_space<semaphore_mem>>) src(%arg8 : memref<40x128xf32, #tpu.memory_space<vmem>>) dst(%dma_wait3A_332 : memref<10240x128xf32, #tpu.memory_space<vmem_shared>>)
      %add3A_333 = arith.constant 0 : i32
      %add3A_334 = arith.addi %add3A_333, %add3A_311 : i32
      %add3A_335 = arith.constant 2 : i32
      %add3A_336 = arith.addi %add3A_334, %add3A_335 : i32
      %mul3A_337 = arith.constant 40 : i32
      %mul3A_338 = arith.muli %add3A_336, %mul3A_337 : i32
      %dma_start3A_339 = tpu.memref_slice %arg6[%mul3A_338] : memref<10000xi32, #tpu.memory_space<vmem>> -> memref<40xi32, #tpu.memory_space<vmem>>
      %dma_start3A_340 = arith.constant 0 : i32
      %dma_start3A_341 = arith.constant 0 : i32
      %dma_start3A_342 = tpu.memref_slice %arg2[%dma_start3A_340, %dma_start3A_341] : memref<10000x128xf32, #tpu.memory_space<hbm>> -> memref<10000x128xf32, #tpu.memory_space<hbm>>
      tpu.enqueue_indirect_dma source(%dma_start3A_342 : memref<10000x128xf32, #tpu.memory_space<hbm>>) target(%arg8 : memref<40x128xf32, #tpu.memory_space<vmem>>) offsets(%dma_start3A_339 : memref<40xi32, #tpu.memory_space<vmem>>) semaphore(%arg12 : memref<!tpu.dma_semaphore, #tpu.memory_space<semaphore_mem>>)
      %add3A_343 = arith.constant 2 : i32
      %add3A_344 = arith.addi %add3A_278, %add3A_343 : i32
      %add3A_345 = arith.constant 0 : i32
      %add3A_346 = arith.addi %add3A_345, %add3A_344 : i32
      %mul3A_347 = arith.constant 40 : i32
      %mul3A_348 = arith.muli %add3A_346, %mul3A_347 : i32
      %dma_wait3A_349 = tpu.memref_slice %arg6[%mul3A_348] : memref<10000xi32, #tpu.memory_space<vmem>> -> memref<40xi32, #tpu.memory_space<vmem>>
      %dma_wait3A_350 = arith.constant 0 : i32
      %dma_wait3A_351 = arith.constant 0 : i32
      %dma_wait3A_352 = tpu.memref_slice %arg2[%dma_wait3A_350, %dma_wait3A_351] : memref<10000x128xf32, #tpu.memory_space<hbm>> -> memref<10000x128xf32, #tpu.memory_space<hbm>>
      tpu.wait_indirect_dma semaphore(%arg14 : memref<!tpu.dma_semaphore, #tpu.memory_space<semaphore_mem>>) src(%dma_wait3A_352 : memref<10000x128xf32, #tpu.memory_space<hbm>>) dst(%arg10 : memref<40x128xf32, #tpu.memory_space<vmem>>)
      %dma_start3A_353 = arith.constant 0 : i32
      %dma_start3A_354 = tpu.memref_slice %arg7[%add3A_344, %dma_start3A_353] : memref<125x40xi32, #tpu.memory_space<vmem>> -> memref<1x40xi32, #tpu.memory_space<vmem>>
      %dma_start3A_355 = tpu.memref_squeeze %dma_start3A_354 : memref<1x40xi32, #tpu.memory_space<vmem>> -> memref<40xi32, #tpu.memory_space<vmem>>
      %dma_start3A_356 = arith.constant 0 : i32
      %dma_start3A_357 = arith.constant 0 : i32
      %dma_start3A_358 = tpu.memref_slice %arg11[%dma_start3A_356, %dma_start3A_357] : memref<10240x128xf32, #tpu.memory_space<vmem_shared>> -> memref<10240x128xf32, #tpu.memory_space<vmem_shared>>
      tpu.enqueue_indirect_dma source(%arg10 : memref<40x128xf32, #tpu.memory_space<vmem>>) target(%dma_start3A_358 : memref<10240x128xf32, #tpu.memory_space<vmem_shared>>) offsets(%dma_start3A_355 : memref<40xi32, #tpu.memory_space<vmem>>) semaphore(%arg17 : memref<!tpu.dma_semaphore, #tpu.memory_space<semaphore_mem>>) {add = true}
      %dma_wait3A_359 = arith.constant 0 : i32
      %dma_wait3A_360 = arith.constant 0 : i32
      %dma_wait3A_361 = tpu.memref_slice %arg7[%dma_wait3A_359, %dma_wait3A_360] : memref<125x40xi32, #tpu.memory_space<vmem>> -> memref<1x40xi32, #tpu.memory_space<vmem>>
      %dma_wait3A_362 = tpu.memref_squeeze %dma_wait3A_361 : memref<1x40xi32, #tpu.memory_space<vmem>> -> memref<40xi32, #tpu.memory_space<vmem>>
      %dma_wait3A_363 = arith.constant 0 : i32
      %dma_wait3A_364 = arith.constant 0 : i32
      %dma_wait3A_365 = tpu.memref_slice %arg11[%dma_wait3A_363, %dma_wait3A_364] : memref<10240x128xf32, #tpu.memory_space<vmem_shared>> -> memref<10240x128xf32, #tpu.memory_space<vmem_shared>>
      tpu.wait_indirect_dma semaphore(%arg16 : memref<!tpu.dma_semaphore, #tpu.memory_space<semaphore_mem>>) src(%arg9 : memref<40x128xf32, #tpu.memory_space<vmem>>) dst(%dma_wait3A_365 : memref<10240x128xf32, #tpu.memory_space<vmem_shared>>)
      %add3A_366 = arith.constant 0 : i32
      %add3A_367 = arith.addi %add3A_366, %add3A_344 : i32
      %add3A_368 = arith.constant 2 : i32
      %add3A_369 = arith.addi %add3A_367, %add3A_368 : i32
      %mul3A_370 = arith.constant 40 : i32
      %mul3A_371 = arith.muli %add3A_369, %mul3A_370 : i32
      %dma_start3A_372 = tpu.memref_slice %arg6[%mul3A_371] : memref<10000xi32, #tpu.memory_space<vmem>> -> memref<40xi32, #tpu.memory_space<vmem>>
      %dma_start3A_373 = arith.constant 0 : i32
      %dma_start3A_374 = arith.constant 0 : i32
      %dma_start3A_375 = tpu.memref_slice %arg2[%dma_start3A_373, %dma_start3A_374] : memref<10000x128xf32, #tpu.memory_space<hbm>> -> memref<10000x128xf32, #tpu.memory_space<hbm>>
      tpu.enqueue_indirect_dma source(%dma_start3A_375 : memref<10000x128xf32, #tpu.memory_space<hbm>>) target(%arg9 : memref<40x128xf32, #tpu.memory_space<vmem>>) offsets(%dma_start3A_372 : memref<40xi32, #tpu.memory_space<vmem>>) semaphore(%arg13 : memref<!tpu.dma_semaphore, #tpu.memory_space<semaphore_mem>>)
    }
    %scan3A_93 = arith.constant 40 : i32
    %dma_wait3A_94 = arith.constant 4920 : i32
    %dma_wait3A_95 = tpu.memref_slice %arg6[%dma_wait3A_94] : memref<10000xi32, #tpu.memory_space<vmem>> -> memref<40xi32, #tpu.memory_space<vmem>>
    %dma_wait3A_96 = arith.constant 0 : i32
    %dma_wait3A_97 = arith.constant 0 : i32
    %dma_wait3A_98 = tpu.memref_slice %arg2[%dma_wait3A_96, %dma_wait3A_97] : memref<10000x128xf32, #tpu.memory_space<hbm>> -> memref<10000x128xf32, #tpu.memory_space<hbm>>
    tpu.wait_indirect_dma semaphore(%arg12 : memref<!tpu.dma_semaphore, #tpu.memory_space<semaphore_mem>>) src(%dma_wait3A_98 : memref<10000x128xf32, #tpu.memory_space<hbm>>) dst(%arg8 : memref<40x128xf32, #tpu.memory_space<vmem>>)
    %dma_start3A_99 = arith.constant 123 : i32
    %dma_start3A_100 = arith.constant 0 : i32
    %dma_start3A_101 = tpu.memref_slice %arg7[%dma_start3A_99, %dma_start3A_100] : memref<125x40xi32, #tpu.memory_space<vmem>> -> memref<1x40xi32, #tpu.memory_space<vmem>>
    %dma_start3A_102 = tpu.memref_squeeze %dma_start3A_101 : memref<1x40xi32, #tpu.memory_space<vmem>> -> memref<40xi32, #tpu.memory_space<vmem>>
    %dma_start3A_103 = arith.constant 0 : i32
    %dma_start3A_104 = arith.constant 0 : i32
    %dma_start3A_105 = tpu.memref_slice %arg11[%dma_start3A_103, %dma_start3A_104] : memref<10240x128xf32, #tpu.memory_space<vmem_shared>> -> memref<10240x128xf32, #tpu.memory_space<vmem_shared>>
    tpu.enqueue_indirect_dma source(%arg8 : memref<40x128xf32, #tpu.memory_space<vmem>>) target(%dma_start3A_105 : memref<10240x128xf32, #tpu.memory_space<vmem_shared>>) offsets(%dma_start3A_102 : memref<40xi32, #tpu.memory_space<vmem>>) semaphore(%arg15 : memref<!tpu.dma_semaphore, #tpu.memory_space<semaphore_mem>>) {add = true}
    %dma_wait3A_106 = arith.constant 0 : i32
    %dma_wait3A_107 = arith.constant 0 : i32
    %dma_wait3A_108 = tpu.memref_slice %arg7[%dma_wait3A_106, %dma_wait3A_107] : memref<125x40xi32, #tpu.memory_space<vmem>> -> memref<1x40xi32, #tpu.memory_space<vmem>>
    %dma_wait3A_109 = tpu.memref_squeeze %dma_wait3A_108 : memref<1x40xi32, #tpu.memory_space<vmem>> -> memref<40xi32, #tpu.memory_space<vmem>>
    %dma_wait3A_110 = arith.constant 0 : i32
    %dma_wait3A_111 = arith.constant 0 : i32
    %dma_wait3A_112 = tpu.memref_slice %arg11[%dma_wait3A_110, %dma_wait3A_111] : memref<10240x128xf32, #tpu.memory_space<vmem_shared>> -> memref<10240x128xf32, #tpu.memory_space<vmem_shared>>
    tpu.wait_indirect_dma semaphore(%arg17 : memref<!tpu.dma_semaphore, #tpu.memory_space<semaphore_mem>>) src(%arg10 : memref<40x128xf32, #tpu.memory_space<vmem>>) dst(%dma_wait3A_112 : memref<10240x128xf32, #tpu.memory_space<vmem_shared>>)
    %dma_wait3A_113 = arith.constant 4960 : i32
    %dma_wait3A_114 = tpu.memref_slice %arg6[%dma_wait3A_113] : memref<10000xi32, #tpu.memory_space<vmem>> -> memref<40xi32, #tpu.memory_space<vmem>>
    %dma_wait3A_115 = arith.constant 0 : i32
    %dma_wait3A_116 = arith.constant 0 : i32
    %dma_wait3A_117 = tpu.memref_slice %arg2[%dma_wait3A_115, %dma_wait3A_116] : memref<10000x128xf32, #tpu.memory_space<hbm>> -> memref<10000x128xf32, #tpu.memory_space<hbm>>
    tpu.wait_indirect_dma semaphore(%arg13 : memref<!tpu.dma_semaphore, #tpu.memory_space<semaphore_mem>>) src(%dma_wait3A_117 : memref<10000x128xf32, #tpu.memory_space<hbm>>) dst(%arg9 : memref<40x128xf32, #tpu.memory_space<vmem>>)
    %dma_start3A_118 = arith.constant 124 : i32
    %dma_start3A_119 = arith.constant 0 : i32
    %dma_start3A_120 = tpu.memref_slice %arg7[%dma_start3A_118, %dma_start3A_119] : memref<125x40xi32, #tpu.memory_space<vmem>> -> memref<1x40xi32, #tpu.memory_space<vmem>>
    %dma_start3A_121 = tpu.memref_squeeze %dma_start3A_120 : memref<1x40xi32, #tpu.memory_space<vmem>> -> memref<40xi32, #tpu.memory_space<vmem>>
    %dma_start3A_122 = arith.constant 0 : i32
    %dma_start3A_123 = arith.constant 0 : i32
    %dma_start3A_124 = tpu.memref_slice %arg11[%dma_start3A_122, %dma_start3A_123] : memref<10240x128xf32, #tpu.memory_space<vmem_shared>> -> memref<10240x128xf32, #tpu.memory_space<vmem_shared>>
    tpu.enqueue_indirect_dma source(%arg9 : memref<40x128xf32, #tpu.memory_space<vmem>>) target(%dma_start3A_124 : memref<10240x128xf32, #tpu.memory_space<vmem_shared>>) offsets(%dma_start3A_121 : memref<40xi32, #tpu.memory_space<vmem>>) semaphore(%arg16 : memref<!tpu.dma_semaphore, #tpu.memory_space<semaphore_mem>>) {add = true}
    %dma_wait3A_125 = arith.constant 0 : i32
    %dma_wait3A_126 = arith.constant 0 : i32
    %dma_wait3A_127 = tpu.memref_slice %arg7[%dma_wait3A_125, %dma_wait3A_126] : memref<125x40xi32, #tpu.memory_space<vmem>> -> memref<1x40xi32, #tpu.memory_space<vmem>>
    %dma_wait3A_128 = tpu.memref_squeeze %dma_wait3A_127 : memref<1x40xi32, #tpu.memory_space<vmem>> -> memref<40xi32, #tpu.memory_space<vmem>>
    %dma_wait3A_129 = arith.constant 0 : i32
    %dma_wait3A_130 = arith.constant 0 : i32
    %dma_wait3A_131 = tpu.memref_slice %arg11[%dma_wait3A_129, %dma_wait3A_130] : memref<10240x128xf32, #tpu.memory_space<vmem_shared>> -> memref<10240x128xf32, #tpu.memory_space<vmem_shared>>
    tpu.wait_indirect_dma semaphore(%arg15 : memref<!tpu.dma_semaphore, #tpu.memory_space<semaphore_mem>>) src(%arg8 : memref<40x128xf32, #tpu.memory_space<vmem>>) dst(%dma_wait3A_131 : memref<10240x128xf32, #tpu.memory_space<vmem_shared>>)
    %dma_wait3A_132 = arith.constant 0 : i32
    %dma_wait3A_133 = arith.constant 0 : i32
    %dma_wait3A_134 = tpu.memref_slice %arg7[%dma_wait3A_132, %dma_wait3A_133] : memref<125x40xi32, #tpu.memory_space<vmem>> -> memref<1x40xi32, #tpu.memory_space<vmem>>
    %dma_wait3A_135 = tpu.memref_squeeze %dma_wait3A_134 : memref<1x40xi32, #tpu.memory_space<vmem>> -> memref<40xi32, #tpu.memory_space<vmem>>
    %dma_wait3A_136 = arith.constant 0 : i32
    %dma_wait3A_137 = arith.constant 0 : i32
    %dma_wait3A_138 = tpu.memref_slice %arg11[%dma_wait3A_136, %dma_wait3A_137] : memref<10240x128xf32, #tpu.memory_space<vmem_shared>> -> memref<10240x128xf32, #tpu.memory_space<vmem_shared>>
    tpu.wait_indirect_dma semaphore(%arg16 : memref<!tpu.dma_semaphore, #tpu.memory_space<semaphore_mem>>) src(%arg9 : memref<40x128xf32, #tpu.memory_space<vmem>>) dst(%dma_wait3A_138 : memref<10240x128xf32, #tpu.memory_space<vmem_shared>>)
    %run_scoped3A_139 = arith.constant 1 : i32
    "tpu.region"() ({
      %run_scoped3A_274 = tpu.sem_alloc : memref<!tpu.dma_semaphore, #tpu.memory_space<semaphore_mem>>
      %dma_start3A_275 = arith.constant 0 : i32
      %dma_start3A_276 = arith.constant 0 : i32
      %dma_start3A_277 = tpu.memref_slice %arg4[%add3A, %run_scoped3A_139, %dma_start3A_275, %dma_start3A_276] : memref<32x2x125x40xi32, #tpu.memory_space<hbm>> -> memref<1x1x125x40xi32, #tpu.memory_space<hbm>>
      %dma_start3A_278 = tpu.memref_squeeze %dma_start3A_277 : memref<1x1x125x40xi32, #tpu.memory_space<hbm>> -> memref<125x40xi32, #tpu.memory_space<hbm>>
      %dma_start3A_279 = arith.constant 0 : i32
      %dma_start3A_280 = arith.constant 0 : i32
      %dma_start3A_281 = tpu.memref_slice %arg4[%add3A, %run_scoped3A_139, %dma_start3A_279, %dma_start3A_280] : memref<32x2x125x40xi32, #tpu.memory_space<hbm>> -> memref<1x1x125x40xi32, #tpu.memory_space<hbm>>
      %dma_start3A_282 = tpu.memref_squeeze %dma_start3A_281 : memref<1x1x125x40xi32, #tpu.memory_space<hbm>> -> memref<125x40xi32, #tpu.memory_space<hbm>>
      tpu.enqueue_dma source(%dma_start3A_282 : memref<125x40xi32, #tpu.memory_space<hbm>>) target(%arg7 : memref<125x40xi32, #tpu.memory_space<vmem>>) target_semaphore(%run_scoped3A_274 : memref<!tpu.dma_semaphore, #tpu.memory_space<semaphore_mem>>)
      %dma_wait3A_283 = arith.constant 0 : i32
      %dma_wait3A_284 = arith.constant 0 : i32
      %dma_wait3A_285 = tpu.memref_slice %arg4[%add3A, %run_scoped3A_139, %dma_wait3A_283, %dma_wait3A_284] : memref<32x2x125x40xi32, #tpu.memory_space<hbm>> -> memref<1x1x125x40xi32, #tpu.memory_space<hbm>>
      %dma_wait3A_286 = tpu.memref_squeeze %dma_wait3A_285 : memref<1x1x125x40xi32, #tpu.memory_space<hbm>> -> memref<125x40xi32, #tpu.memory_space<hbm>>
      %dma_wait3A_287 = arith.constant 0 : i32
      %dma_wait3A_288 = arith.constant 0 : i32
      %dma_wait3A_289 = tpu.memref_slice %arg4[%add3A, %run_scoped3A_139, %dma_wait3A_287, %dma_wait3A_288] : memref<32x2x125x40xi32, #tpu.memory_space<hbm>> -> memref<1x1x125x40xi32, #tpu.memory_space<hbm>>
      %dma_wait3A_290 = tpu.memref_squeeze %dma_wait3A_289 : memref<1x1x125x40xi32, #tpu.memory_space<hbm>> -> memref<125x40xi32, #tpu.memory_space<hbm>>
      tpu.wait_dma2 semaphore(%run_scoped3A_274 : memref<!tpu.dma_semaphore, #tpu.memory_space<semaphore_mem>>) src(%dma_wait3A_290 : memref<125x40xi32, #tpu.memory_space<hbm>>) dst(%arg7 : memref<125x40xi32, #tpu.memory_space<vmem>>)
      tpu.yield
    }) : () -> ()
    %dma_start3A_140 = arith.constant 5000 : i32
    %dma_start3A_141 = tpu.memref_slice %arg6[%dma_start3A_140] : memref<10000xi32, #tpu.memory_space<vmem>> -> memref<40xi32, #tpu.memory_space<vmem>>
    %dma_start3A_142 = arith.constant 0 : i32
    %dma_start3A_143 = arith.constant 0 : i32
    %dma_start3A_144 = tpu.memref_slice %arg2[%dma_start3A_142, %dma_start3A_143] : memref<10000x128xf32, #tpu.memory_space<hbm>> -> memref<10000x128xf32, #tpu.memory_space<hbm>>
    tpu.enqueue_indirect_dma source(%dma_start3A_144 : memref<10000x128xf32, #tpu.memory_space<hbm>>) target(%arg8 : memref<40x128xf32, #tpu.memory_space<vmem>>) offsets(%dma_start3A_141 : memref<40xi32, #tpu.memory_space<vmem>>) semaphore(%arg12 : memref<!tpu.dma_semaphore, #tpu.memory_space<semaphore_mem>>)
    %dma_start3A_145 = arith.constant 5040 : i32
    %dma_start3A_146 = tpu.memref_slice %arg6[%dma_start3A_145] : memref<10000xi32, #tpu.memory_space<vmem>> -> memref<40xi32, #tpu.memory_space<vmem>>
    %dma_start3A_147 = arith.constant 0 : i32
    %dma_start3A_148 = arith.constant 0 : i32
    %dma_start3A_149 = tpu.memref_slice %arg2[%dma_start3A_147, %dma_start3A_148] : memref<10000x128xf32, #tpu.memory_space<hbm>> -> memref<10000x128xf32, #tpu.memory_space<hbm>>
    tpu.enqueue_indirect_dma source(%dma_start3A_149 : memref<10000x128xf32, #tpu.memory_space<hbm>>) target(%arg9 : memref<40x128xf32, #tpu.memory_space<vmem>>) offsets(%dma_start3A_146 : memref<40xi32, #tpu.memory_space<vmem>>) semaphore(%arg13 : memref<!tpu.dma_semaphore, #tpu.memory_space<semaphore_mem>>)
    %dma_wait3A_150 = arith.constant 5000 : i32
    %dma_wait3A_151 = tpu.memref_slice %arg6[%dma_wait3A_150] : memref<10000xi32, #tpu.memory_space<vmem>> -> memref<40xi32, #tpu.memory_space<vmem>>
    %dma_wait3A_152 = arith.constant 0 : i32
    %dma_wait3A_153 = arith.constant 0 : i32
    %dma_wait3A_154 = tpu.memref_slice %arg2[%dma_wait3A_152, %dma_wait3A_153] : memref<10000x128xf32, #tpu.memory_space<hbm>> -> memref<10000x128xf32, #tpu.memory_space<hbm>>
    tpu.wait_indirect_dma semaphore(%arg12 : memref<!tpu.dma_semaphore, #tpu.memory_space<semaphore_mem>>) src(%dma_wait3A_154 : memref<10000x128xf32, #tpu.memory_space<hbm>>) dst(%arg8 : memref<40x128xf32, #tpu.memory_space<vmem>>)
    %dma_start3A_155 = arith.constant 0 : i32
    %dma_start3A_156 = arith.constant 0 : i32
    %dma_start3A_157 = tpu.memref_slice %arg7[%dma_start3A_155, %dma_start3A_156] : memref<125x40xi32, #tpu.memory_space<vmem>> -> memref<1x40xi32, #tpu.memory_space<vmem>>
    %dma_start3A_158 = tpu.memref_squeeze %dma_start3A_157 : memref<1x40xi32, #tpu.memory_space<vmem>> -> memref<40xi32, #tpu.memory_space<vmem>>
    %dma_start3A_159 = arith.constant 0 : i32
    %dma_start3A_160 = arith.constant 0 : i32
    %dma_start3A_161 = tpu.memref_slice %arg11[%dma_start3A_159, %dma_start3A_160] : memref<10240x128xf32, #tpu.memory_space<vmem_shared>> -> memref<10240x128xf32, #tpu.memory_space<vmem_shared>>
    tpu.enqueue_indirect_dma source(%arg8 : memref<40x128xf32, #tpu.memory_space<vmem>>) target(%dma_start3A_161 : memref<10240x128xf32, #tpu.memory_space<vmem_shared>>) offsets(%dma_start3A_158 : memref<40xi32, #tpu.memory_space<vmem>>) semaphore(%arg15 : memref<!tpu.dma_semaphore, #tpu.memory_space<semaphore_mem>>) {add = true}
    %dma_start3A_162 = arith.constant 5080 : i32
    %dma_start3A_163 = tpu.memref_slice %arg6[%dma_start3A_162] : memref<10000xi32, #tpu.memory_space<vmem>> -> memref<40xi32, #tpu.memory_space<vmem>>
    %dma_start3A_164 = arith.constant 0 : i32
    %dma_start3A_165 = arith.constant 0 : i32
    %dma_start3A_166 = tpu.memref_slice %arg2[%dma_start3A_164, %dma_start3A_165] : memref<10000x128xf32, #tpu.memory_space<hbm>> -> memref<10000x128xf32, #tpu.memory_space<hbm>>
    tpu.enqueue_indirect_dma source(%dma_start3A_166 : memref<10000x128xf32, #tpu.memory_space<hbm>>) target(%arg10 : memref<40x128xf32, #tpu.memory_space<vmem>>) offsets(%dma_start3A_163 : memref<40xi32, #tpu.memory_space<vmem>>) semaphore(%arg14 : memref<!tpu.dma_semaphore, #tpu.memory_space<semaphore_mem>>)
    %dma_wait3A_167 = arith.constant 5040 : i32
    %dma_wait3A_168 = tpu.memref_slice %arg6[%dma_wait3A_167] : memref<10000xi32, #tpu.memory_space<vmem>> -> memref<40xi32, #tpu.memory_space<vmem>>
    %dma_wait3A_169 = arith.constant 0 : i32
    %dma_wait3A_170 = arith.constant 0 : i32
    %dma_wait3A_171 = tpu.memref_slice %arg2[%dma_wait3A_169, %dma_wait3A_170] : memref<10000x128xf32, #tpu.memory_space<hbm>> -> memref<10000x128xf32, #tpu.memory_space<hbm>>
    tpu.wait_indirect_dma semaphore(%arg13 : memref<!tpu.dma_semaphore, #tpu.memory_space<semaphore_mem>>) src(%dma_wait3A_171 : memref<10000x128xf32, #tpu.memory_space<hbm>>) dst(%arg9 : memref<40x128xf32, #tpu.memory_space<vmem>>)
    %dma_start3A_172 = arith.constant 1 : i32
    %dma_start3A_173 = arith.constant 0 : i32
    %dma_start3A_174 = tpu.memref_slice %arg7[%dma_start3A_172, %dma_start3A_173] : memref<125x40xi32, #tpu.memory_space<vmem>> -> memref<1x40xi32, #tpu.memory_space<vmem>>
    %dma_start3A_175 = tpu.memref_squeeze %dma_start3A_174 : memref<1x40xi32, #tpu.memory_space<vmem>> -> memref<40xi32, #tpu.memory_space<vmem>>
    %dma_start3A_176 = arith.constant 0 : i32
    %dma_start3A_177 = arith.constant 0 : i32
    %dma_start3A_178 = tpu.memref_slice %arg11[%dma_start3A_176, %dma_start3A_177] : memref<10240x128xf32, #tpu.memory_space<vmem_shared>> -> memref<10240x128xf32, #tpu.memory_space<vmem_shared>>
    tpu.enqueue_indirect_dma source(%arg9 : memref<40x128xf32, #tpu.memory_space<vmem>>) target(%dma_start3A_178 : memref<10240x128xf32, #tpu.memory_space<vmem_shared>>) offsets(%dma_start3A_175 : memref<40xi32, #tpu.memory_space<vmem>>) semaphore(%arg16 : memref<!tpu.dma_semaphore, #tpu.memory_space<semaphore_mem>>) {add = true}
    %dma_wait3A_179 = arith.constant 0 : i32
    %dma_wait3A_180 = arith.constant 0 : i32
    %dma_wait3A_181 = tpu.memref_slice %arg7[%dma_wait3A_179, %dma_wait3A_180] : memref<125x40xi32, #tpu.memory_space<vmem>> -> memref<1x40xi32, #tpu.memory_space<vmem>>
    %dma_wait3A_182 = tpu.memref_squeeze %dma_wait3A_181 : memref<1x40xi32, #tpu.memory_space<vmem>> -> memref<40xi32, #tpu.memory_space<vmem>>
    %dma_wait3A_183 = arith.constant 0 : i32
    %dma_wait3A_184 = arith.constant 0 : i32
    %dma_wait3A_185 = tpu.memref_slice %arg11[%dma_wait3A_183, %dma_wait3A_184] : memref<10240x128xf32, #tpu.memory_space<vmem_shared>> -> memref<10240x128xf32, #tpu.memory_space<vmem_shared>>
    tpu.wait_indirect_dma semaphore(%arg15 : memref<!tpu.dma_semaphore, #tpu.memory_space<semaphore_mem>>) src(%arg8 : memref<40x128xf32, #tpu.memory_space<vmem>>) dst(%dma_wait3A_185 : memref<10240x128xf32, #tpu.memory_space<vmem_shared>>)
    %dma_start3A_186 = arith.constant 5120 : i32
    %dma_start3A_187 = tpu.memref_slice %arg6[%dma_start3A_186] : memref<10000xi32, #tpu.memory_space<vmem>> -> memref<40xi32, #tpu.memory_space<vmem>>
    %dma_start3A_188 = arith.constant 0 : i32
    %dma_start3A_189 = arith.constant 0 : i32
    %dma_start3A_190 = tpu.memref_slice %arg2[%dma_start3A_188, %dma_start3A_189] : memref<10000x128xf32, #tpu.memory_space<hbm>> -> memref<10000x128xf32, #tpu.memory_space<hbm>>
    tpu.enqueue_indirect_dma source(%dma_start3A_190 : memref<10000x128xf32, #tpu.memory_space<hbm>>) target(%arg8 : memref<40x128xf32, #tpu.memory_space<vmem>>) offsets(%dma_start3A_187 : memref<40xi32, #tpu.memory_space<vmem>>) semaphore(%arg12 : memref<!tpu.dma_semaphore, #tpu.memory_space<semaphore_mem>>)
    %dma_wait3A_191 = arith.constant 5080 : i32
    %dma_wait3A_192 = tpu.memref_slice %arg6[%dma_wait3A_191] : memref<10000xi32, #tpu.memory_space<vmem>> -> memref<40xi32, #tpu.memory_space<vmem>>
    %dma_wait3A_193 = arith.constant 0 : i32
    %dma_wait3A_194 = arith.constant 0 : i32
    %dma_wait3A_195 = tpu.memref_slice %arg2[%dma_wait3A_193, %dma_wait3A_194] : memref<10000x128xf32, #tpu.memory_space<hbm>> -> memref<10000x128xf32, #tpu.memory_space<hbm>>
    tpu.wait_indirect_dma semaphore(%arg14 : memref<!tpu.dma_semaphore, #tpu.memory_space<semaphore_mem>>) src(%dma_wait3A_195 : memref<10000x128xf32, #tpu.memory_space<hbm>>) dst(%arg10 : memref<40x128xf32, #tpu.memory_space<vmem>>)
    %dma_start3A_196 = arith.constant 2 : i32
    %dma_start3A_197 = arith.constant 0 : i32
    %dma_start3A_198 = tpu.memref_slice %arg7[%dma_start3A_196, %dma_start3A_197] : memref<125x40xi32, #tpu.memory_space<vmem>> -> memref<1x40xi32, #tpu.memory_space<vmem>>
    %dma_start3A_199 = tpu.memref_squeeze %dma_start3A_198 : memref<1x40xi32, #tpu.memory_space<vmem>> -> memref<40xi32, #tpu.memory_space<vmem>>
    %dma_start3A_200 = arith.constant 0 : i32
    %dma_start3A_201 = arith.constant 0 : i32
    %dma_start3A_202 = tpu.memref_slice %arg11[%dma_start3A_200, %dma_start3A_201] : memref<10240x128xf32, #tpu.memory_space<vmem_shared>> -> memref<10240x128xf32, #tpu.memory_space<vmem_shared>>
    tpu.enqueue_indirect_dma source(%arg10 : memref<40x128xf32, #tpu.memory_space<vmem>>) target(%dma_start3A_202 : memref<10240x128xf32, #tpu.memory_space<vmem_shared>>) offsets(%dma_start3A_199 : memref<40xi32, #tpu.memory_space<vmem>>) semaphore(%arg17 : memref<!tpu.dma_semaphore, #tpu.memory_space<semaphore_mem>>) {add = true}
    %dma_wait3A_203 = arith.constant 0 : i32
    %dma_wait3A_204 = arith.constant 0 : i32
    %dma_wait3A_205 = tpu.memref_slice %arg7[%dma_wait3A_203, %dma_wait3A_204] : memref<125x40xi32, #tpu.memory_space<vmem>> -> memref<1x40xi32, #tpu.memory_space<vmem>>
    %dma_wait3A_206 = tpu.memref_squeeze %dma_wait3A_205 : memref<1x40xi32, #tpu.memory_space<vmem>> -> memref<40xi32, #tpu.memory_space<vmem>>
    %dma_wait3A_207 = arith.constant 0 : i32
    %dma_wait3A_208 = arith.constant 0 : i32
    %dma_wait3A_209 = tpu.memref_slice %arg11[%dma_wait3A_207, %dma_wait3A_208] : memref<10240x128xf32, #tpu.memory_space<vmem_shared>> -> memref<10240x128xf32, #tpu.memory_space<vmem_shared>>
    tpu.wait_indirect_dma semaphore(%arg16 : memref<!tpu.dma_semaphore, #tpu.memory_space<semaphore_mem>>) src(%arg9 : memref<40x128xf32, #tpu.memory_space<vmem>>) dst(%dma_wait3A_209 : memref<10240x128xf32, #tpu.memory_space<vmem_shared>>)
    %dma_start3A_210 = arith.constant 5160 : i32
    %dma_start3A_211 = tpu.memref_slice %arg6[%dma_start3A_210] : memref<10000xi32, #tpu.memory_space<vmem>> -> memref<40xi32, #tpu.memory_space<vmem>>
    %dma_start3A_212 = arith.constant 0 : i32
    %dma_start3A_213 = arith.constant 0 : i32
    %dma_start3A_214 = tpu.memref_slice %arg2[%dma_start3A_212, %dma_start3A_213] : memref<10000x128xf32, #tpu.memory_space<hbm>> -> memref<10000x128xf32, #tpu.memory_space<hbm>>
    tpu.enqueue_indirect_dma source(%dma_start3A_214 : memref<10000x128xf32, #tpu.memory_space<hbm>>) target(%arg9 : memref<40x128xf32, #tpu.memory_space<vmem>>) offsets(%dma_start3A_211 : memref<40xi32, #tpu.memory_space<vmem>>) semaphore(%arg13 : memref<!tpu.dma_semaphore, #tpu.memory_space<semaphore_mem>>)
    %scan3A_215 = arith.constant 0 : i32
    %scan3A_216 = arith.constant 0 : i32
    %scan3A_217 = arith.constant 40 : i32
    %scan3A_218 = arith.addi %scan3A_216, %scan3A_217 : i32
    %scan3A_219 = arith.constant 1 : i32
    scf.for %scan3A_274 = %scan3A_216 to %scan3A_218 step %scan3A_219  : i32 {
      %mul3A_275 = arith.constant 3 : i32
      %mul3A_276 = arith.muli %mul3A_275, %scan3A_274 : i32
      %add3A_277 = arith.constant 3 : i32
      %add3A_278 = arith.addi %mul3A_276, %add3A_277 : i32
      %add3A_279 = arith.constant 125 : i32
      %add3A_280 = arith.addi %add3A_279, %add3A_278 : i32
      %mul3A_281 = arith.constant 40 : i32
      %mul3A_282 = arith.muli %add3A_280, %mul3A_281 : i32
      %dma_wait3A_283 = tpu.memref_slice %arg6[%mul3A_282] : memref<10000xi32, #tpu.memory_space<vmem>> -> memref<40xi32, #tpu.memory_space<vmem>>
      %dma_wait3A_284 = arith.constant 0 : i32
      %dma_wait3A_285 = arith.constant 0 : i32
      %dma_wait3A_286 = tpu.memref_slice %arg2[%dma_wait3A_284, %dma_wait3A_285] : memref<10000x128xf32, #tpu.memory_space<hbm>> -> memref<10000x128xf32, #tpu.memory_space<hbm>>
      tpu.wait_indirect_dma semaphore(%arg12 : memref<!tpu.dma_semaphore, #tpu.memory_space<semaphore_mem>>) src(%dma_wait3A_286 : memref<10000x128xf32, #tpu.memory_space<hbm>>) dst(%arg8 : memref<40x128xf32, #tpu.memory_space<vmem>>)
      %dma_start3A_287 = arith.constant 0 : i32
      %dma_start3A_288 = tpu.memref_slice %arg7[%add3A_278, %dma_start3A_287] : memref<125x40xi32, #tpu.memory_space<vmem>> -> memref<1x40xi32, #tpu.memory_space<vmem>>
      %dma_start3A_289 = tpu.memref_squeeze %dma_start3A_288 : memref<1x40xi32, #tpu.memory_space<vmem>> -> memref<40xi32, #tpu.memory_space<vmem>>
      %dma_start3A_290 = arith.constant 0 : i32
      %dma_start3A_291 = arith.constant 0 : i32
      %dma_start3A_292 = tpu.memref_slice %arg11[%dma_start3A_290, %dma_start3A_291] : memref<10240x128xf32, #tpu.memory_space<vmem_shared>> -> memref<10240x128xf32, #tpu.memory_space<vmem_shared>>
      tpu.enqueue_indirect_dma source(%arg8 : memref<40x128xf32, #tpu.memory_space<vmem>>) target(%dma_start3A_292 : memref<10240x128xf32, #tpu.memory_space<vmem_shared>>) offsets(%dma_start3A_289 : memref<40xi32, #tpu.memory_space<vmem>>) semaphore(%arg15 : memref<!tpu.dma_semaphore, #tpu.memory_space<semaphore_mem>>) {add = true}
      %dma_wait3A_293 = arith.constant 0 : i32
      %dma_wait3A_294 = arith.constant 0 : i32
      %dma_wait3A_295 = tpu.memref_slice %arg7[%dma_wait3A_293, %dma_wait3A_294] : memref<125x40xi32, #tpu.memory_space<vmem>> -> memref<1x40xi32, #tpu.memory_space<vmem>>
      %dma_wait3A_296 = tpu.memref_squeeze %dma_wait3A_295 : memref<1x40xi32, #tpu.memory_space<vmem>> -> memref<40xi32, #tpu.memory_space<vmem>>
      %dma_wait3A_297 = arith.constant 0 : i32
      %dma_wait3A_298 = arith.constant 0 : i32
      %dma_wait3A_299 = tpu.memref_slice %arg11[%dma_wait3A_297, %dma_wait3A_298] : memref<10240x128xf32, #tpu.memory_space<vmem_shared>> -> memref<10240x128xf32, #tpu.memory_space<vmem_shared>>
      tpu.wait_indirect_dma semaphore(%arg17 : memref<!tpu.dma_semaphore, #tpu.memory_space<semaphore_mem>>) src(%arg10 : memref<40x128xf32, #tpu.memory_space<vmem>>) dst(%dma_wait3A_299 : memref<10240x128xf32, #tpu.memory_space<vmem_shared>>)
      %add3A_300 = arith.constant 125 : i32
      %add3A_301 = arith.addi %add3A_300, %add3A_278 : i32
      %add3A_302 = arith.constant 2 : i32
      %add3A_303 = arith.addi %add3A_301, %add3A_302 : i32
      %mul3A_304 = arith.constant 40 : i32
      %mul3A_305 = arith.muli %add3A_303, %mul3A_304 : i32
      %dma_start3A_306 = tpu.memref_slice %arg6[%mul3A_305] : memref<10000xi32, #tpu.memory_space<vmem>> -> memref<40xi32, #tpu.memory_space<vmem>>
      %dma_start3A_307 = arith.constant 0 : i32
      %dma_start3A_308 = arith.constant 0 : i32
      %dma_start3A_309 = tpu.memref_slice %arg2[%dma_start3A_307, %dma_start3A_308] : memref<10000x128xf32, #tpu.memory_space<hbm>> -> memref<10000x128xf32, #tpu.memory_space<hbm>>
      tpu.enqueue_indirect_dma source(%dma_start3A_309 : memref<10000x128xf32, #tpu.memory_space<hbm>>) target(%arg10 : memref<40x128xf32, #tpu.memory_space<vmem>>) offsets(%dma_start3A_306 : memref<40xi32, #tpu.memory_space<vmem>>) semaphore(%arg14 : memref<!tpu.dma_semaphore, #tpu.memory_space<semaphore_mem>>)
      %add3A_310 = arith.constant 1 : i32
      %add3A_311 = arith.addi %add3A_278, %add3A_310 : i32
      %add3A_312 = arith.constant 125 : i32
      %add3A_313 = arith.addi %add3A_312, %add3A_311 : i32
      %mul3A_314 = arith.constant 40 : i32
      %mul3A_315 = arith.muli %add3A_313, %mul3A_314 : i32
      %dma_wait3A_316 = tpu.memref_slice %arg6[%mul3A_315] : memref<10000xi32, #tpu.memory_space<vmem>> -> memref<40xi32, #tpu.memory_space<vmem>>
      %dma_wait3A_317 = arith.constant 0 : i32
      %dma_wait3A_318 = arith.constant 0 : i32
      %dma_wait3A_319 = tpu.memref_slice %arg2[%dma_wait3A_317, %dma_wait3A_318] : memref<10000x128xf32, #tpu.memory_space<hbm>> -> memref<10000x128xf32, #tpu.memory_space<hbm>>
      tpu.wait_indirect_dma semaphore(%arg13 : memref<!tpu.dma_semaphore, #tpu.memory_space<semaphore_mem>>) src(%dma_wait3A_319 : memref<10000x128xf32, #tpu.memory_space<hbm>>) dst(%arg9 : memref<40x128xf32, #tpu.memory_space<vmem>>)
      %dma_start3A_320 = arith.constant 0 : i32
      %dma_start3A_321 = tpu.memref_slice %arg7[%add3A_311, %dma_start3A_320] : memref<125x40xi32, #tpu.memory_space<vmem>> -> memref<1x40xi32, #tpu.memory_space<vmem>>
      %dma_start3A_322 = tpu.memref_squeeze %dma_start3A_321 : memref<1x40xi32, #tpu.memory_space<vmem>> -> memref<40xi32, #tpu.memory_space<vmem>>
      %dma_start3A_323 = arith.constant 0 : i32
      %dma_start3A_324 = arith.constant 0 : i32
      %dma_start3A_325 = tpu.memref_slice %arg11[%dma_start3A_323, %dma_start3A_324] : memref<10240x128xf32, #tpu.memory_space<vmem_shared>> -> memref<10240x128xf32, #tpu.memory_space<vmem_shared>>
      tpu.enqueue_indirect_dma source(%arg9 : memref<40x128xf32, #tpu.memory_space<vmem>>) target(%dma_start3A_325 : memref<10240x128xf32, #tpu.memory_space<vmem_shared>>) offsets(%dma_start3A_322 : memref<40xi32, #tpu.memory_space<vmem>>) semaphore(%arg16 : memref<!tpu.dma_semaphore, #tpu.memory_space<semaphore_mem>>) {add = true}
      %dma_wait3A_326 = arith.constant 0 : i32
      %dma_wait3A_327 = arith.constant 0 : i32
      %dma_wait3A_328 = tpu.memref_slice %arg7[%dma_wait3A_326, %dma_wait3A_327] : memref<125x40xi32, #tpu.memory_space<vmem>> -> memref<1x40xi32, #tpu.memory_space<vmem>>
      %dma_wait3A_329 = tpu.memref_squeeze %dma_wait3A_328 : memref<1x40xi32, #tpu.memory_space<vmem>> -> memref<40xi32, #tpu.memory_space<vmem>>
      %dma_wait3A_330 = arith.constant 0 : i32
      %dma_wait3A_331 = arith.constant 0 : i32
      %dma_wait3A_332 = tpu.memref_slice %arg11[%dma_wait3A_330, %dma_wait3A_331] : memref<10240x128xf32, #tpu.memory_space<vmem_shared>> -> memref<10240x128xf32, #tpu.memory_space<vmem_shared>>
      tpu.wait_indirect_dma semaphore(%arg15 : memref<!tpu.dma_semaphore, #tpu.memory_space<semaphore_mem>>) src(%arg8 : memref<40x128xf32, #tpu.memory_space<vmem>>) dst(%dma_wait3A_332 : memref<10240x128xf32, #tpu.memory_space<vmem_shared>>)
      %add3A_333 = arith.constant 125 : i32
      %add3A_334 = arith.addi %add3A_333, %add3A_311 : i32
      %add3A_335 = arith.constant 2 : i32
      %add3A_336 = arith.addi %add3A_334, %add3A_335 : i32
      %mul3A_337 = arith.constant 40 : i32
      %mul3A_338 = arith.muli %add3A_336, %mul3A_337 : i32
      %dma_start3A_339 = tpu.memref_slice %arg6[%mul3A_338] : memref<10000xi32, #tpu.memory_space<vmem>> -> memref<40xi32, #tpu.memory_space<vmem>>
      %dma_start3A_340 = arith.constant 0 : i32
      %dma_start3A_341 = arith.constant 0 : i32
      %dma_start3A_342 = tpu.memref_slice %arg2[%dma_start3A_340, %dma_start3A_341] : memref<10000x128xf32, #tpu.memory_space<hbm>> -> memref<10000x128xf32, #tpu.memory_space<hbm>>
      tpu.enqueue_indirect_dma source(%dma_start3A_342 : memref<10000x128xf32, #tpu.memory_space<hbm>>) target(%arg8 : memref<40x128xf32, #tpu.memory_space<vmem>>) offsets(%dma_start3A_339 : memref<40xi32, #tpu.memory_space<vmem>>) semaphore(%arg12 : memref<!tpu.dma_semaphore, #tpu.memory_space<semaphore_mem>>)
      %add3A_343 = arith.constant 2 : i32
      %add3A_344 = arith.addi %add3A_278, %add3A_343 : i32
      %add3A_345 = arith.constant 125 : i32
      %add3A_346 = arith.addi %add3A_345, %add3A_344 : i32
      %mul3A_347 = arith.constant 40 : i32
      %mul3A_348 = arith.muli %add3A_346, %mul3A_347 : i32
      %dma_wait3A_349 = tpu.memref_slice %arg6[%mul3A_348] : memref<10000xi32, #tpu.memory_space<vmem>> -> memref<40xi32, #tpu.memory_space<vmem>>
      %dma_wait3A_350 = arith.constant 0 : i32
      %dma_wait3A_351 = arith.constant 0 : i32
      %dma_wait3A_352 = tpu.memref_slice %arg2[%dma_wait3A_350, %dma_wait3A_351] : memref<10000x128xf32, #tpu.memory_space<hbm>> -> memref<10000x128xf32, #tpu.memory_space<hbm>>
      tpu.wait_indirect_dma semaphore(%arg14 : memref<!tpu.dma_semaphore, #tpu.memory_space<semaphore_mem>>) src(%dma_wait3A_352 : memref<10000x128xf32, #tpu.memory_space<hbm>>) dst(%arg10 : memref<40x128xf32, #tpu.memory_space<vmem>>)
      %dma_start3A_353 = arith.constant 0 : i32
      %dma_start3A_354 = tpu.memref_slice %arg7[%add3A_344, %dma_start3A_353] : memref<125x40xi32, #tpu.memory_space<vmem>> -> memref<1x40xi32, #tpu.memory_space<vmem>>
      %dma_start3A_355 = tpu.memref_squeeze %dma_start3A_354 : memref<1x40xi32, #tpu.memory_space<vmem>> -> memref<40xi32, #tpu.memory_space<vmem>>
      %dma_start3A_356 = arith.constant 0 : i32
      %dma_start3A_357 = arith.constant 0 : i32
      %dma_start3A_358 = tpu.memref_slice %arg11[%dma_start3A_356, %dma_start3A_357] : memref<10240x128xf32, #tpu.memory_space<vmem_shared>> -> memref<10240x128xf32, #tpu.memory_space<vmem_shared>>
      tpu.enqueue_indirect_dma source(%arg10 : memref<40x128xf32, #tpu.memory_space<vmem>>) target(%dma_start3A_358 : memref<10240x128xf32, #tpu.memory_space<vmem_shared>>) offsets(%dma_start3A_355 : memref<40xi32, #tpu.memory_space<vmem>>) semaphore(%arg17 : memref<!tpu.dma_semaphore, #tpu.memory_space<semaphore_mem>>) {add = true}
      %dma_wait3A_359 = arith.constant 0 : i32
      %dma_wait3A_360 = arith.constant 0 : i32
      %dma_wait3A_361 = tpu.memref_slice %arg7[%dma_wait3A_359, %dma_wait3A_360] : memref<125x40xi32, #tpu.memory_space<vmem>> -> memref<1x40xi32, #tpu.memory_space<vmem>>
      %dma_wait3A_362 = tpu.memref_squeeze %dma_wait3A_361 : memref<1x40xi32, #tpu.memory_space<vmem>> -> memref<40xi32, #tpu.memory_space<vmem>>
      %dma_wait3A_363 = arith.constant 0 : i32
      %dma_wait3A_364 = arith.constant 0 : i32
      %dma_wait3A_365 = tpu.memref_slice %arg11[%dma_wait3A_363, %dma_wait3A_364] : memref<10240x128xf32, #tpu.memory_space<vmem_shared>> -> memref<10240x128xf32, #tpu.memory_space<vmem_shared>>
      tpu.wait_indirect_dma semaphore(%arg16 : memref<!tpu.dma_semaphore, #tpu.memory_space<semaphore_mem>>) src(%arg9 : memref<40x128xf32, #tpu.memory_space<vmem>>) dst(%dma_wait3A_365 : memref<10240x128xf32, #tpu.memory_space<vmem_shared>>)
      %add3A_366 = arith.constant 125 : i32
      %add3A_367 = arith.addi %add3A_366, %add3A_344 : i32
      %add3A_368 = arith.constant 2 : i32
      %add3A_369 = arith.addi %add3A_367, %add3A_368 : i32
      %mul3A_370 = arith.constant 40 : i32
      %mul3A_371 = arith.muli %add3A_369, %mul3A_370 : i32
      %dma_start3A_372 = tpu.memref_slice %arg6[%mul3A_371] : memref<10000xi32, #tpu.memory_space<vmem>> -> memref<40xi32, #tpu.memory_space<vmem>>
      %dma_start3A_373 = arith.constant 0 : i32
      %dma_start3A_374 = arith.constant 0 : i32
      %dma_start3A_375 = tpu.memref_slice %arg2[%dma_start3A_373, %dma_start3A_374] : memref<10000x128xf32, #tpu.memory_space<hbm>> -> memref<10000x128xf32, #tpu.memory_space<hbm>>
      tpu.enqueue_indirect_dma source(%dma_start3A_375 : memref<10000x128xf32, #tpu.memory_space<hbm>>) target(%arg9 : memref<40x128xf32, #tpu.memory_space<vmem>>) offsets(%dma_start3A_372 : memref<40xi32, #tpu.memory_space<vmem>>) semaphore(%arg13 : memref<!tpu.dma_semaphore, #tpu.memory_space<semaphore_mem>>)
    }
    %scan3A_220 = arith.constant 40 : i32
    %dma_wait3A_221 = arith.constant 9920 : i32
    %dma_wait3A_222 = tpu.memref_slice %arg6[%dma_wait3A_221] : memref<10000xi32, #tpu.memory_space<vmem>> -> memref<40xi32, #tpu.memory_space<vmem>>
    %dma_wait3A_223 = arith.constant 0 : i32
    %dma_wait3A_224 = arith.constant 0 : i32
    %dma_wait3A_225 = tpu.memref_slice %arg2[%dma_wait3A_223, %dma_wait3A_224] : memref<10000x128xf32, #tpu.memory_space<hbm>> -> memref<10000x128xf32, #tpu.memory_space<hbm>>
    tpu.wait_indirect_dma semaphore(%arg12 : memref<!tpu.dma_semaphore, #tpu.memory_space<semaphore_mem>>) src(%dma_wait3A_225 : memref<10000x128xf32, #tpu.memory_space<hbm>>) dst(%arg8 : memref<40x128xf32, #tpu.memory_space<vmem>>)
    %dma_start3A_226 = arith.constant 123 : i32
    %dma_start3A_227 = arith.constant 0 : i32
    %dma_start3A_228 = tpu.memref_slice %arg7[%dma_start3A_226, %dma_start3A_227] : memref<125x40xi32, #tpu.memory_space<vmem>> -> memref<1x40xi32, #tpu.memory_space<vmem>>
    %dma_start3A_229 = tpu.memref_squeeze %dma_start3A_228 : memref<1x40xi32, #tpu.memory_space<vmem>> -> memref<40xi32, #tpu.memory_space<vmem>>
    %dma_start3A_230 = arith.constant 0 : i32
    %dma_start3A_231 = arith.constant 0 : i32
    %dma_start3A_232 = tpu.memref_slice %arg11[%dma_start3A_230, %dma_start3A_231] : memref<10240x128xf32, #tpu.memory_space<vmem_shared>> -> memref<10240x128xf32, #tpu.memory_space<vmem_shared>>
    tpu.enqueue_indirect_dma source(%arg8 : memref<40x128xf32, #tpu.memory_space<vmem>>) target(%dma_start3A_232 : memref<10240x128xf32, #tpu.memory_space<vmem_shared>>) offsets(%dma_start3A_229 : memref<40xi32, #tpu.memory_space<vmem>>) semaphore(%arg15 : memref<!tpu.dma_semaphore, #tpu.memory_space<semaphore_mem>>) {add = true}
    %dma_wait3A_233 = arith.constant 0 : i32
    %dma_wait3A_234 = arith.constant 0 : i32
    %dma_wait3A_235 = tpu.memref_slice %arg7[%dma_wait3A_233, %dma_wait3A_234] : memref<125x40xi32, #tpu.memory_space<vmem>> -> memref<1x40xi32, #tpu.memory_space<vmem>>
    %dma_wait3A_236 = tpu.memref_squeeze %dma_wait3A_235 : memref<1x40xi32, #tpu.memory_space<vmem>> -> memref<40xi32, #tpu.memory_space<vmem>>
    %dma_wait3A_237 = arith.constant 0 : i32
    %dma_wait3A_238 = arith.constant 0 : i32
    %dma_wait3A_239 = tpu.memref_slice %arg11[%dma_wait3A_237, %dma_wait3A_238] : memref<10240x128xf32, #tpu.memory_space<vmem_shared>> -> memref<10240x128xf32, #tpu.memory_space<vmem_shared>>
    tpu.wait_indirect_dma semaphore(%arg17 : memref<!tpu.dma_semaphore, #tpu.memory_space<semaphore_mem>>) src(%arg10 : memref<40x128xf32, #tpu.memory_space<vmem>>) dst(%dma_wait3A_239 : memref<10240x128xf32, #tpu.memory_space<vmem_shared>>)
    %dma_wait3A_240 = arith.constant 9960 : i32
    %dma_wait3A_241 = tpu.memref_slice %arg6[%dma_wait3A_240] : memref<10000xi32, #tpu.memory_space<vmem>> -> memref<40xi32, #tpu.memory_space<vmem>>
    %dma_wait3A_242 = arith.constant 0 : i32
    %dma_wait3A_243 = arith.constant 0 : i32
    %dma_wait3A_244 = tpu.memref_slice %arg2[%dma_wait3A_242, %dma_wait3A_243] : memref<10000x128xf32, #tpu.memory_space<hbm>> -> memref<10000x128xf32, #tpu.memory_space<hbm>>
    tpu.wait_indirect_dma semaphore(%arg13 : memref<!tpu.dma_semaphore, #tpu.memory_space<semaphore_mem>>) src(%dma_wait3A_244 : memref<10000x128xf32, #tpu.memory_space<hbm>>) dst(%arg9 : memref<40x128xf32, #tpu.memory_space<vmem>>)
    %dma_start3A_245 = arith.constant 124 : i32
    %dma_start3A_246 = arith.constant 0 : i32
    %dma_start3A_247 = tpu.memref_slice %arg7[%dma_start3A_245, %dma_start3A_246] : memref<125x40xi32, #tpu.memory_space<vmem>> -> memref<1x40xi32, #tpu.memory_space<vmem>>
    %dma_start3A_248 = tpu.memref_squeeze %dma_start3A_247 : memref<1x40xi32, #tpu.memory_space<vmem>> -> memref<40xi32, #tpu.memory_space<vmem>>
    %dma_start3A_249 = arith.constant 0 : i32
    %dma_start3A_250 = arith.constant 0 : i32
    %dma_start3A_251 = tpu.memref_slice %arg11[%dma_start3A_249, %dma_start3A_250] : memref<10240x128xf32, #tpu.memory_space<vmem_shared>> -> memref<10240x128xf32, #tpu.memory_space<vmem_shared>>
    tpu.enqueue_indirect_dma source(%arg9 : memref<40x128xf32, #tpu.memory_space<vmem>>) target(%dma_start3A_251 : memref<10240x128xf32, #tpu.memory_space<vmem_shared>>) offsets(%dma_start3A_248 : memref<40xi32, #tpu.memory_space<vmem>>) semaphore(%arg16 : memref<!tpu.dma_semaphore, #tpu.memory_space<semaphore_mem>>) {add = true}
    %dma_wait3A_252 = arith.constant 0 : i32
    %dma_wait3A_253 = arith.constant 0 : i32
    %dma_wait3A_254 = tpu.memref_slice %arg7[%dma_wait3A_252, %dma_wait3A_253] : memref<125x40xi32, #tpu.memory_space<vmem>> -> memref<1x40xi32, #tpu.memory_space<vmem>>
    %dma_wait3A_255 = tpu.memref_squeeze %dma_wait3A_254 : memref<1x40xi32, #tpu.memory_space<vmem>> -> memref<40xi32, #tpu.memory_space<vmem>>
    %dma_wait3A_256 = arith.constant 0 : i32
    %dma_wait3A_257 = arith.constant 0 : i32
    %dma_wait3A_258 = tpu.memref_slice %arg11[%dma_wait3A_256, %dma_wait3A_257] : memref<10240x128xf32, #tpu.memory_space<vmem_shared>> -> memref<10240x128xf32, #tpu.memory_space<vmem_shared>>
    tpu.wait_indirect_dma semaphore(%arg15 : memref<!tpu.dma_semaphore, #tpu.memory_space<semaphore_mem>>) src(%arg8 : memref<40x128xf32, #tpu.memory_space<vmem>>) dst(%dma_wait3A_258 : memref<10240x128xf32, #tpu.memory_space<vmem_shared>>)
    %dma_wait3A_259 = arith.constant 0 : i32
    %dma_wait3A_260 = arith.constant 0 : i32
    %dma_wait3A_261 = tpu.memref_slice %arg7[%dma_wait3A_259, %dma_wait3A_260] : memref<125x40xi32, #tpu.memory_space<vmem>> -> memref<1x40xi32, #tpu.memory_space<vmem>>
    %dma_wait3A_262 = tpu.memref_squeeze %dma_wait3A_261 : memref<1x40xi32, #tpu.memory_space<vmem>> -> memref<40xi32, #tpu.memory_space<vmem>>
    %dma_wait3A_263 = arith.constant 0 : i32
    %dma_wait3A_264 = arith.constant 0 : i32
    %dma_wait3A_265 = tpu.memref_slice %arg11[%dma_wait3A_263, %dma_wait3A_264] : memref<10240x128xf32, #tpu.memory_space<vmem_shared>> -> memref<10240x128xf32, #tpu.memory_space<vmem_shared>>
    tpu.wait_indirect_dma semaphore(%arg16 : memref<!tpu.dma_semaphore, #tpu.memory_space<semaphore_mem>>) src(%arg9 : memref<40x128xf32, #tpu.memory_space<vmem>>) dst(%dma_wait3A_265 : memref<10240x128xf32, #tpu.memory_space<vmem_shared>>)
    %barrier3A_266 = arith.constant 0 : index
    tpu.barrier barrier_id(%barrier3A_266)
    %mul3A_267 = arith.constant 640 : i32
    %mul3A_268 = arith.muli %arg1, %mul3A_267 : i32
    %mul3A_269 = arith.constant 10240 : i32
    %mul3A_270 = arith.muli %arg0, %mul3A_269 : i32
    %mul3A_271 = arith.constant 640 : i32
    %mul3A_272 = arith.muli %arg1, %mul3A_271 : i32
    %add3A_273 = arith.addi %mul3A_270, %mul3A_272 : i32
    "tpu.region"() ({
      %run_scoped3A_274 = tpu.sem_alloc : memref<!tpu.dma_semaphore, #tpu.memory_space<semaphore_mem>>
      %dma_start3A_275 = arith.constant 0 : i32
      %dma_start3A_276 = tpu.memref_slice %arg5[%add3A_273, %dma_start3A_275] : memref<20480x128xf32, #tpu.memory_space<hbm>> -> memref<640x128xf32, #tpu.memory_space<hbm>>
      %dma_start3A_277 = arith.constant 0 : i32
      %dma_start3A_278 = tpu.memref_slice %arg11[%mul3A_268, %dma_start3A_277] : memref<10240x128xf32, #tpu.memory_space<vmem_shared>> -> memref<640x128xf32, #tpu.memory_space<vmem_shared>>
      tpu.enqueue_dma source(%dma_start3A_278 : memref<640x128xf32, #tpu.memory_space<vmem_shared>>) target(%dma_start3A_276 : memref<640x128xf32, #tpu.memory_space<hbm>>) target_semaphore(%run_scoped3A_274 : memref<!tpu.dma_semaphore, #tpu.memory_space<semaphore_mem>>)
      %dma_wait3A_279 = arith.constant 0 : i32
      %dma_wait3A_280 = tpu.memref_slice %arg5[%add3A_273, %dma_wait3A_279] : memref<20480x128xf32, #tpu.memory_space<hbm>> -> memref<640x128xf32, #tpu.memory_space<hbm>>
      %dma_wait3A_281 = arith.constant 0 : i32
      %dma_wait3A_282 = tpu.memref_slice %arg11[%mul3A_268, %dma_wait3A_281] : memref<10240x128xf32, #tpu.memory_space<vmem_shared>> -> memref<640x128xf32, #tpu.memory_space<vmem_shared>>
      tpu.wait_dma2 semaphore(%run_scoped3A_274 : memref<!tpu.dma_semaphore, #tpu.memory_space<semaphore_mem>>) src(%dma_wait3A_282 : memref<640x128xf32, #tpu.memory_space<vmem_shared>>) dst(%dma_wait3A_280 : memref<640x128xf32, #tpu.memory_space<hbm>>)
      tpu.yield
    }) : () -> ()
    return
  }
}

module attributes {stable_mosaic.version = 14 : i64} {
  func.func @_tc_a_body(%arg0: i32, %arg1: memref<1000x128xf32, #tpu.memory_space<vmem>>, %arg2: memref<1000x1xf32, #tpu.memory_space<vmem>>, %arg3: memref<1000x1xf32, #tpu.memory_space<vmem>>, %arg4: memref<128x256xf32, #tpu.memory_space<vmem>>, %arg5: memref<1x256xf32, #tpu.memory_space<vmem>>, %arg6: memref<256x128xf32, #tpu.memory_space<vmem>>, %arg7: memref<1x128xf32, #tpu.memory_space<vmem>>, %arg8: memref<128x128xf32, #tpu.memory_space<vmem>>, %arg9: memref<1000x128xf32, #tpu.memory_space<vmem>>, %arg10: memref<1000x1xf32, #tpu.memory_space<vmem>>) attributes {dimension_semantics = [#tpu.dimension_semantics<arbitrary>], iteration_bounds = array<i64: 10>, scalar_prefetch = 0 : i64, scratch_operands = 0 : i64, tpu.core_type = #tpu.core_type<tc>, window_params = [{transform_indices = @transform_0, window_bounds = array<i64: 1000, 128>}, {transform_indices = @transform_1, window_bounds = array<i64: 1000, 1>}, {transform_indices = @transform_2, window_bounds = array<i64: 1000, 1>}, {pipeline_mode = #tpu.pipeline_mode<synchronous>, transform_indices = @transform_3, window_bounds = array<i64: 128, 256>}, {pipeline_mode = #tpu.pipeline_mode<synchronous>, transform_indices = @transform_4, window_bounds = array<i64: 1, 256>}, {pipeline_mode = #tpu.pipeline_mode<synchronous>, transform_indices = @transform_5, window_bounds = array<i64: 256, 128>}, {pipeline_mode = #tpu.pipeline_mode<synchronous>, transform_indices = @transform_6, window_bounds = array<i64: 1, 128>}, {pipeline_mode = #tpu.pipeline_mode<synchronous>, transform_indices = @transform_7, window_bounds = array<i64: 128, 128>}, {transform_indices = @transform_8, window_bounds = array<i64: 1000, 128>}, {transform_indices = @transform_9, window_bounds = array<i64: 1000, 1>}]} {
    %get3A = arith.constant 0 : index
    %get3A_0 = arith.constant 0 : index
    %get3A_1 = vector.load %arg1[%get3A, %get3A_0] : memref<1000x128xf32, #tpu.memory_space<vmem>>, vector<1000x128xf32>
    %get3A_2 = arith.constant 0 : index
    %get3A_3 = arith.constant 0 : index
    %get3A_4 = vector.load %arg4[%get3A_2, %get3A_3] : memref<128x256xf32, #tpu.memory_space<vmem>>, vector<128x256xf32>
    %dot_general3A = arith.constant dense<0.000000e+00> : vector<1000x256xf32>
    %dot_general3A_5 = tpu.matmul %get3A_1, %get3A_4, %dot_general3A {dimension_numbers = #tpu.dot_dimension_numbers<[1], [0], [0], [1], [0, 0, 1, 1], [], []>, transpose_lhs_hint = false} : vector<1000x128xf32>, vector<128x256xf32>, vector<1000x256xf32> -> vector<1000x256xf32>
    %get3A_6 = arith.constant 0 : index
    %get3A_7 = arith.constant 0 : index
    %get3A_8 = vector.load %arg5[%get3A_6, %get3A_7] : memref<1x256xf32, #tpu.memory_space<vmem>>, vector<1x256xf32>
    %add3A = vector.broadcast %get3A_8 : vector<1x256xf32> to vector<1000x256xf32>
    %add3A_9 = arith.addf %dot_general3A_5, %add3A : vector<1000x256xf32>
    %max3A = arith.constant 0.000000e+00 : f32
    %max3A_10 = vector.broadcast %max3A : f32 to vector<1000x256xf32>
    %max3A_11 = arith.maximumf %add3A_9, %max3A_10 : vector<1000x256xf32>
    %get3A_12 = arith.constant 0 : index
    %get3A_13 = arith.constant 0 : index
    %get3A_14 = vector.load %arg6[%get3A_12, %get3A_13] : memref<256x128xf32, #tpu.memory_space<vmem>>, vector<256x128xf32>
    %dot_general3A_15 = arith.constant dense<0.000000e+00> : vector<1000x128xf32>
    %dot_general3A_16 = tpu.matmul %max3A_11, %get3A_14, %dot_general3A_15 {dimension_numbers = #tpu.dot_dimension_numbers<[1], [0], [0], [1], [0, 0, 1, 1], [], []>, transpose_lhs_hint = false} : vector<1000x256xf32>, vector<256x128xf32>, vector<1000x128xf32> -> vector<1000x128xf32>
    %get3A_17 = arith.constant 0 : index
    %get3A_18 = arith.constant 0 : index
    %get3A_19 = vector.load %arg7[%get3A_17, %get3A_18] : memref<1x128xf32, #tpu.memory_space<vmem>>, vector<1x128xf32>
    %add3A_20 = vector.broadcast %get3A_19 : vector<1x128xf32> to vector<1000x128xf32>
    %add3A_21 = arith.addf %dot_general3A_16, %add3A_20 : vector<1000x128xf32>
    %get3A_22 = arith.constant 0 : index
    %get3A_23 = arith.constant 0 : index
    %get3A_24 = vector.load %arg2[%get3A_22, %get3A_23] : memref<1000x1xf32, #tpu.memory_space<vmem>>, vector<1000x1xf32>
    %get3A_25 = arith.constant 0 : index
    %get3A_26 = arith.constant 0 : index
    %get3A_27 = vector.load %arg3[%get3A_25, %get3A_26] : memref<1000x1xf32, #tpu.memory_space<vmem>>, vector<1000x1xf32>
    %add3A_28 = arith.addf %get3A_24, %get3A_27 : vector<1000x1xf32>
    %add3A_29 = arith.constant 1.000000e+00 : f32
    %add3A_30 = vector.broadcast %add3A_29 : f32 to vector<1000x1xf32>
    %add3A_31 = arith.addf %add3A_28, %add3A_30 : vector<1000x1xf32>
    %max3A_32 = arith.constant 9.99999996E-13 : f32
    %max3A_33 = vector.broadcast %max3A_32 : f32 to vector<1000x1xf32>
    %max3A_34 = arith.maximumf %add3A_31, %max3A_33 : vector<1000x1xf32>
    %rsqrt3A = math.rsqrt %max3A_34 : vector<1000x1xf32>
    %get3A_35 = arith.constant 0 : index
    %get3A_36 = arith.constant 0 : index
    %get3A_37 = vector.load %arg8[%get3A_35, %get3A_36] : memref<128x128xf32, #tpu.memory_space<vmem>>, vector<128x128xf32>
    %dot_general3A_38 = arith.constant dense<0.000000e+00> : vector<1000x128xf32>
    %dot_general3A_39 = tpu.matmul %add3A_21, %get3A_37, %dot_general3A_38 {dimension_numbers = #tpu.dot_dimension_numbers<[1], [0], [0], [1], [0, 0, 1, 1], [], []>, transpose_lhs_hint = false} : vector<1000x128xf32>, vector<128x128xf32>, vector<1000x128xf32> -> vector<1000x128xf32>
    %mul3A = vector.broadcast %rsqrt3A : vector<1000x1xf32> to vector<1000x128xf32>
    %mul3A_40 = arith.mulf %mul3A, %dot_general3A_39 : vector<1000x128xf32>
    %swap3A = arith.constant 0 : index
    %swap3A_41 = arith.constant 0 : index
    %swap3A_42 = vector.load %arg9[%swap3A, %swap3A_41] : memref<1000x128xf32, #tpu.memory_space<vmem>>, vector<1000x128xf32>
    tpu.vector_store %arg9[%swap3A, %swap3A_41], %mul3A_40 {strides = array<i32>} : memref<1000x128xf32, #tpu.memory_space<vmem>>, vector<1000x128xf32>,
    %swap3A_43 = arith.constant 0 : index
    %swap3A_44 = arith.constant 0 : index
    %swap3A_45 = vector.load %arg10[%swap3A_43, %swap3A_44] : memref<1000x1xf32, #tpu.memory_space<vmem>>, vector<1000x1xf32>
    tpu.vector_store %arg10[%swap3A_43, %swap3A_44], %rsqrt3A {strides = array<i32>} : memref<1000x1xf32, #tpu.memory_space<vmem>>, vector<1000x1xf32>,
    return
  }
  func.func @transform_0(%arg0: i32) -> (i32, i32) {
    %c0_i32 = arith.constant 0 : i32
    %c0_i32_0 = arith.constant 0 : i32
    return %arg0, %c0_i32 : i32, i32
  }
  func.func @transform_1(%arg0: i32) -> (i32, i32) {
    %c0_i32 = arith.constant 0 : i32
    %c0_i32_0 = arith.constant 0 : i32
    return %arg0, %c0_i32 : i32, i32
  }
  func.func @transform_2(%arg0: i32) -> (i32, i32) {
    %c0_i32 = arith.constant 0 : i32
    %c0_i32_0 = arith.constant 0 : i32
    return %arg0, %c0_i32 : i32, i32
  }
  func.func @transform_3(%arg0: i32) -> (i32, i32) {
    %c0_i32 = arith.constant 0 : i32
    %c0_i32_0 = arith.constant 0 : i32
    %c0_i32_1 = arith.constant 0 : i32
    return %c0_i32, %c0_i32_0 : i32, i32
  }
  func.func @transform_4(%arg0: i32) -> (i32, i32) {
    %c0_i32 = arith.constant 0 : i32
    %c0_i32_0 = arith.constant 0 : i32
    %c0_i32_1 = arith.constant 0 : i32
    return %c0_i32, %c0_i32_0 : i32, i32
  }
  func.func @transform_5(%arg0: i32) -> (i32, i32) {
    %c0_i32 = arith.constant 0 : i32
    %c0_i32_0 = arith.constant 0 : i32
    %c0_i32_1 = arith.constant 0 : i32
    return %c0_i32, %c0_i32_0 : i32, i32
  }
  func.func @transform_6(%arg0: i32) -> (i32, i32) {
    %c0_i32 = arith.constant 0 : i32
    %c0_i32_0 = arith.constant 0 : i32
    %c0_i32_1 = arith.constant 0 : i32
    return %c0_i32, %c0_i32_0 : i32, i32
  }
  func.func @transform_7(%arg0: i32) -> (i32, i32) {
    %c0_i32 = arith.constant 0 : i32
    %c0_i32_0 = arith.constant 0 : i32
    %c0_i32_1 = arith.constant 0 : i32
    return %c0_i32, %c0_i32_0 : i32, i32
  }
  func.func @transform_8(%arg0: i32) -> (i32, i32) {
    %c0_i32 = arith.constant 0 : i32
    %c0_i32_0 = arith.constant 0 : i32
    return %arg0, %c0_i32 : i32, i32
  }
  func.func @transform_9(%arg0: i32) -> (i32, i32) {
    %c0_i32 = arith.constant 0 : i32
    %c0_i32_0 = arith.constant 0 : i32
    return %arg0, %c0_i32 : i32, i32
  }
}

module attributes {stable_mosaic.version = 14 : i64} {
  func.func @_tc_b_body(%arg0: i32, %arg1: memref<1000x128xf32, #tpu.memory_space<vmem>>, %arg2: memref<1000x128xf32, #tpu.memory_space<vmem>>, %arg3: memref<1000x128xf32, #tpu.memory_space<vmem>>, %arg4: memref<1000x1xf32, #tpu.memory_space<vmem>>, %arg5: memref<1x128xf32, #tpu.memory_space<vmem>>, %arg6: memref<128x128xf32, #tpu.memory_space<vmem>>, %arg7: memref<1000x128xf32, #tpu.memory_space<vmem>>) attributes {dimension_semantics = [#tpu.dimension_semantics<arbitrary>], iteration_bounds = array<i64: 10>, scalar_prefetch = 0 : i64, scratch_operands = 0 : i64, tpu.core_type = #tpu.core_type<tc>, window_params = [{transform_indices = @transform_0, window_bounds = array<i64: 1000, 128>}, {transform_indices = @transform_1, window_bounds = array<i64: 1000, 128>}, {transform_indices = @transform_2, window_bounds = array<i64: 1000, 128>}, {transform_indices = @transform_3, window_bounds = array<i64: 1000, 1>}, {pipeline_mode = #tpu.pipeline_mode<synchronous>, transform_indices = @transform_4, window_bounds = array<i64: 1, 128>}, {pipeline_mode = #tpu.pipeline_mode<synchronous>, transform_indices = @transform_5, window_bounds = array<i64: 128, 128>}, {transform_indices = @transform_6, window_bounds = array<i64: 1000, 128>}]} {
    %get3A = arith.constant 0 : index
    %get3A_0 = arith.constant 0 : index
    %get3A_1 = vector.load %arg1[%get3A, %get3A_0] : memref<1000x128xf32, #tpu.memory_space<vmem>>, vector<1000x128xf32>
    %get3A_2 = arith.constant 0 : index
    %get3A_3 = arith.constant 0 : index
    %get3A_4 = vector.load %arg2[%get3A_2, %get3A_3] : memref<1000x128xf32, #tpu.memory_space<vmem>>, vector<1000x128xf32>
    %add3A = arith.addf %get3A_1, %get3A_4 : vector<1000x128xf32>
    %get3A_5 = arith.constant 0 : index
    %get3A_6 = arith.constant 0 : index
    %get3A_7 = vector.load %arg3[%get3A_5, %get3A_6] : memref<1000x128xf32, #tpu.memory_space<vmem>>, vector<1000x128xf32>
    %add3A_8 = arith.addf %add3A, %get3A_7 : vector<1000x128xf32>
    %get3A_9 = arith.constant 0 : index
    %get3A_10 = arith.constant 0 : index
    %get3A_11 = vector.load %arg4[%get3A_9, %get3A_10] : memref<1000x1xf32, #tpu.memory_space<vmem>>, vector<1000x1xf32>
    %mul3A = vector.broadcast %get3A_11 : vector<1000x1xf32> to vector<1000x128xf32>
    %mul3A_12 = arith.mulf %mul3A, %add3A_8 : vector<1000x128xf32>
    %get3A_13 = arith.constant 0 : index
    %get3A_14 = arith.constant 0 : index
    %get3A_15 = vector.load %arg5[%get3A_13, %get3A_14] : memref<1x128xf32, #tpu.memory_space<vmem>>, vector<1x128xf32>
    %add3A_16 = vector.broadcast %get3A_15 : vector<1x128xf32> to vector<1000x128xf32>
    %add3A_17 = arith.addf %mul3A_12, %add3A_16 : vector<1000x128xf32>
    %max3A = arith.constant 0.000000e+00 : f32
    %max3A_18 = vector.broadcast %max3A : f32 to vector<1000x128xf32>
    %max3A_19 = arith.maximumf %add3A_17, %max3A_18 : vector<1000x128xf32>
    %get3A_20 = arith.constant 0 : index
    %get3A_21 = arith.constant 0 : index
    %get3A_22 = vector.load %arg4[%get3A_20, %get3A_21] : memref<1000x1xf32, #tpu.memory_space<vmem>>, vector<1000x1xf32>
    %get3A_23 = arith.constant 0 : index
    %get3A_24 = arith.constant 0 : index
    %get3A_25 = vector.load %arg6[%get3A_23, %get3A_24] : memref<128x128xf32, #tpu.memory_space<vmem>>, vector<128x128xf32>
    %dot_general3A = arith.constant dense<0.000000e+00> : vector<1000x128xf32>
    %dot_general3A_26 = tpu.matmul %max3A_19, %get3A_25, %dot_general3A {dimension_numbers = #tpu.dot_dimension_numbers<[1], [0], [0], [1], [0, 0, 1, 1], [], []>, transpose_lhs_hint = false} : vector<1000x128xf32>, vector<128x128xf32>, vector<1000x128xf32> -> vector<1000x128xf32>
    %mul3A_27 = vector.broadcast %get3A_22 : vector<1000x1xf32> to vector<1000x128xf32>
    %mul3A_28 = arith.mulf %mul3A_27, %dot_general3A_26 : vector<1000x128xf32>
    %swap3A = arith.constant 0 : index
    %swap3A_29 = arith.constant 0 : index
    %swap3A_30 = vector.load %arg7[%swap3A, %swap3A_29] : memref<1000x128xf32, #tpu.memory_space<vmem>>, vector<1000x128xf32>
    tpu.vector_store %arg7[%swap3A, %swap3A_29], %mul3A_28 {strides = array<i32>} : memref<1000x128xf32, #tpu.memory_space<vmem>>, vector<1000x128xf32>,
    return
  }
  func.func @transform_0(%arg0: i32) -> (i32, i32) {
    %c0_i32 = arith.constant 0 : i32
    %c0_i32_0 = arith.constant 0 : i32
    return %arg0, %c0_i32 : i32, i32
  }
  func.func @transform_1(%arg0: i32) -> (i32, i32) {
    %c0_i32 = arith.constant 0 : i32
    %c0_i32_0 = arith.constant 0 : i32
    return %arg0, %c0_i32 : i32, i32
  }
  func.func @transform_2(%arg0: i32) -> (i32, i32) {
    %c0_i32 = arith.constant 0 : i32
    %c0_i32_0 = arith.constant 0 : i32
    return %arg0, %c0_i32 : i32, i32
  }
  func.func @transform_3(%arg0: i32) -> (i32, i32) {
    %c0_i32 = arith.constant 0 : i32
    %c0_i32_0 = arith.constant 0 : i32
    return %arg0, %c0_i32 : i32, i32
  }
  func.func @transform_4(%arg0: i32) -> (i32, i32) {
    %c0_i32 = arith.constant 0 : i32
    %c0_i32_0 = arith.constant 0 : i32
    %c0_i32_1 = arith.constant 0 : i32
    return %c0_i32, %c0_i32_0 : i32, i32
  }
  func.func @transform_5(%arg0: i32) -> (i32, i32) {
    %c0_i32 = arith.constant 0 : i32
    %c0_i32_0 = arith.constant 0 : i32
    %c0_i32_1 = arith.constant 0 : i32
    return %c0_i32, %c0_i32_0 : i32, i32
  }
  func.func @transform_6(%arg0: i32) -> (i32, i32) {
    %c0_i32 = arith.constant 0 : i32
    %c0_i32_0 = arith.constant 0 : i32
    return %arg0, %c0_i32 : i32, i32
  }
}

module attributes {stable_mosaic.version = 14 : i64} {
  func.func @_tc_c_body(%arg0: i32, %arg1: memref<1000x128xf32, #tpu.memory_space<vmem>>, %arg2: memref<1000x128xf32, #tpu.memory_space<vmem>>, %arg3: memref<1000x128xf32, #tpu.memory_space<vmem>>, %arg4: memref<1000x1xf32, #tpu.memory_space<vmem>>, %arg5: memref<1x128xf32, #tpu.memory_space<vmem>>, %arg6: memref<1000x128xf32, #tpu.memory_space<vmem>>) attributes {dimension_semantics = [#tpu.dimension_semantics<arbitrary>], iteration_bounds = array<i64: 10>, scalar_prefetch = 0 : i64, scratch_operands = 0 : i64, tpu.core_type = #tpu.core_type<tc>, window_params = [{transform_indices = @transform_0, window_bounds = array<i64: 1000, 128>}, {transform_indices = @transform_1, window_bounds = array<i64: 1000, 128>}, {transform_indices = @transform_2, window_bounds = array<i64: 1000, 128>}, {transform_indices = @transform_3, window_bounds = array<i64: 1000, 1>}, {pipeline_mode = #tpu.pipeline_mode<synchronous>, transform_indices = @transform_4, window_bounds = array<i64: 1, 128>}, {transform_indices = @transform_5, window_bounds = array<i64: 1000, 128>}]} {
    %get3A = arith.constant 0 : index
    %get3A_0 = arith.constant 0 : index
    %get3A_1 = vector.load %arg4[%get3A, %get3A_0] : memref<1000x1xf32, #tpu.memory_space<vmem>>, vector<1000x1xf32>
    %get3A_2 = arith.constant 0 : index
    %get3A_3 = arith.constant 0 : index
    %get3A_4 = vector.load %arg1[%get3A_2, %get3A_3] : memref<1000x128xf32, #tpu.memory_space<vmem>>, vector<1000x128xf32>
    %get3A_5 = arith.constant 0 : index
    %get3A_6 = arith.constant 0 : index
    %get3A_7 = vector.load %arg2[%get3A_5, %get3A_6] : memref<1000x128xf32, #tpu.memory_space<vmem>>, vector<1000x128xf32>
    %add3A = arith.addf %get3A_4, %get3A_7 : vector<1000x128xf32>
    %get3A_8 = arith.constant 0 : index
    %get3A_9 = arith.constant 0 : index
    %get3A_10 = vector.load %arg3[%get3A_8, %get3A_9] : memref<1000x128xf32, #tpu.memory_space<vmem>>, vector<1000x128xf32>
    %add3A_11 = arith.addf %add3A, %get3A_10 : vector<1000x128xf32>
    %mul3A = vector.broadcast %get3A_1 : vector<1000x1xf32> to vector<1000x128xf32>
    %mul3A_12 = arith.mulf %mul3A, %add3A_11 : vector<1000x128xf32>
    %get3A_13 = arith.constant 0 : index
    %get3A_14 = arith.constant 0 : index
    %get3A_15 = vector.load %arg5[%get3A_13, %get3A_14] : memref<1x128xf32, #tpu.memory_space<vmem>>, vector<1x128xf32>
    %add3A_16 = vector.broadcast %get3A_15 : vector<1x128xf32> to vector<1000x128xf32>
    %add3A_17 = arith.addf %mul3A_12, %add3A_16 : vector<1000x128xf32>
    %swap3A = arith.constant 0 : index
    %swap3A_18 = arith.constant 0 : index
    %swap3A_19 = vector.load %arg6[%swap3A, %swap3A_18] : memref<1000x128xf32, #tpu.memory_space<vmem>>, vector<1000x128xf32>
    tpu.vector_store %arg6[%swap3A, %swap3A_18], %add3A_17 {strides = array<i32>} : memref<1000x128xf32, #tpu.memory_space<vmem>>, vector<1000x128xf32>,
    return
  }
  func.func @transform_0(%arg0: i32) -> (i32, i32) {
    %c0_i32 = arith.constant 0 : i32
    %c0_i32_0 = arith.constant 0 : i32
    return %arg0, %c0_i32 : i32, i32
  }
  func.func @transform_1(%arg0: i32) -> (i32, i32) {
    %c0_i32 = arith.constant 0 : i32
    %c0_i32_0 = arith.constant 0 : i32
    return %arg0, %c0_i32 : i32, i32
  }
  func.func @transform_2(%arg0: i32) -> (i32, i32) {
    %c0_i32 = arith.constant 0 : i32
    %c0_i32_0 = arith.constant 0 : i32
    return %arg0, %c0_i32 : i32, i32
  }
  func.func @transform_3(%arg0: i32) -> (i32, i32) {
    %c0_i32 = arith.constant 0 : i32
    %c0_i32_0 = arith.constant 0 : i32
    return %arg0, %c0_i32 : i32, i32
  }
  func.func @transform_4(%arg0: i32) -> (i32, i32) {
    %c0_i32 = arith.constant 0 : i32
    %c0_i32_0 = arith.constant 0 : i32
    %c0_i32_1 = arith.constant 0 : i32
    return %c0_i32, %c0_i32_0 : i32, i32
  }
  func.func @transform_5(%arg0: i32) -> (i32, i32) {
    %c0_i32 = arith.constant 0 : i32
    %c0_i32_0 = arith.constant 0 : i32
    return %arg0, %c0_i32 : i32, i32
  }
}

</mosaic_0001>

<sc_bundles>
// kernel: kernel.11.cloned.1.call-start
scs
__scs_entry_jumppad:
0x0: {  	(pc) =	sbr.rel $0x88, $3  }
0x1: {  	(tag) =	ssettag $0x0;
	lr =	simm.s32 $0x1  }
0x2: {  	[smem:$0x3F97] =	sst lr;
	_ =	strace $0xD0000000  }
0x3: {  	_ = 	snop  }
0x4: {  	_ = 	snop  }
0x5: {  	_ = 	snop  }
0x6: {  	_ = 	snop  }
0x7: {  	_ = 	snop  }
__scs_overlays_trampoline_lowered:
0x8: {  	[smem:$0x3FA6] =	sst s0  }
0x9: {  	[smem:$0x3FA7] =	sst s1  }
0xa: {  	[smem:$0x3FA8] =	sst s2  }
0xb: {  	[smem:$0x3FA9] =	sst s3  }
0xc: {  	[smem:$0x3FAA] =	sst s4  }
0xd: {  	[smem:$0x3FAB] =	sst s5  }
0xe: {  	[smem:$0x3FAC] =	sst s6  }
0xf: {  	[smem:$0x3FAD] =	sst s7  }
0x10: {  	[smem:$0x3FAE] =	sst s8  }
0x11: {  	[smem:$0x3FAF] =	sst s9;
	s0 =	simm.s32 @!p0 $0x0  }
0x12: {  	s1 =	sld [smem:$0x3F95];
	s0 =	simm.s32 @p0 $0x1  }
0x13: {  	[smem:$0x3FB0] =	sst s0;
	s0 =	simm.s32 @!p1 $0x0  }
0x14: {  	s2 =	sld [smem:$0x3F94];
	s0 =	simm.s32 @p1 $0x1  }
0x15: {  	[smem:$0x3FB1] =	sst s0;
	s0 =	simm.s32 @!p2 $0x0  }
0x16: {  	s3 =	sld [smem:$0x3FDB];
	s0 =	simm.s32 @p2 $0x1  }
0x17: {  	s4 =	simm.s32 $0x1BF5;
	[smem:$0x3FB3] =	sst s0  }
0x18: {  	s0 =	sld [smem:$0x3F96];
	_ =	swait.ge [sflag:s4], $0x0  }
0x19: {  	s7 =	sld [smem:$0x3F97]  }
0x1a: {  	s8 =	sadd.s32 $0xFFFFE003, lr  }
0x1b: {  	s9 =	sadd.s32 $0xFFFFFEF7, lr;
	s5 =	simm.s32 $0xFFFFFFFF;
	p2 =	slt.u32 s8, $0xFFFFF086  }
0x1c: {  	p1 =	slt.u32 s9, $0xF7A;
	s5 =	simm.s32 @!p2 $0x0  }
0x1d: {  	s5 =	simm.s32 @p1 $0x1;
	p0 =	seq.s32 s7, s2  }
0x1e: {  	s7 =	smul.u32 @!p0 $0xF7A, s2;
	p2 =	seq.s32 @!p0 s5, $0x0  }
0x1f: {  	s9 =	smul.u32 $0xF7A, s1;
	s8 =	simm.s32 @!p0 $0x1BF5;
	p2 =	por !p2, p0  }
0x20: {  	[sflag:s8] =	ssyncset.s32 @!p0 $0xFFFFF086;
	s6 =	sadd.s32 @!p0 s3, s7;
	s7 =	simm.s32 @!p0 $0x108  }
0x21: {  	s3 =	sadd.s32 s3, s9;
	s6 =	sadd.s32 @!p0 $0x88, s6;
	s7 =	simm.s32 @p2 $0x1082  }
0x22: {  	[simem:s7], [sflag:s8] =	dma.local @!p0 [hbm:s6], $0xF7A  }
0x23: {  	s9 =	sor.u32 $0xD0000000, s2;
	s6 =	simm.s32 $0x108;
	_ =	swait.ge @!p0 [sflag:s8], $0x0  }
0x24: {  	s3 =	sadd.s32 $0x88, s3;
	s6 =	simm.s32 @!p1 $0x1082;
	[sflag:s4] =	ssyncset.s32 $0xFFFFF086  }
0x25: {  	[simem:s6], [sflag:s4] =	dma.local [hbm:s3], $0xF7A  }
0x26: {  	[smem:$0x3F97] =	sst s1;
	(tag) =	ssettag s2;
	_ =	strace s9  }
0x27: {  	s1 =	sld [smem:$0x3FA7]  }
0x28: {  	s2 =	sld [smem:$0x3FA8]  }
0x29: {  	s4 =	sld [smem:$0x3FAA]  }
0x2a: {  	p0 =	seq.s32 s5, $0x0;
	s5 =	sld [smem:$0x3FAB]  }
0x2b: {  	s6 =	sld [smem:$0x3FAC]  }
0x2c: {  	s7 =	sld [smem:$0x3FAD]  }
0x2d: {  	s3 =	simm.s32 $0x108;
	s8 =	sld [smem:$0x3FAE]  }
0x2e: {  	s3 =	simm.s32 @!p0 $0x1082;
	s9 =	sld [smem:$0x3FAF]  }
0x2f: {  	lr =	sadd.s32 s0, s3;
	s0 =	sld [smem:$0x3FA6]  }
0x30: {  	s3 =	sld [smem:$0x3FA9]  }
0x31: {  	[smem:$0x3FB2] =	sst s10  }
0x32: {  	s10 =	sld [smem:$0x3FB0];
	_ =	sdelay $0x3  }
0x33: {  	p0 =	seq.s32 s10, $0x1;
	s10 =	sld [smem:$0x3FB2];
	_ =	sdelay $0x3  }
0x34: {  	[smem:$0x3FB2] =	sst s10  }
0x35: {  	s10 =	sld [smem:$0x3FB1];
	_ =	sdelay $0x3  }
0x36: {  	p1 =	seq.s32 s10, $0x1;
	s10 =	sld [smem:$0x3FB2];
	_ =	sdelay $0x3  }
0x37: {  	[smem:$0x3FB2] =	sst s10  }
0x38: {  	s10 =	sld [smem:$0x3FB3]  }
0x39: {  	_ = 	snop;
	(pc) =	sbr.ind lr, $3  }
0x3a: {  	_ = 	snop  }
0x3b: {  	_ = 	snop  }
0x3c: {  	p2 =	seq.s32 s10, $0x1;
	s10 =	sld [smem:$0x3FB2]  }
0x3d: {  	_ =	shalt  }
0x3e: {  	_ =	shalt  }
0x3f: {  	_ =	shalt  }
0x40: {  	_ =	shalt  }
0x41: {  	_ =	shalt  }
0x42: {  	_ =	shalt  }
0x43: {  	_ =	shalt  }
0x44: {  	_ =	shalt  }
0x45: {  	_ =	shalt  }
0x46: {  	_ =	shalt  }
0x47: {  	_ =	shalt  }
0x48: {  	_ =	shalt  }
0x49: {  	_ =	shalt  }
0x4a: {  	_ =	shalt  }
0x4b: {  	_ =	shalt  }
0x4c: {  	_ =	shalt  }
0x4d: {  	_ =	shalt  }
0x4e: {  	_ =	shalt  }
0x4f: {  	_ =	shalt  }
0x50: {  	_ =	shalt  }
0x51: {  	_ =	shalt  }
0x52: {  	_ =	shalt  }
0x53: {  	_ =	shalt  }
0x54: {  	_ =	shalt  }
0x55: {  	_ =	shalt  }
0x56: {  	_ =	shalt  }
0x57: {  	_ =	shalt  }
0x58: {  	_ =	shalt  }
0x59: {  	_ =	shalt  }
0x5a: {  	_ =	shalt  }
0x5b: {  	_ =	shalt  }
0x5c: {  	_ =	shalt  }
0x5d: {  	_ =	shalt  }
0x5e: {  	_ =	shalt  }
0x5f: {  	_ =	shalt  }
0x60: {  	_ =	shalt  }
0x61: {  	_ =	shalt  }
0x62: {  	_ =	shalt  }
0x63: {  	_ =	shalt  }
0x64: {  	_ =	shalt  }
0x65: {  	_ =	shalt  }
0x66: {  	_ =	shalt  }
0x67: {  	_ =	shalt  }
0x68: {  	_ =	shalt  }
0x69: {  	_ =	shalt  }
0x6a: {  	_ =	shalt  }
0x6b: {  	_ =	shalt  }
0x6c: {  	_ =	shalt  }
0x6d: {  	_ =	shalt  }
0x6e: {  	_ =	shalt  }
0x6f: {  	_ =	shalt  }
0x70: {  	_ =	shalt  }
0x71: {  	_ =	shalt  }
0x72: {  	_ =	shalt  }
0x73: {  	_ =	shalt  }
0x74: {  	_ =	shalt  }
0x75: {  	_ =	shalt  }
0x76: {  	_ =	shalt  }
0x77: {  	_ =	shalt  }
0x78: {  	_ =	shalt  }
0x79: {  	_ =	shalt  }
0x7a: {  	_ =	shalt  }
0x7b: {  	_ =	shalt  }
0x7c: {  	_ =	shalt  }
0x7d: {  	_ =	shalt  }
0x7e: {  	_ =	shalt  }
0x7f: {  	_ =	shalt  }
0x80: {  	_ =	shalt  }
0x81: {  	_ =	shalt  }
0x82: {  	_ =	shalt  }
0x83: {  	_ =	shalt  }
0x84: {  	_ =	shalt  }
0x85: {  	_ =	shalt  }
0x86: {  	_ =	shalt  }
0x87: {  	_ =	shalt  }
.Lfunc_end0:
.L_simem_size_0:
called_computation.1_lowered:
.L_overlay_start_0:
0x88: {  	s2 =	sld [smem:$0x3FD9]  }
0x89: {  	s3 =	sld [smem:$0x3FFE];
	_ =	sdelay $0x1  }
0x8a: {  	s1 =	srdreg.scid  }
0x8b: {  	s0 =	sand.u32 $0x1, s1  }
0x8c: {  	s17 =	sshll.u32 s0, $0xA;
	s2 =	sadd.s32 s3, s2  }
0x8d: {  	s2 =	sadd.s32 s2, s17  }
0x8e: {  	[smem:$0x3FBE] =	sst s2  }
0x8f: {  	_ = 	snop  }
0x90: {  	s2 =	sld [smem:$0x3FD0];
	(tm) =	ssettm $0x1  }
0x91: {  	s18 =	sld [smem:$0x3FFB];
	_ =	sdelay $0x3  }
0x92: {  	_ =	strace s18  }
0x93: {  	s3 =	sld [smem:$0x3FFC];
	_ =	sdelay $0x3  }
0x94: {  	_ =	strace s3  }
0x95: {  	s3 =	sld [smem:$0x3FFD];
	_ =	sdelay $0x3  }
0x96: {  	_ =	strace s3  }
0x97: {  	_ =	strace $0x8FFFFFFF  }
0x98: {  	s19 =	sld [smem:$0x3FDB];
	_ =	sdelay $0x1  }
0x99: {  	s4 =	simm.s32 $_scs_section_size  }
0x9a: {  	s5 =	simm.s32 $_size__tile_overlayer_lowered;
	s6 =	simm.s32 $_tile_overlayer_lowered  }
0x9b: {  	s22 =	simm.s32 $0x1BFF;
	s21 =	sshll.u32 s6, $0x1;
	s3 =	sadd.s32 s4, s19  }
0x9c: {  	s7 =	simm.s32 $0x0;
	s20 =	sshll.u32 s5, $0x1;
	s5 =	sadd.s32 s21, s3  }
0x9d: {  	[timem:s7], [sflag:s22] =	dma.local [hbm:s5], s20  }
0x9e: {  	_ =	swait.ge [sflag:s22], s20  }
0x9f: {  	s4 =	ssub.s32 $0x0, s20;
	[sflag:s22] =	ssyncset.done $0x0  }
0xa0: {  	[sflag:s22] =	ssyncadd.s32 s4;
	_ =	sdelay $0x1  }
0xa1: {  	s23 =	simm.s32 $0x1B8B  }
0xa2: {  	_ =	swait.ge [sflag:s23], $0x1  }
0xa3: {  	[sflag:s23] =	ssyncset.done $0x0  }
0xa4: {  	s25 =	simm.s32 $0x1B8E;
	s24 =	sld [smem:$0x3FFE];
	[sflag:s23] =	ssyncadd.s32 $0xFFFFFFFF  }
0xa5: {  	s26 =	simm.s32 $execute0_lowered;
	[smem:$0x3FD2] =	sst s25  }
0xa6: {  	s5 =	sshll.u32 s26, $0x1;
	_ =	strace $0x80000049;
	[dreg:$0x1] =	wrdreg $0xFFFFFFFF  }
0xa7: {  	s28 =	simm.s32 $_size_execute0_lowered;
	s3 =	sadd.s32 s3, s5;
	[dreg:$0x0] =	wrdreg $0x0  }
0xa8: {  	s5 =	sshll.u32 s28, $0x1;
	[dreg:$0x2] =	wrdreg s3  }
0xa9: {  	[dreg:$0x3] =	wrdreg s5  }
0xaa: {  	[dreg:$0x4] =	wrdreg $0xC0  }
0xab: {  	_ =	task [dreg:s7], $0x5FFFF  }
0xac: {  	[dreg:$0x1] =	wrdreg $0xFFFFFFFF  }
0xad: {  	[dreg:$0x0] =	wrdreg $0x60  }
0xae: {  	[dreg:$0x2] =	wrdreg s2  }
0xaf: {  	[dreg:$0x3] =	wrdreg s24  }
0xb0: {  	[dreg:$0x4] =	wrdreg $0xA3800  }
0xb1: {  	[dreg:$0x5] =	wrdreg $0x9  }
0xb2: {  	_ =	task.clear_ibuf [dreg:s7], $0x6FFFF;
	_ =	strace $0x90000049  }
0xb3: {  	s29 =	simm.s32 $0x9;
	_ =	strace $0x8000004B  }
0xb4: {  	_ =	swait.ge [sflag:s29], $0x1  }
0xb5: {  	[sflag:s29] =	ssyncadd.s32 $0xFFFFFFFF  }
0xb6: {  	_ =	strace $0x9000004B  }
0xb7: {  	_ =	sfence  }
0xb8: {  	s30 =	sld [smem:$0x0];
	_ =	sdelay $0x2  }
0xb9: {  	s31 =	sshll.u32 s1, $0xD;
	s1 =	sshrl.u32 s1, $0x2  }
0xba: {  	s3 =	sand.u32 $0x4000, s31;
	s1 =	sadd.s32 s1, s30  }
0xbb: {  	s0 =	sor.u32 s3, s0;
	s1 =	sshll.u32 s1, $0x11  }
0xbc: {  	s0 =	sor.u32 s1, s0  }
0xbd: {  	s0 =	sadd.s32 $0x8F2B, s0  }
0xbe: {  	[sflag:s0] =	ssyncadd.remote.s32 $0x1  }
0xbf: {  	_ =	sfence.sel $0xFFFF  }
0xc0: {  	[dreg:$0x0] =	wrdreg $0xFFFFFFFF;
	(pc) =	sbr.abs _section_cstart, $3  }
0xc1: {  	[dreg:$0x1] =	wrdreg $0xFFFFFFFF  }
0xc2: {  	_ =	task.clear_ibuf [dreg:s7], $0x2FFFF;
	_ =	strace $0x9FFFFFFF  }
0xc3: {  	(tm) =	ssettm $0x7FFFFFFF  }
tec
execute0_lowered:
.L_overlay_start_1:
0x0: {  	(tag) =	ssettag $0x1  }
0x1: {  	s1 =	rddreg [dreg:$0x0]  }
0x2: {  	s0 =	srdreg.scid;
	s2 =	rddreg [dreg:$0x1]  }
0x3: {  	s9 =	stileid.u32;
	s3 =	rddreg [dreg:$0x2]  }
0x4: {  	s28 =	simm.s32 $0x7;
	s29 =	simm.s32 $0x2780;
	s30 =	simm.s32 $0x28  }
0x5: {  	s31 =	simm.s32 $0x7B80;
	s0 =	sand.u32 $0x1, s0;
	s8 =	smul.u32 $0x2800, s9  }
0x6: {  	s4 =	sshll.u32 s0, $0x4;
	s7 =	smul.u32 $0x28000, s0;
	s0 =	ssub.s32 $0x2, s0  }
0x7: {  	s5 =	sor.u32 s9, s4;
	s4 =	simm.s32 $0x0;
	s9 =	smul.u32 $0x50000, s9  }
0x8: {  	s16 =	sshrl.u32 s0, $0x1;
	s6 =	smul.u32 $0x4E2, s5;
	[smem:$0x7FF] =	sst s4  }
0x9: {  	s5 =	sshll.u32 s5, $0xC;
	s7 =	sadd.s32 s8, s7;
	s0 =	ssub.s32 s0, s16  }
0xa: {  	_ =	strace $0x8000004A;
	s5 =	sadd.s32 s5, s2;
	s0 =	smax.u32 s0, $0x1  }
0xb: {  	s18 =	sshrl.u32 s9, $0x2;
	s17 =	sadd.s32 $0xE400, s5;
	[dreg:$0x8] =	wrdreg s0  }
0xc: {  	s6 =	sadd.s32 s6, s2;
	s5 =	sadd.s32 $0xEC00, s5;
	[dreg:$0x5] =	wrdreg s17  }
0xd: {  	s2 =	sadd.s32 s7, s2;
	s6 =	sadd.s32 $0x3C00, s6;
	[dreg:$0x6] =	wrdreg s5  }
0xe: {  	s8 =	sadd.s32 s18, s3;
	s2 =	sadd.s32 $0x55600, s2;
	[dreg:$0x4] =	wrdreg s6  }
0xf: {  	s10 =	simm.s32 $0x2880;
	s19 =	sadd.s32 $0x1400, s8;
	[dreg:$0x7] =	wrdreg s2  }
0x10: {  	s11 =	simm.s32 $0x5;
	s20 =	sadd.s32 $0x2800, s8;
	[dreg:$0x9] =	wrdreg s19  }
0x11: {  	s12 =	simm.s32 $0x6;
	s21 =	sadd.s32 $0x3C00, s8;
	[dreg:$0xa] =	wrdreg s20  }
0x12: {  	s13 =	simm.s32 $0x6500;
	s22 =	sadd.s32 $0x5000, s8;
	[dreg:$0xb] =	wrdreg s21  }
0x13: {  	s14 =	simm.s32 $0x6580;
	s23 =	sadd.s32 $0x6400, s8;
	[dreg:$0xc] =	wrdreg s22  }
0x14: {  	s9 =	simm.s32 $0x3;
	s24 =	sadd.s32 $0x7800, s8;
	[dreg:$0xd] =	wrdreg s23  }
0x15: {  	s0 =	simm.s32 $0x8F80;
	s25 =	sadd.s32 $0x8C00, s8;
	[dreg:$0xe] =	wrdreg s24  }
0x16: {  	s7 =	simm.s32 $0x4;
	s26 =	sadd.s32 $0xA000, s8;
	[dreg:$0xf] =	wrdreg s25  }
0x17: {  	s5 =	simm.s32 $0x2;
	[dreg:$0x10] =	wrdreg s26;
	s19 =	sadd.s32 $0xB400, s8  }
0x18: {  	s20 =	sadd.s32 $0xC800, s8;
	s21 =	sadd.s32 $0xDC00, s8;
	s22 =	sadd.s32 $0xF000, s8  }
0x19: {  	s23 =	sadd.s32 $0x10400, s8;
	s24 =	sadd.s32 $0x11800, s8;
	s25 =	sadd.s32 $0x12C00, s8  }
0x1a: {  	v0 =	vimm.f32 $0.0e+00;
	s26 =	simm.s32 $0x6780;
	s2 =	simm.s32 $0x1;
	s6 =	simm.s32 $0x2800  }
.LBB2_1:
0x1b: {  	s15 =	simm.s32 $0x0;
	s16 =	simm.s32 $0x200  }
.LBB2_2:
0x1c: {  	p0 =	sne.s32 s16, $0x4E00;
	[tilespmem:s15+$0x67F0] =	vst v0  }
0x1d: {  	[tilespmem:s15+$0x6780] =	vst v0  }
0x1e: {  	[tilespmem:s15+$0x6790] =	vst v0  }
.Ltmp0:
0x1f: {  	[tilespmem:s15+$0x67A0] =	vst v0;
	(pc) =	sbr.rel @p0 .LBB2_2-.Ltmp0, $4  }
0x20: {  	[tilespmem:s15+$0x67B0] =	vst v0  }
0x21: {  	[tilespmem:s15+$0x67C0] =	vst v0  }
0x22: {  	[tilespmem:s15+$0x67D0] =	vst v0  }
0x23: {  	[tilespmem:s15+$0x67E0] =	vst v0;
	s15 =	sshra.s32 s16, $0x2;
	s16 =	sadd.s32 $0x200, s16  }
0x24: {  	[tilespmem:s15+$0x67F0] =	vst v0  }
0x25: {  	[tilespmem:s15+$0x6780] =	vst v0  }
0x26: {  	[tilespmem:s15+$0x6790] =	vst v0  }
0x27: {  	[tilespmem:s15+$0x67A0] =	vst v0  }
0x28: {  	[tilespmem:s15+$0x67B0] =	vst v0  }
0x29: {  	[tilespmem:s15+$0x67C0] =	vst v0  }
0x2a: {  	[tilespmem:s15+$0x67D0] =	vst v0  }
0x2b: {  	[tilespmem:s15+$0x67E0] =	vst v0  }
0x2c: {  	[spmem:s8] =	stream.linear.scatter [tilespmem:s26], [sflag:$0x7], $0x1400, $0x38;
	[tilespmem:$0x1E380] =	vst v63  }
0x2d: {  	_ =	swait.ge [sflag:s28], $0x1400  }
0x2e: {  	[sflag:s28] =	ssyncset.done $0x0  }
0x2f: {  	s18 =	rddreg [dreg:$0x9];
	[sflag:s28] =	ssyncadd.s32 $0xFFFFEC00  }
0x30: {  	[spmem:s18] =	stream.linear.scatter [tilespmem:s26], [sflag:$0x7], $0x1400, $0x38;
	[tilespmem:$0x1E380] =	vst v63  }
0x31: {  	_ =	swait.ge [sflag:s28], $0x1400  }
0x32: {  	[sflag:s28] =	ssyncset.done $0x0  }
0x33: {  	s16 =	rddreg [dreg:$0xa];
	[sflag:s28] =	ssyncadd.s32 $0xFFFFEC00  }
0x34: {  	[spmem:s16] =	stream.linear.scatter [tilespmem:s26], [sflag:$0x7], $0x1400, $0x38;
	[tilespmem:$0x1E380] =	vst v63  }
0x35: {  	_ =	swait.ge [sflag:s28], $0x1400  }
0x36: {  	[sflag:s28] =	ssyncset.done $0x0  }
0x37: {  	s17 =	rddreg [dreg:$0xb];
	[sflag:s28] =	ssyncadd.s32 $0xFFFFEC00  }
0x38: {  	[spmem:s17] =	stream.linear.scatter [tilespmem:s26], [sflag:$0x7], $0x1400, $0x38;
	[tilespmem:$0x1E380] =	vst v63  }
0x39: {  	_ =	swait.ge [sflag:s28], $0x1400  }
0x3a: {  	[sflag:s28] =	ssyncset.done $0x0  }
0x3b: {  	s18 =	rddreg [dreg:$0xc];
	[sflag:s28] =	ssyncadd.s32 $0xFFFFEC00  }
0x3c: {  	[spmem:s18] =	stream.linear.scatter [tilespmem:s26], [sflag:$0x7], $0x1400, $0x38;
	[tilespmem:$0x1E380] =	vst v63  }
0x3d: {  	_ =	swait.ge [sflag:s28], $0x1400  }
0x3e: {  	[sflag:s28] =	ssyncset.done $0x0  }
0x3f: {  	s16 =	rddreg [dreg:$0xd];
	[sflag:s28] =	ssyncadd.s32 $0xFFFFEC00  }
0x40: {  	[spmem:s16] =	stream.linear.scatter [tilespmem:s26], [sflag:$0x7], $0x1400, $0x38;
	[tilespmem:$0x1E380] =	vst v63  }
0x41: {  	_ =	swait.ge [sflag:s28], $0x1400  }
0x42: {  	[sflag:s28] =	ssyncset.done $0x0  }
0x43: {  	s17 =	rddreg [dreg:$0xe];
	[sflag:s28] =	ssyncadd.s32 $0xFFFFEC00  }
0x44: {  	[spmem:s17] =	stream.linear.scatter [tilespmem:s26], [sflag:$0x7], $0x1400, $0x38;
	[tilespmem:$0x1E380] =	vst v63  }
0x45: {  	_ =	swait.ge [sflag:s28], $0x1400  }
0x46: {  	[sflag:s28] =	ssyncset.done $0x0  }
0x47: {  	s18 =	rddreg [dreg:$0xf];
	[sflag:s28] =	ssyncadd.s32 $0xFFFFEC00  }
0x48: {  	[spmem:s18] =	stream.linear.scatter [tilespmem:s26], [sflag:$0x7], $0x1400, $0x38;
	[tilespmem:$0x1E380] =	vst v63  }
0x49: {  	_ =	swait.ge [sflag:s28], $0x1400  }
0x4a: {  	[sflag:s28] =	ssyncset.done $0x0  }
0x4b: {  	s16 =	rddreg [dreg:$0x10];
	[sflag:s28] =	ssyncadd.s32 $0xFFFFEC00  }
0x4c: {  	[spmem:s16] =	stream.linear.scatter [tilespmem:s26], [sflag:$0x7], $0x1400, $0x38;
	[tilespmem:$0x1E380] =	vst v63  }
0x4d: {  	_ =	swait.ge [sflag:s28], $0x1400  }
0x4e: {  	[sflag:s28] =	ssyncset.done $0x0  }
0x4f: {  	[sflag:s28] =	ssyncadd.s32 $0xFFFFEC00  }
0x50: {  	[spmem:s19] =	stream.linear.scatter [tilespmem:s26], [sflag:$0x7], $0x1400, $0x38;
	[tilespmem:$0x1E380] =	vst v63  }
0x51: {  	_ =	swait.ge [sflag:s28], $0x1400  }
0x52: {  	[sflag:s28] =	ssyncset.done $0x0  }
0x53: {  	[sflag:s28] =	ssyncadd.s32 $0xFFFFEC00  }
0x54: {  	[spmem:s20] =	stream.linear.scatter [tilespmem:s26], [sflag:$0x7], $0x1400, $0x38;
	[tilespmem:$0x1E380] =	vst v63  }
0x55: {  	_ =	swait.ge [sflag:s28], $0x1400  }
0x56: {  	[sflag:s28] =	ssyncset.done $0x0  }
0x57: {  	[sflag:s28] =	ssyncadd.s32 $0xFFFFEC00  }
0x58: {  	[spmem:s21] =	stream.linear.scatter [tilespmem:s26], [sflag:$0x7], $0x1400, $0x38;
	[tilespmem:$0x1E380] =	vst v63  }
0x59: {  	_ =	swait.ge [sflag:s28], $0x1400  }
0x5a: {  	[sflag:s28] =	ssyncset.done $0x0  }
0x5b: {  	[sflag:s28] =	ssyncadd.s32 $0xFFFFEC00  }
0x5c: {  	[spmem:s22] =	stream.linear.scatter [tilespmem:s26], [sflag:$0x7], $0x1400, $0x38;
	[tilespmem:$0x1E380] =	vst v63  }
0x5d: {  	_ =	swait.ge [sflag:s28], $0x1400  }
0x5e: {  	[sflag:s28] =	ssyncset.done $0x0  }
0x5f: {  	[sflag:s28] =	ssyncadd.s32 $0xFFFFEC00  }
0x60: {  	[spmem:s23] =	stream.linear.scatter [tilespmem:s26], [sflag:$0x7], $0x1400, $0x38;
	[tilespmem:$0x1E380] =	vst v63  }
0x61: {  	_ =	swait.ge [sflag:s28], $0x1400  }
0x62: {  	[sflag:s28] =	ssyncset.done $0x0  }
0x63: {  	[sflag:s28] =	ssyncadd.s32 $0xFFFFEC00  }
0x64: {  	[spmem:s24] =	stream.linear.scatter [tilespmem:s26], [sflag:$0x7], $0x1400, $0x38;
	[tilespmem:$0x1E380] =	vst v63  }
0x65: {  	_ =	swait.ge [sflag:s28], $0x1400  }
0x66: {  	[sflag:s28] =	ssyncset.done $0x0  }
0x67: {  	[sflag:s28] =	ssyncadd.s32 $0xFFFFEC00  }
0x68: {  	[spmem:s25] =	stream.linear.scatter [tilespmem:s26], [sflag:$0x7], $0x1400, $0x38;
	[tilespmem:$0x1E380] =	vst v63  }
0x69: {  	_ =	swait.ge [sflag:s28], $0x1400  }
0x6a: {  	[sflag:s28] =	ssyncset.done $0x0  }
0x6b: {  	s17 =	simm.s32 $0x0;
	s16 =	rddreg [dreg:$0x4];
	[sflag:s28] =	ssyncadd.s32 $0xFFFFEC00  }
0x6c: {  	[tilespmem:s17], [sflag:$0x7] =	stream.linear.gather [hbm4b:s16+s17], $0x2710, $0x38;
	[tilespmem:$0x1E380] =	vst v63  }
0x6d: {  	_ =	swait.ge [sflag:s28], $0x2710  }
0x6e: {  	[sflag:s28] =	ssyncset.done $0x0  }
0x6f: {  	[sflag:s28] =	ssyncadd.s32 $0xFFFFD8F0  }
0x70: {  	[bflag:$0x0] =	sbarrier.arrive $0xFFFF  }
0x71: {  	s18 =	rddreg [dreg:$0x5]  }
0x72: {  	[tilespmem:s29], [sflag:$0x7] =	stream.linear.gather [hbm4b:s18+s17], $0x3E80, $0x38;
	[tilespmem:$0x1E380] =	vst v63  }
0x73: {  	_ =	swait.ge [sflag:s28], $0x3E80  }
0x74: {  	[sflag:s28] =	ssyncset.done $0x0  }
0x75: {  	[sflag:s28] =	ssyncadd.s32 $0xFFFFC180  }
0x76: {  	[tilespmem:s26], [sflag:$0x1] =	stream.indirect.gather [hbm4b:s1+s30], $0x80, s17, s30, $0xb8;
	[tilespmem:$0x1E380] =	vst v63  }
0x77: {  	_ = 	snop  }
0x78: {  	[tilespmem:s31], [sflag:$0x2] =	stream.indirect.gather [hbm4b:s1+s30], $0x80, s30, s30, $0xb8;
	[tilespmem:$0x1E380] =	vst v63  }
0x79: {  	_ =	swait.ge [sflag:s2], $0x1400  }
0x7a: {  	[sflag:s2] =	ssyncset.done $0x0  }
0x7b: {  	[sflag:s2] =	ssyncadd.s32 $0xFFFFEC00  }
0x7c: {  	[spmem:s3] =	stream.indirect.scatter.add.f32 [tilespmem:s26], [sflag:$0x4], $0x80, s29, s30, $0xb8;
	[tilespmem:$0x1E380] =	vst v63  }
0x7d: {  	s17 =	simm.s32 $0x50  }
0x7e: {  	[tilespmem:s0], [sflag:$0x3] =	stream.indirect.gather [hbm4b:s1+s30], $0x80, s17, s30, $0xb8;
	[tilespmem:$0x1E380] =	vst v63  }
0x7f: {  	_ =	swait.ge [sflag:s5], $0x1400  }
0x80: {  	[sflag:s5] =	ssyncset.done $0x0  }
0x81: {  	[sflag:s5] =	ssyncadd.s32 $0xFFFFEC00  }
0x82: {  	[spmem:s3] =	stream.indirect.scatter.add.f32 [tilespmem:s31], [sflag:$0x5], $0x80, s6, s30, $0xb8;
	[tilespmem:$0x1E380] =	vst v63  }
0x83: {  	_ =	swait.ge [sflag:s7], $0x1400  }
0x84: {  	[sflag:s7] =	ssyncset.done $0x0  }
0x85: {  	s18 =	simm.s32 $0x78;
	[sflag:s7] =	ssyncadd.s32 $0xFFFFEC00  }
0x86: {  	[tilespmem:s26], [sflag:$0x1] =	stream.indirect.gather [hbm4b:s1+s30], $0x80, s18, s30, $0xb8;
	[tilespmem:$0x1E380] =	vst v63  }
0x87: {  	_ =	swait.ge [sflag:s9], $0x1400  }
0x88: {  	[sflag:s9] =	ssyncset.done $0x0  }
0x89: {  	[sflag:s9] =	ssyncadd.s32 $0xFFFFEC00  }
0x8a: {  	[spmem:s3] =	stream.indirect.scatter.add.f32 [tilespmem:s0], [sflag:$0x6], $0x80, s10, s30, $0xb8;
	[tilespmem:$0x1E380] =	vst v63  }
0x8b: {  	_ =	swait.ge [sflag:s11], $0x1400  }
0x8c: {  	[sflag:s11] =	ssyncset.done $0x0  }
0x8d: {  	s16 =	simm.s32 $0xA0;
	[sflag:s11] =	ssyncadd.s32 $0xFFFFEC00  }
0x8e: {  	[tilespmem:s31], [sflag:$0x2] =	stream.indirect.gather [hbm4b:s1+s30], $0x80, s16, s30, $0xb8;
	[tilespmem:$0x1E380] =	vst v63  }
0x8f: {  	_ =	swait.ge [sflag:s2], $0x1400  }
0x90: {  	[sflag:s2] =	ssyncset.done $0x0  }
0x91: {  	s17 =	simm.s32 $0x2900;
	[sflag:s2] =	ssyncadd.s32 $0xFFFFEC00  }
0x92: {  	[spmem:s3] =	stream.indirect.scatter.add.f32 [tilespmem:s26], [sflag:$0x4], $0x80, s17, s30, $0xb8;
	[tilespmem:$0x1E380] =	vst v63  }
0x93: {  	_ =	swait.ge [sflag:s12], $0x1400  }
0x94: {  	[sflag:s12] =	ssyncset.done $0x0  }
0x95: {  	s18 =	simm.s32 $0xC8;
	[sflag:s12] =	ssyncadd.s32 $0xFFFFEC00  }
0x96: {  	[tilespmem:s0], [sflag:$0x3] =	stream.indirect.gather [hbm4b:s1+s30], $0x80, s18, s30, $0xb8;
	[tilespmem:$0x1E380] =	vst v63  }
0x97: {  	_ =	swait.ge [sflag:s5], $0x1400  }
0x98: {  	[sflag:s5] =	ssyncset.done $0x0  }
0x99: {  	s16 =	simm.s32 $0x2980;
	[sflag:s5] =	ssyncadd.s32 $0xFFFFEC00  }
0x9a: {  	[spmem:s3] =	stream.indirect.scatter.add.f32 [tilespmem:s31], [sflag:$0x5], $0x80, s16, s30, $0xb8;
	[tilespmem:$0x1E380] =	vst v63  }
0x9b: {  	_ =	swait.ge [sflag:s7], $0x1400  }
0x9c: {  	[sflag:s7] =	ssyncset.done $0x0  }
0x9d: {  	s17 =	simm.s32 $0xF0;
	[sflag:s7] =	ssyncadd.s32 $0xFFFFEC00  }
0x9e: {  	[tilespmem:s26], [sflag:$0x1] =	stream.indirect.gather [hbm4b:s1+s30], $0x80, s17, s30, $0xb8;
	[tilespmem:$0x1E380] =	vst v63  }
0x9f: {  	_ =	swait.ge [sflag:s9], $0x1400  }
0xa0: {  	[sflag:s9] =	ssyncset.done $0x0  }
0xa1: {  	s18 =	simm.s32 $0x2A00;
	[sflag:s9] =	ssyncadd.s32 $0xFFFFEC00  }
0xa2: {  	[spmem:s3] =	stream.indirect.scatter.add.f32 [tilespmem:s0], [sflag:$0x6], $0x80, s18, s30, $0xb8;
	[tilespmem:$0x1E380] =	vst v63  }
0xa3: {  	_ =	swait.ge [sflag:s11], $0x1400  }
0xa4: {  	s15 =	simm.s32 $0x1E0;
	[sflag:s11] =	ssyncset.done $0x0  }
0xa5: {  	s16 =	simm.s32 $0x2B80;
	s17 =	simm.s32 $0x118;
	[sflag:s11] =	ssyncadd.s32 $0xFFFFEC00  }
.LBB2_4:
0xa6: {  	[tilespmem:s31], [sflag:$0x2] =	stream.indirect.gather [hbm4b:s1+s30], $0x80, s17, s30, $0xb8;
	[tilespmem:$0x1E380] =	vst v63  }
0xa7: {  	s17 =	smov.u32 s15  }
0xa8: {  	p0 =	sne.s32 s15, $0x4920;
	s15 =	sadd.s32 $0x1E0, s15;
	_ =	swait.ge [sflag:s2], $0x1400  }
0xa9: {  	[sflag:s2] =	ssyncset.done $0x0  }
0xaa: {  	s18 =	sadd.s32 $0xFFFFFF00, s16;
	[sflag:s2] =	ssyncadd.s32 $0xFFFFEC00  }
0xab: {  	[spmem:s3] =	stream.indirect.scatter.add.f32 [tilespmem:s26], [sflag:$0x4], $0x80, s18, s30, $0xb8;
	[tilespmem:$0x1E380] =	vst v63  }
0xac: {  	_ =	swait.ge [sflag:s12], $0x1400  }
0xad: {  	s17 =	sshra.s32 s17, $0x2;
	[sflag:s12] =	ssyncset.done $0x0  }
0xae: {  	s18 =	sadd.s32 $0xC8, s17;
	[sflag:s12] =	ssyncadd.s32 $0xFFFFEC00  }
0xaf: {  	[tilespmem:s0], [sflag:$0x3] =	stream.indirect.gather [hbm4b:s1+s30], $0x80, s18, s30, $0xb8;
	[tilespmem:$0x1E380] =	vst v63  }
0xb0: {  	_ =	swait.ge [sflag:s5], $0x1400  }
0xb1: {  	[sflag:s5] =	ssyncset.done $0x0  }
0xb2: {  	s18 =	sadd.s32 $0xFFFFFF80, s16;
	[sflag:s5] =	ssyncadd.s32 $0xFFFFEC00  }
0xb3: {  	[spmem:s3] =	stream.indirect.scatter.add.f32 [tilespmem:s31], [sflag:$0x5], $0x80, s18, s30, $0xb8;
	[tilespmem:$0x1E380] =	vst v63  }
0xb4: {  	_ =	swait.ge [sflag:s7], $0x1400  }
0xb5: {  	[sflag:s7] =	ssyncset.done $0x0  }
0xb6: {  	s18 =	sadd.s32 $0xF0, s17;
	[sflag:s7] =	ssyncadd.s32 $0xFFFFEC00  }
0xb7: {  	[tilespmem:s26], [sflag:$0x1] =	stream.indirect.gather [hbm4b:s1+s30], $0x80, s18, s30, $0xb8;
	[tilespmem:$0x1E380] =	vst v63  }
0xb8: {  	_ =	swait.ge [sflag:s9], $0x1400  }
0xb9: {  	[sflag:s9] =	ssyncset.done $0x0  }
.Ltmp1:
0xba: {  	[sflag:s9] =	ssyncadd.s32 $0xFFFFEC00;
	(pc) =	sbr.rel @p0 .LBB2_4-.Ltmp1, $4  }
0xbb: {  	[spmem:s3] =	stream.indirect.scatter.add.f32 [tilespmem:s0], [sflag:$0x6], $0x80, s16, s30, $0xb8;
	[tilespmem:$0x1E380] =	vst v63  }
0xbc: {  	_ =	swait.ge [sflag:s11], $0x1400  }
0xbd: {  	[sflag:s11] =	ssyncset.done $0x0  }
0xbe: {  	s17 =	sadd.s32 $0x118, s17;
	s16 =	sadd.s32 $0x180, s16;
	[sflag:s11] =	ssyncadd.s32 $0xFFFFEC00  }
0xbf: {  	[tilespmem:s31], [sflag:$0x2] =	stream.indirect.gather [hbm4b:s1+s30], $0x80, s17, s30, $0xb8;
	[tilespmem:$0x1E380] =	vst v63  }
0xc0: {  	_ =	swait.ge [sflag:s2], $0x1400  }
0xc1: {  	[sflag:s2] =	ssyncset.done $0x0  }
0xc2: {  	[sflag:s2] =	ssyncadd.s32 $0xFFFFEC00  }
0xc3: {  	[spmem:s3] =	stream.indirect.scatter.add.f32 [tilespmem:s26], [sflag:$0x4], $0x80, s13, s30, $0xb8;
	[tilespmem:$0x1E380] =	vst v63  }
0xc4: {  	_ =	swait.ge [sflag:s12], $0x1400  }
0xc5: {  	[sflag:s12] =	ssyncset.done $0x0  }
0xc6: {  	[sflag:s12] =	ssyncadd.s32 $0xFFFFEC00  }
0xc7: {  	_ =	swait.ge [sflag:s5], $0x1400  }
0xc8: {  	[sflag:s5] =	ssyncset.done $0x0  }
0xc9: {  	[sflag:s5] =	ssyncadd.s32 $0xFFFFEC00  }
0xca: {  	[spmem:s3] =	stream.indirect.scatter.add.f32 [tilespmem:s31], [sflag:$0x5], $0x80, s14, s30, $0xb8;
	[tilespmem:$0x1E380] =	vst v63  }
0xcb: {  	_ =	swait.ge [sflag:s7], $0x1400  }
0xcc: {  	[sflag:s7] =	ssyncset.done $0x0  }
0xcd: {  	[sflag:s7] =	ssyncadd.s32 $0xFFFFEC00  }
0xce: {  	_ =	swait.ge [sflag:s11], $0x1400  }
0xcf: {  	[sflag:s11] =	ssyncset.done $0x0  }
0xd0: {  	s15 =	simm.s32 $0x0;
	s16 =	rddreg [dreg:$0x6];
	[sflag:s11] =	ssyncadd.s32 $0xFFFFEC00  }
0xd1: {  	[tilespmem:s29], [sflag:$0x7] =	stream.linear.gather [hbm4b:s16+s15], $0x3E80, $0x38;
	[tilespmem:$0x1E380] =	vst v63  }
0xd2: {  	_ =	swait.ge [sflag:s28], $0x3E80  }
0xd3: {  	[sflag:s28] =	ssyncset.done $0x0  }
0xd4: {  	s18 =	simm.s32 $0x1388;
	[sflag:s28] =	ssyncadd.s32 $0xFFFFC180  }
0xd5: {  	[tilespmem:s26], [sflag:$0x1] =	stream.indirect.gather [hbm4b:s1+s30], $0x80, s18, s30, $0xb8;
	[tilespmem:$0x1E380] =	vst v63  }
0xd6: {  	s16 =	simm.s32 $0x13B0  }
0xd7: {  	[tilespmem:s31], [sflag:$0x2] =	stream.indirect.gather [hbm4b:s1+s30], $0x80, s16, s30, $0xb8;
	[tilespmem:$0x1E380] =	vst v63  }
0xd8: {  	_ =	swait.ge [sflag:s2], $0x1400  }
0xd9: {  	[sflag:s2] =	ssyncset.done $0x0  }
0xda: {  	[sflag:s2] =	ssyncadd.s32 $0xFFFFEC00  }
0xdb: {  	[spmem:s3] =	stream.indirect.scatter.add.f32 [tilespmem:s26], [sflag:$0x4], $0x80, s29, s30, $0xb8;
	[tilespmem:$0x1E380] =	vst v63  }
0xdc: {  	s17 =	simm.s32 $0x13D8  }
0xdd: {  	[tilespmem:s0], [sflag:$0x3] =	stream.indirect.gather [hbm4b:s1+s30], $0x80, s17, s30, $0xb8;
	[tilespmem:$0x1E380] =	vst v63  }
0xde: {  	_ =	swait.ge [sflag:s5], $0x1400  }
0xdf: {  	[sflag:s5] =	ssyncset.done $0x0  }
0xe0: {  	[sflag:s5] =	ssyncadd.s32 $0xFFFFEC00  }
0xe1: {  	[spmem:s3] =	stream.indirect.scatter.add.f32 [tilespmem:s31], [sflag:$0x5], $0x80, s6, s30, $0xb8;
	[tilespmem:$0x1E380] =	vst v63  }
0xe2: {  	_ =	swait.ge [sflag:s7], $0x1400  }
0xe3: {  	[sflag:s7] =	ssyncset.done $0x0  }
0xe4: {  	s18 =	simm.s32 $0x1400;
	[sflag:s7] =	ssyncadd.s32 $0xFFFFEC00  }
0xe5: {  	[tilespmem:s26], [sflag:$0x1] =	stream.indirect.gather [hbm4b:s1+s30], $0x80, s18, s30, $0xb8;
	[tilespmem:$0x1E380] =	vst v63  }
0xe6: {  	_ =	swait.ge [sflag:s9], $0x1400  }
0xe7: {  	[sflag:s9] =	ssyncset.done $0x0  }
0xe8: {  	[sflag:s9] =	ssyncadd.s32 $0xFFFFEC00  }
0xe9: {  	[spmem:s3] =	stream.indirect.scatter.add.f32 [tilespmem:s0], [sflag:$0x6], $0x80, s10, s30, $0xb8;
	[tilespmem:$0x1E380] =	vst v63  }
0xea: {  	_ =	swait.ge [sflag:s11], $0x1400  }
0xeb: {  	[sflag:s11] =	ssyncset.done $0x0  }
0xec: {  	s16 =	simm.s32 $0x1428;
	[sflag:s11] =	ssyncadd.s32 $0xFFFFEC00  }
0xed: {  	[tilespmem:s31], [sflag:$0x2] =	stream.indirect.gather [hbm4b:s1+s30], $0x80, s16, s30, $0xb8;
	[tilespmem:$0x1E380] =	vst v63  }
0xee: {  	_ =	swait.ge [sflag:s2], $0x1400  }
0xef: {  	[sflag:s2] =	ssyncset.done $0x0  }
0xf0: {  	s17 =	simm.s32 $0x2900;
	[sflag:s2] =	ssyncadd.s32 $0xFFFFEC00  }
0xf1: {  	[spmem:s3] =	stream.indirect.scatter.add.f32 [tilespmem:s26], [sflag:$0x4], $0x80, s17, s30, $0xb8;
	[tilespmem:$0x1E380] =	vst v63  }
0xf2: {  	_ =	swait.ge [sflag:s12], $0x1400  }
0xf3: {  	[sflag:s12] =	ssyncset.done $0x0  }
0xf4: {  	s18 =	simm.s32 $0x1450;
	[sflag:s12] =	ssyncadd.s32 $0xFFFFEC00  }
0xf5: {  	[tilespmem:s0], [sflag:$0x3] =	stream.indirect.gather [hbm4b:s1+s30], $0x80, s18, s30, $0xb8;
	[tilespmem:$0x1E380] =	vst v63  }
0xf6: {  	_ =	swait.ge [sflag:s5], $0x1400  }
0xf7: {  	[sflag:s5] =	ssyncset.done $0x0  }
0xf8: {  	s16 =	simm.s32 $0x2980;
	[sflag:s5] =	ssyncadd.s32 $0xFFFFEC00  }
0xf9: {  	[spmem:s3] =	stream.indirect.scatter.add.f32 [tilespmem:s31], [sflag:$0x5], $0x80, s16, s30, $0xb8;
	[tilespmem:$0x1E380] =	vst v63  }
0xfa: {  	_ =	swait.ge [sflag:s7], $0x1400  }
0xfb: {  	[sflag:s7] =	ssyncset.done $0x0  }
0xfc: {  	s17 =	simm.s32 $0x1478;
	[sflag:s7] =	ssyncadd.s32 $0xFFFFEC00  }
0xfd: {  	[tilespmem:s26], [sflag:$0x1] =	stream.indirect.gather [hbm4b:s1+s30], $0x80, s17, s30, $0xb8;
	[tilespmem:$0x1E380] =	vst v63  }
0xfe: {  	_ =	swait.ge [sflag:s9], $0x1400  }
0xff: {  	[sflag:s9] =	ssyncset.done $0x0  }
0x100: {  	s18 =	simm.s32 $0x2A00;
	[sflag:s9] =	ssyncadd.s32 $0xFFFFEC00  }
0x101: {  	[spmem:s3] =	stream.indirect.scatter.add.f32 [tilespmem:s0], [sflag:$0x6], $0x80, s18, s30, $0xb8;
	[tilespmem:$0x1E380] =	vst v63  }
0x102: {  	_ =	swait.ge [sflag:s11], $0x1400  }
0x103: {  	s15 =	simm.s32 $0x1E0;
	[sflag:s11] =	ssyncset.done $0x0  }
0x104: {  	s16 =	simm.s32 $0x2B80;
	s17 =	simm.s32 $0x14A0;
	[sflag:s11] =	ssyncadd.s32 $0xFFFFEC00  }
.LBB2_6:
0x105: {  	[tilespmem:s31], [sflag:$0x2] =	stream.indirect.gather [hbm4b:s1+s30], $0x80, s17, s30, $0xb8;
	[tilespmem:$0x1E380] =	vst v63  }
0x106: {  	s17 =	smov.u32 s15  }
0x107: {  	p0 =	sne.s32 s15, $0x4920;
	s15 =	sadd.s32 $0x1E0, s15;
	_ =	swait.ge [sflag:s2], $0x1400  }
0x108: {  	[sflag:s2] =	ssyncset.done $0x0  }
0x109: {  	s18 =	sadd.s32 $0xFFFFFF00, s16;
	[sflag:s2] =	ssyncadd.s32 $0xFFFFEC00  }
0x10a: {  	[spmem:s3] =	stream.indirect.scatter.add.f32 [tilespmem:s26], [sflag:$0x4], $0x80, s18, s30, $0xb8;
	[tilespmem:$0x1E380] =	vst v63  }
0x10b: {  	_ =	swait.ge [sflag:s12], $0x1400  }
0x10c: {  	s17 =	sshra.s32 s17, $0x2;
	[sflag:s12] =	ssyncset.done $0x0  }
0x10d: {  	s18 =	sadd.s32 $0x1450, s17;
	[sflag:s12] =	ssyncadd.s32 $0xFFFFEC00  }
0x10e: {  	[tilespmem:s0], [sflag:$0x3] =	stream.indirect.gather [hbm4b:s1+s30], $0x80, s18, s30, $0xb8;
	[tilespmem:$0x1E380] =	vst v63  }
0x10f: {  	_ =	swait.ge [sflag:s5], $0x1400  }
0x110: {  	[sflag:s5] =	ssyncset.done $0x0  }
0x111: {  	s18 =	sadd.s32 $0xFFFFFF80, s16;
	[sflag:s5] =	ssyncadd.s32 $0xFFFFEC00  }
0x112: {  	[spmem:s3] =	stream.indirect.scatter.add.f32 [tilespmem:s31], [sflag:$0x5], $0x80, s18, s30, $0xb8;
	[tilespmem:$0x1E380] =	vst v63  }
0x113: {  	_ =	swait.ge [sflag:s7], $0x1400  }
0x114: {  	[sflag:s7] =	ssyncset.done $0x0  }
0x115: {  	s18 =	sadd.s32 $0x1478, s17;
	[sflag:s7] =	ssyncadd.s32 $0xFFFFEC00  }
0x116: {  	[tilespmem:s26], [sflag:$0x1] =	stream.indirect.gather [hbm4b:s1+s30], $0x80, s18, s30, $0xb8;
	[tilespmem:$0x1E380] =	vst v63  }
0x117: {  	_ =	swait.ge [sflag:s9], $0x1400  }
0x118: {  	[sflag:s9] =	ssyncset.done $0x0  }
.Ltmp2:
0x119: {  	[sflag:s9] =	ssyncadd.s32 $0xFFFFEC00;
	(pc) =	sbr.rel @p0 .LBB2_6-.Ltmp2, $4  }
0x11a: {  	[spmem:s3] =	stream.indirect.scatter.add.f32 [tilespmem:s0], [sflag:$0x6], $0x80, s16, s30, $0xb8;
	[tilespmem:$0x1E380] =	vst v63  }
0x11b: {  	_ =	swait.ge [sflag:s11], $0x1400  }
0x11c: {  	[sflag:s11] =	ssyncset.done $0x0  }
0x11d: {  	s17 =	sadd.s32 $0x14A0, s17;
	s16 =	sadd.s32 $0x180, s16;
	[sflag:s11] =	ssyncadd.s32 $0xFFFFEC00  }
0x11e: {  	[tilespmem:s31], [sflag:$0x2] =	stream.indirect.gather [hbm4b:s1+s30], $0x80, s17, s30, $0xb8;
	[tilespmem:$0x1E380] =	vst v63  }
0x11f: {  	_ =	swait.ge [sflag:s2], $0x1400  }
0x120: {  	[sflag:s2] =	ssyncset.done $0x0  }
0x121: {  	[sflag:s2] =	ssyncadd.s32 $0xFFFFEC00  }
0x122: {  	[spmem:s3] =	stream.indirect.scatter.add.f32 [tilespmem:s26], [sflag:$0x4], $0x80, s13, s30, $0xb8;
	[tilespmem:$0x1E380] =	vst v63  }
0x123: {  	_ =	swait.ge [sflag:s12], $0x1400  }
0x124: {  	[sflag:s12] =	ssyncset.done $0x0  }
0x125: {  	[sflag:s12] =	ssyncadd.s32 $0xFFFFEC00  }
0x126: {  	_ =	swait.ge [sflag:s5], $0x1400  }
0x127: {  	[sflag:s5] =	ssyncset.done $0x0  }
0x128: {  	[sflag:s5] =	ssyncadd.s32 $0xFFFFEC00  }
0x129: {  	[spmem:s3] =	stream.indirect.scatter.add.f32 [tilespmem:s31], [sflag:$0x5], $0x80, s14, s30, $0xb8;
	[tilespmem:$0x1E380] =	vst v63  }
0x12a: {  	_ =	swait.ge [sflag:s7], $0x1400  }
0x12b: {  	[sflag:s7] =	ssyncset.done $0x0  }
0x12c: {  	[sflag:s7] =	ssyncadd.s32 $0xFFFFEC00  }
0x12d: {  	_ =	swait.ge [sflag:s11], $0x1400  }
0x12e: {  	[sflag:s11] =	ssyncset.done $0x0  }
0x12f: {  	s15 =	stileid.u32;
	[sflag:s11] =	ssyncadd.s32 $0xFFFFEC00  }
0x130: {  	s15 =	sshll.u32 s15, $0x6;
	[bflag:$0x0] =	sbarrier.arrive $0xFFFF  }
0x131: {  	s16 =	sshrl.u32 s8, $0x3;
	s15 =	sor.u32 $0x1C07, s15;
	s18 =	rddreg [dreg:$0x7]  }
0x132: {  	[hbm:s18], [sflag:s15] =	dma.local [spmem:s16], $0x2800  }
0x133: {  	_ =	swait.ge [sflag:s28], $0x2800  }
0x134: {  	s4 =	sadd.s32 $0x1, s4;
	s18 =	rddreg [dreg:$0x8]  }
0x135: {  	p0 =	sne.s32 s4, s18  }
.Ltmp3:
0x136: {  	_ = 	snop;
	(pc) =	sbr.rel @p0 .LBB2_1-.Ltmp3, $3  }
0x137: {  	_ =	sdelay $0x1  }
0x138: {  	[sflag:s28] =	ssyncset.done $0x0  }
0x139: {  	[sflag:s28] =	ssyncadd.s32 $0xFFFFD800  }
0x13a: {  	_ =	sfence.sel $0x180000  }
0x13b: {  	[bflag:$0x0] =	sbarrier.arrive $0xFFFF  }
0x13c: {  	_ =	strace $0x9000004A  }
0x13d: {  	s0 =	stileid.u32;
	[bflag:$0x2] =	sbarrier.arrive $0xFFFF  }
0x13e: {  	p0 =	sne.s32 s0, $0x0;
	s0 =	rddreg [dreg:$0x3]  }
0x13f: {  	s0 =	sadd.s32 @!p0 $0x100000, s0  }
0x140: {  	[sflag:s0] =	ssyncadd.tile.s32 @!p0 $0x1;
	_ =	shalt  }
.Lfunc_end2:
_tile_overlayer_lowered:
.L_overlay_start_2:
0x141: {  	(tag) =	ssettag $0x2  }
0x142: {  	s0 =	rddreg [dreg:$0x0];
	s2 =	stileid.u32  }
0x143: {  	s1 =	rddreg [dreg:$0x1];
	p0 =	sne.s32 s2, $0x0  }
0x144: {  	s3 =	rddreg [dreg:$0x2];
	[bflag:$0x3] =	sbarrier.arrive $0xFFFF;
	s2 =	simm.s32 @!p0 $0x1C07  }
0x145: {  	[timem:s3], [sflag:s2] =	dma.local @!p0 [hbm:s0], s1  }
0x146: {  	s0 =	simm.s32 @!p0 $0x7  }
0x147: {  	_ =	swait.ge @!p0 [sflag:s0], s1  }
0x148: {  	s1 =	ssub.s32 @!p0 $0x0, s1;
	[sflag:s0] =	ssyncset.done @!p0 $0x0  }
0x149: {  	[sflag:s0] =	ssyncadd.s32 @!p0 s1  }
0x14a: {  	[bflag:$0x3] =	sbarrier.arrive $0xFFFF  }
0x14b: {  	_ =	shalt  }

// kernel: kernel.14.cloned.1.call-start
scs
__scs_entry_jumppad:
0x0: {  	(pc) =	sbr.rel $0x88, $3  }
0x1: {  	(tag) =	ssettag $0x0;
	lr =	simm.s32 $0x1  }
0x2: {  	[smem:$0x3F97] =	sst lr;
	_ =	strace $0xD0000000  }
0x3: {  	_ = 	snop  }
0x4: {  	_ = 	snop  }
0x5: {  	_ = 	snop  }
0x6: {  	_ = 	snop  }
0x7: {  	_ = 	snop  }
__scs_overlays_trampoline_lowered:
0x8: {  	[smem:$0x3FA6] =	sst s0  }
0x9: {  	[smem:$0x3FA7] =	sst s1  }
0xa: {  	[smem:$0x3FA8] =	sst s2  }
0xb: {  	[smem:$0x3FA9] =	sst s3  }
0xc: {  	[smem:$0x3FAA] =	sst s4  }
0xd: {  	[smem:$0x3FAB] =	sst s5  }
0xe: {  	[smem:$0x3FAC] =	sst s6  }
0xf: {  	[smem:$0x3FAD] =	sst s7  }
0x10: {  	[smem:$0x3FAE] =	sst s8  }
0x11: {  	[smem:$0x3FAF] =	sst s9;
	s0 =	simm.s32 @!p0 $0x0  }
0x12: {  	s1 =	sld [smem:$0x3F95];
	s0 =	simm.s32 @p0 $0x1  }
0x13: {  	[smem:$0x3FB0] =	sst s0;
	s0 =	simm.s32 @!p1 $0x0  }
0x14: {  	s2 =	sld [smem:$0x3F94];
	s0 =	simm.s32 @p1 $0x1  }
0x15: {  	[smem:$0x3FB1] =	sst s0;
	s0 =	simm.s32 @!p2 $0x0  }
0x16: {  	s3 =	sld [smem:$0x3FDB];
	s0 =	simm.s32 @p2 $0x1  }
0x17: {  	s4 =	simm.s32 $0x1BF5;
	[smem:$0x3FB3] =	sst s0  }
0x18: {  	s0 =	sld [smem:$0x3F96];
	_ =	swait.ge [sflag:s4], $0x0  }
0x19: {  	s7 =	sld [smem:$0x3F97]  }
0x1a: {  	s8 =	sadd.s32 $0xFFFFE003, lr  }
0x1b: {  	s9 =	sadd.s32 $0xFFFFFEF7, lr;
	s5 =	simm.s32 $0xFFFFFFFF;
	p2 =	slt.u32 s8, $0xFFFFF086  }
0x1c: {  	p1 =	slt.u32 s9, $0xF7A;
	s5 =	simm.s32 @!p2 $0x0  }
0x1d: {  	s5 =	simm.s32 @p1 $0x1;
	p0 =	seq.s32 s7, s2  }
0x1e: {  	s7 =	smul.u32 @!p0 $0xF7A, s2;
	p2 =	seq.s32 @!p0 s5, $0x0  }
0x1f: {  	s9 =	smul.u32 $0xF7A, s1;
	s8 =	simm.s32 @!p0 $0x1BF5;
	p2 =	por !p2, p0  }
0x20: {  	[sflag:s8] =	ssyncset.s32 @!p0 $0xFFFFF086;
	s6 =	sadd.s32 @!p0 s3, s7;
	s7 =	simm.s32 @!p0 $0x108  }
0x21: {  	s3 =	sadd.s32 s3, s9;
	s6 =	sadd.s32 @!p0 $0x88, s6;
	s7 =	simm.s32 @p2 $0x1082  }
0x22: {  	[simem:s7], [sflag:s8] =	dma.local @!p0 [hbm:s6], $0xF7A  }
0x23: {  	s9 =	sor.u32 $0xD0000000, s2;
	s6 =	simm.s32 $0x108;
	_ =	swait.ge @!p0 [sflag:s8], $0x0  }
0x24: {  	s3 =	sadd.s32 $0x88, s3;
	s6 =	simm.s32 @!p1 $0x1082;
	[sflag:s4] =	ssyncset.s32 $0xFFFFF086  }
0x25: {  	[simem:s6], [sflag:s4] =	dma.local [hbm:s3], $0xF7A  }
0x26: {  	[smem:$0x3F97] =	sst s1;
	(tag) =	ssettag s2;
	_ =	strace s9  }
0x27: {  	s1 =	sld [smem:$0x3FA7]  }
0x28: {  	s2 =	sld [smem:$0x3FA8]  }
0x29: {  	s4 =	sld [smem:$0x3FAA]  }
0x2a: {  	p0 =	seq.s32 s5, $0x0;
	s5 =	sld [smem:$0x3FAB]  }
0x2b: {  	s6 =	sld [smem:$0x3FAC]  }
0x2c: {  	s7 =	sld [smem:$0x3FAD]  }
0x2d: {  	s3 =	simm.s32 $0x108;
	s8 =	sld [smem:$0x3FAE]  }
0x2e: {  	s3 =	simm.s32 @!p0 $0x1082;
	s9 =	sld [smem:$0x3FAF]  }
0x2f: {  	lr =	sadd.s32 s0, s3;
	s0 =	sld [smem:$0x3FA6]  }
0x30: {  	s3 =	sld [smem:$0x3FA9]  }
0x31: {  	[smem:$0x3FB2] =	sst s10  }
0x32: {  	s10 =	sld [smem:$0x3FB0];
	_ =	sdelay $0x3  }
0x33: {  	p0 =	seq.s32 s10, $0x1;
	s10 =	sld [smem:$0x3FB2];
	_ =	sdelay $0x3  }
0x34: {  	[smem:$0x3FB2] =	sst s10  }
0x35: {  	s10 =	sld [smem:$0x3FB1];
	_ =	sdelay $0x3  }
0x36: {  	p1 =	seq.s32 s10, $0x1;
	s10 =	sld [smem:$0x3FB2];
	_ =	sdelay $0x3  }
0x37: {  	[smem:$0x3FB2] =	sst s10  }
0x38: {  	s10 =	sld [smem:$0x3FB3]  }
0x39: {  	_ = 	snop;
	(pc) =	sbr.ind lr, $3  }
0x3a: {  	_ = 	snop  }
0x3b: {  	_ = 	snop  }
0x3c: {  	p2 =	seq.s32 s10, $0x1;
	s10 =	sld [smem:$0x3FB2]  }
0x3d: {  	_ =	shalt  }
0x3e: {  	_ =	shalt  }
0x3f: {  	_ =	shalt  }
0x40: {  	_ =	shalt  }
0x41: {  	_ =	shalt  }
0x42: {  	_ =	shalt  }
0x43: {  	_ =	shalt  }
0x44: {  	_ =	shalt  }
0x45: {  	_ =	shalt  }
0x46: {  	_ =	shalt  }
0x47: {  	_ =	shalt  }
0x48: {  	_ =	shalt  }
0x49: {  	_ =	shalt  }
0x4a: {  	_ =	shalt  }
0x4b: {  	_ =	shalt  }
0x4c: {  	_ =	shalt  }
0x4d: {  	_ =	shalt  }
0x4e: {  	_ =	shalt  }
0x4f: {  	_ =	shalt  }
0x50: {  	_ =	shalt  }
0x51: {  	_ =	shalt  }
0x52: {  	_ =	shalt  }
0x53: {  	_ =	shalt  }
0x54: {  	_ =	shalt  }
0x55: {  	_ =	shalt  }
0x56: {  	_ =	shalt  }
0x57: {  	_ =	shalt  }
0x58: {  	_ =	shalt  }
0x59: {  	_ =	shalt  }
0x5a: {  	_ =	shalt  }
0x5b: {  	_ =	shalt  }
0x5c: {  	_ =	shalt  }
0x5d: {  	_ =	shalt  }
0x5e: {  	_ =	shalt  }
0x5f: {  	_ =	shalt  }
0x60: {  	_ =	shalt  }
0x61: {  	_ =	shalt  }
0x62: {  	_ =	shalt  }
0x63: {  	_ =	shalt  }
0x64: {  	_ =	shalt  }
0x65: {  	_ =	shalt  }
0x66: {  	_ =	shalt  }
0x67: {  	_ =	shalt  }
0x68: {  	_ =	shalt  }
0x69: {  	_ =	shalt  }
0x6a: {  	_ =	shalt  }
0x6b: {  	_ =	shalt  }
0x6c: {  	_ =	shalt  }
0x6d: {  	_ =	shalt  }
0x6e: {  	_ =	shalt  }
0x6f: {  	_ =	shalt  }
0x70: {  	_ =	shalt  }
0x71: {  	_ =	shalt  }
0x72: {  	_ =	shalt  }
0x73: {  	_ =	shalt  }
0x74: {  	_ =	shalt  }
0x75: {  	_ =	shalt  }
0x76: {  	_ =	shalt  }
0x77: {  	_ =	shalt  }
0x78: {  	_ =	shalt  }
0x79: {  	_ =	shalt  }
0x7a: {  	_ =	shalt  }
0x7b: {  	_ =	shalt  }
0x7c: {  	_ =	shalt  }
0x7d: {  	_ =	shalt  }
0x7e: {  	_ =	shalt  }
0x7f: {  	_ =	shalt  }
0x80: {  	_ =	shalt  }
0x81: {  	_ =	shalt  }
0x82: {  	_ =	shalt  }
0x83: {  	_ =	shalt  }
0x84: {  	_ =	shalt  }
0x85: {  	_ =	shalt  }
0x86: {  	_ =	shalt  }
0x87: {  	_ =	shalt  }
.Lfunc_end0:
.L_simem_size_0:
called_computation.2_lowered:
.L_overlay_start_0:
0x88: {  	s2 =	sld [smem:$0x3FD9]  }
0x89: {  	s3 =	sld [smem:$0x3FFE];
	_ =	sdelay $0x1  }
0x8a: {  	s1 =	srdreg.scid  }
0x8b: {  	s0 =	sand.u32 $0x1, s1  }
0x8c: {  	s17 =	sshll.u32 s0, $0xA;
	s2 =	sadd.s32 s3, s2  }
0x8d: {  	s2 =	sadd.s32 s2, s17  }
0x8e: {  	[smem:$0x3FBE] =	sst s2  }
0x8f: {  	_ = 	snop  }
0x90: {  	s2 =	sld [smem:$0x3FD0];
	(tm) =	ssettm $0x1  }
0x91: {  	s18 =	sld [smem:$0x3FFB];
	_ =	sdelay $0x3  }
0x92: {  	_ =	strace s18  }
0x93: {  	s3 =	sld [smem:$0x3FFC];
	_ =	sdelay $0x3  }
0x94: {  	_ =	strace s3  }
0x95: {  	s3 =	sld [smem:$0x3FFD];
	_ =	sdelay $0x3  }
0x96: {  	_ =	strace s3  }
0x97: {  	_ =	strace $0x8FFFFFFF  }
0x98: {  	s19 =	sld [smem:$0x3FDB];
	_ =	sdelay $0x1  }
0x99: {  	s4 =	simm.s32 $_scs_section_size  }
0x9a: {  	s5 =	simm.s32 $_size__tile_overlayer_lowered;
	s6 =	simm.s32 $_tile_overlayer_lowered  }
0x9b: {  	s22 =	simm.s32 $0x1BFF;
	s21 =	sshll.u32 s6, $0x1;
	s3 =	sadd.s32 s4, s19  }
0x9c: {  	s7 =	simm.s32 $0x0;
	s20 =	sshll.u32 s5, $0x1;
	s5 =	sadd.s32 s21, s3  }
0x9d: {  	[timem:s7], [sflag:s22] =	dma.local [hbm:s5], s20  }
0x9e: {  	_ =	swait.ge [sflag:s22], s20  }
0x9f: {  	s4 =	ssub.s32 $0x0, s20;
	[sflag:s22] =	ssyncset.done $0x0  }
0xa0: {  	[sflag:s22] =	ssyncadd.s32 s4;
	_ =	sdelay $0x1  }
0xa1: {  	s23 =	simm.s32 $0x1B8B  }
0xa2: {  	_ =	swait.ge [sflag:s23], $0x1  }
0xa3: {  	[sflag:s23] =	ssyncset.done $0x0  }
0xa4: {  	s25 =	simm.s32 $0x1B8E;
	s24 =	sld [smem:$0x3FFE];
	[sflag:s23] =	ssyncadd.s32 $0xFFFFFFFF  }
0xa5: {  	s26 =	simm.s32 $execute0_lowered;
	[smem:$0x3FD2] =	sst s25  }
0xa6: {  	s5 =	sshll.u32 s26, $0x1;
	_ =	strace $0x8000004C;
	[dreg:$0x1] =	wrdreg $0xFFFFFFFF  }
0xa7: {  	s28 =	simm.s32 $_size_execute0_lowered;
	s3 =	sadd.s32 s3, s5;
	[dreg:$0x0] =	wrdreg $0x0  }
0xa8: {  	s5 =	sshll.u32 s28, $0x1;
	[dreg:$0x2] =	wrdreg s3  }
0xa9: {  	[dreg:$0x3] =	wrdreg s5  }
0xaa: {  	[dreg:$0x4] =	wrdreg $0xC0  }
0xab: {  	_ =	task [dreg:s7], $0x5FFFF  }
0xac: {  	[dreg:$0x1] =	wrdreg $0xFFFFFFFF  }
0xad: {  	[dreg:$0x0] =	wrdreg $0x60  }
0xae: {  	[dreg:$0x2] =	wrdreg s2  }
0xaf: {  	[dreg:$0x3] =	wrdreg s24  }
0xb0: {  	[dreg:$0x4] =	wrdreg $0xA3800  }
0xb1: {  	[dreg:$0x5] =	wrdreg $0x9  }
0xb2: {  	_ =	task.clear_ibuf [dreg:s7], $0x6FFFF;
	_ =	strace $0x9000004C  }
0xb3: {  	s29 =	simm.s32 $0x9;
	_ =	strace $0x8000004E  }
0xb4: {  	_ =	swait.ge [sflag:s29], $0x1  }
0xb5: {  	[sflag:s29] =	ssyncadd.s32 $0xFFFFFFFF  }
0xb6: {  	_ =	strace $0x9000004E  }
0xb7: {  	_ =	sfence  }
0xb8: {  	s30 =	sld [smem:$0x0];
	_ =	sdelay $0x2  }
0xb9: {  	s31 =	sshll.u32 s1, $0xD;
	s1 =	sshrl.u32 s1, $0x2  }
0xba: {  	s3 =	sand.u32 $0x4000, s31;
	s1 =	sadd.s32 s1, s30  }
0xbb: {  	s0 =	sor.u32 s3, s0;
	s1 =	sshll.u32 s1, $0x11  }
0xbc: {  	s0 =	sor.u32 s1, s0  }
0xbd: {  	s0 =	sadd.s32 $0x8F2B, s0  }
0xbe: {  	[sflag:s0] =	ssyncadd.remote.s32 $0x1  }
0xbf: {  	_ =	sfence.sel $0xFFFF  }
0xc0: {  	[dreg:$0x0] =	wrdreg $0xFFFFFFFF;
	(pc) =	sbr.abs _section_cstart, $3  }
0xc1: {  	[dreg:$0x1] =	wrdreg $0xFFFFFFFF  }
0xc2: {  	_ =	task.clear_ibuf [dreg:s7], $0x2FFFF;
	_ =	strace $0x9FFFFFFF  }
0xc3: {  	(tm) =	ssettm $0x7FFFFFFF  }
tec
execute0_lowered:
.L_overlay_start_1:
0x0: {  	(tag) =	ssettag $0x1  }
0x1: {  	s1 =	rddreg [dreg:$0x0]  }
0x2: {  	s0 =	srdreg.scid;
	s2 =	rddreg [dreg:$0x1]  }
0x3: {  	s9 =	stileid.u32;
	s3 =	rddreg [dreg:$0x2]  }
0x4: {  	s28 =	simm.s32 $0x7;
	s29 =	simm.s32 $0x2780;
	s30 =	simm.s32 $0x28  }
0x5: {  	s31 =	simm.s32 $0x7B80;
	s0 =	sand.u32 $0x1, s0;
	s8 =	smul.u32 $0x2800, s9  }
0x6: {  	s4 =	sshll.u32 s0, $0x4;
	s7 =	smul.u32 $0x28000, s0;
	s0 =	ssub.s32 $0x2, s0  }
0x7: {  	s5 =	sor.u32 s9, s4;
	s4 =	simm.s32 $0x0;
	s9 =	smul.u32 $0x50000, s9  }
0x8: {  	s16 =	sshrl.u32 s0, $0x1;
	s6 =	smul.u32 $0x4E2, s5;
	[smem:$0x7FF] =	sst s4  }
0x9: {  	s5 =	sshll.u32 s5, $0xC;
	s7 =	sadd.s32 s8, s7;
	s0 =	ssub.s32 s0, s16  }
0xa: {  	_ =	strace $0x8000004D;
	s5 =	sadd.s32 s5, s2;
	s0 =	smax.u32 s0, $0x1  }
0xb: {  	s18 =	sshrl.u32 s9, $0x2;
	s17 =	sadd.s32 $0xE400, s5;
	[dreg:$0x8] =	wrdreg s0  }
0xc: {  	s6 =	sadd.s32 s6, s2;
	s5 =	sadd.s32 $0xEC00, s5;
	[dreg:$0x5] =	wrdreg s17  }
0xd: {  	s2 =	sadd.s32 s7, s2;
	s6 =	sadd.s32 $0x3C00, s6;
	[dreg:$0x6] =	wrdreg s5  }
0xe: {  	s8 =	sadd.s32 s18, s3;
	s2 =	sadd.s32 $0x55600, s2;
	[dreg:$0x4] =	wrdreg s6  }
0xf: {  	s10 =	simm.s32 $0x2880;
	s19 =	sadd.s32 $0x1400, s8;
	[dreg:$0x7] =	wrdreg s2  }
0x10: {  	s11 =	simm.s32 $0x5;
	s20 =	sadd.s32 $0x2800, s8;
	[dreg:$0x9] =	wrdreg s19  }
0x11: {  	s12 =	simm.s32 $0x6;
	s21 =	sadd.s32 $0x3C00, s8;
	[dreg:$0xa] =	wrdreg s20  }
0x12: {  	s13 =	simm.s32 $0x6500;
	s22 =	sadd.s32 $0x5000, s8;
	[dreg:$0xb] =	wrdreg s21  }
0x13: {  	s14 =	simm.s32 $0x6580;
	s23 =	sadd.s32 $0x6400, s8;
	[dreg:$0xc] =	wrdreg s22  }
0x14: {  	s9 =	simm.s32 $0x3;
	s24 =	sadd.s32 $0x7800, s8;
	[dreg:$0xd] =	wrdreg s23  }
0x15: {  	s0 =	simm.s32 $0x8F80;
	s25 =	sadd.s32 $0x8C00, s8;
	[dreg:$0xe] =	wrdreg s24  }
0x16: {  	s7 =	simm.s32 $0x4;
	s26 =	sadd.s32 $0xA000, s8;
	[dreg:$0xf] =	wrdreg s25  }
0x17: {  	s5 =	simm.s32 $0x2;
	[dreg:$0x10] =	wrdreg s26;
	s19 =	sadd.s32 $0xB400, s8  }
0x18: {  	s20 =	sadd.s32 $0xC800, s8;
	s21 =	sadd.s32 $0xDC00, s8;
	s22 =	sadd.s32 $0xF000, s8  }
0x19: {  	s23 =	sadd.s32 $0x10400, s8;
	s24 =	sadd.s32 $0x11800, s8;
	s25 =	sadd.s32 $0x12C00, s8  }
0x1a: {  	v0 =	vimm.f32 $0.0e+00;
	s26 =	simm.s32 $0x6780;
	s2 =	simm.s32 $0x1;
	s6 =	simm.s32 $0x2800  }
.LBB2_1:
0x1b: {  	s15 =	simm.s32 $0x0;
	s16 =	simm.s32 $0x200  }
.LBB2_2:
0x1c: {  	p0 =	sne.s32 s16, $0x4E00;
	[tilespmem:s15+$0x67F0] =	vst v0  }
0x1d: {  	[tilespmem:s15+$0x6780] =	vst v0  }
0x1e: {  	[tilespmem:s15+$0x6790] =	vst v0  }
.Ltmp0:
0x1f: {  	[tilespmem:s15+$0x67A0] =	vst v0;
	(pc) =	sbr.rel @p0 .LBB2_2-.Ltmp0, $4  }
0x20: {  	[tilespmem:s15+$0x67B0] =	vst v0  }
0x21: {  	[tilespmem:s15+$0x67C0] =	vst v0  }
0x22: {  	[tilespmem:s15+$0x67D0] =	vst v0  }
0x23: {  	[tilespmem:s15+$0x67E0] =	vst v0;
	s15 =	sshra.s32 s16, $0x2;
	s16 =	sadd.s32 $0x200, s16  }
0x24: {  	[tilespmem:s15+$0x67F0] =	vst v0  }
0x25: {  	[tilespmem:s15+$0x6780] =	vst v0  }
0x26: {  	[tilespmem:s15+$0x6790] =	vst v0  }
0x27: {  	[tilespmem:s15+$0x67A0] =	vst v0  }
0x28: {  	[tilespmem:s15+$0x67B0] =	vst v0  }
0x29: {  	[tilespmem:s15+$0x67C0] =	vst v0  }
0x2a: {  	[tilespmem:s15+$0x67D0] =	vst v0  }
0x2b: {  	[tilespmem:s15+$0x67E0] =	vst v0  }
0x2c: {  	[spmem:s8] =	stream.linear.scatter [tilespmem:s26], [sflag:$0x7], $0x1400, $0x38;
	[tilespmem:$0x1E380] =	vst v63  }
0x2d: {  	_ =	swait.ge [sflag:s28], $0x1400  }
0x2e: {  	[sflag:s28] =	ssyncset.done $0x0  }
0x2f: {  	s18 =	rddreg [dreg:$0x9];
	[sflag:s28] =	ssyncadd.s32 $0xFFFFEC00  }
0x30: {  	[spmem:s18] =	stream.linear.scatter [tilespmem:s26], [sflag:$0x7], $0x1400, $0x38;
	[tilespmem:$0x1E380] =	vst v63  }
0x31: {  	_ =	swait.ge [sflag:s28], $0x1400  }
0x32: {  	[sflag:s28] =	ssyncset.done $0x0  }
0x33: {  	s16 =	rddreg [dreg:$0xa];
	[sflag:s28] =	ssyncadd.s32 $0xFFFFEC00  }
0x34: {  	[spmem:s16] =	stream.linear.scatter [tilespmem:s26], [sflag:$0x7], $0x1400, $0x38;
	[tilespmem:$0x1E380] =	vst v63  }
0x35: {  	_ =	swait.ge [sflag:s28], $0x1400  }
0x36: {  	[sflag:s28] =	ssyncset.done $0x0  }
0x37: {  	s17 =	rddreg [dreg:$0xb];
	[sflag:s28] =	ssyncadd.s32 $0xFFFFEC00  }
0x38: {  	[spmem:s17] =	stream.linear.scatter [tilespmem:s26], [sflag:$0x7], $0x1400, $0x38;
	[tilespmem:$0x1E380] =	vst v63  }
0x39: {  	_ =	swait.ge [sflag:s28], $0x1400  }
0x3a: {  	[sflag:s28] =	ssyncset.done $0x0  }
0x3b: {  	s18 =	rddreg [dreg:$0xc];
	[sflag:s28] =	ssyncadd.s32 $0xFFFFEC00  }
0x3c: {  	[spmem:s18] =	stream.linear.scatter [tilespmem:s26], [sflag:$0x7], $0x1400, $0x38;
	[tilespmem:$0x1E380] =	vst v63  }
0x3d: {  	_ =	swait.ge [sflag:s28], $0x1400  }
0x3e: {  	[sflag:s28] =	ssyncset.done $0x0  }
0x3f: {  	s16 =	rddreg [dreg:$0xd];
	[sflag:s28] =	ssyncadd.s32 $0xFFFFEC00  }
0x40: {  	[spmem:s16] =	stream.linear.scatter [tilespmem:s26], [sflag:$0x7], $0x1400, $0x38;
	[tilespmem:$0x1E380] =	vst v63  }
0x41: {  	_ =	swait.ge [sflag:s28], $0x1400  }
0x42: {  	[sflag:s28] =	ssyncset.done $0x0  }
0x43: {  	s17 =	rddreg [dreg:$0xe];
	[sflag:s28] =	ssyncadd.s32 $0xFFFFEC00  }
0x44: {  	[spmem:s17] =	stream.linear.scatter [tilespmem:s26], [sflag:$0x7], $0x1400, $0x38;
	[tilespmem:$0x1E380] =	vst v63  }
0x45: {  	_ =	swait.ge [sflag:s28], $0x1400  }
0x46: {  	[sflag:s28] =	ssyncset.done $0x0  }
0x47: {  	s18 =	rddreg [dreg:$0xf];
	[sflag:s28] =	ssyncadd.s32 $0xFFFFEC00  }
0x48: {  	[spmem:s18] =	stream.linear.scatter [tilespmem:s26], [sflag:$0x7], $0x1400, $0x38;
	[tilespmem:$0x1E380] =	vst v63  }
0x49: {  	_ =	swait.ge [sflag:s28], $0x1400  }
0x4a: {  	[sflag:s28] =	ssyncset.done $0x0  }
0x4b: {  	s16 =	rddreg [dreg:$0x10];
	[sflag:s28] =	ssyncadd.s32 $0xFFFFEC00  }
0x4c: {  	[spmem:s16] =	stream.linear.scatter [tilespmem:s26], [sflag:$0x7], $0x1400, $0x38;
	[tilespmem:$0x1E380] =	vst v63  }
0x4d: {  	_ =	swait.ge [sflag:s28], $0x1400  }
0x4e: {  	[sflag:s28] =	ssyncset.done $0x0  }
0x4f: {  	[sflag:s28] =	ssyncadd.s32 $0xFFFFEC00  }
0x50: {  	[spmem:s19] =	stream.linear.scatter [tilespmem:s26], [sflag:$0x7], $0x1400, $0x38;
	[tilespmem:$0x1E380] =	vst v63  }
0x51: {  	_ =	swait.ge [sflag:s28], $0x1400  }
0x52: {  	[sflag:s28] =	ssyncset.done $0x0  }
0x53: {  	[sflag:s28] =	ssyncadd.s32 $0xFFFFEC00  }
0x54: {  	[spmem:s20] =	stream.linear.scatter [tilespmem:s26], [sflag:$0x7], $0x1400, $0x38;
	[tilespmem:$0x1E380] =	vst v63  }
0x55: {  	_ =	swait.ge [sflag:s28], $0x1400  }
0x56: {  	[sflag:s28] =	ssyncset.done $0x0  }
0x57: {  	[sflag:s28] =	ssyncadd.s32 $0xFFFFEC00  }
0x58: {  	[spmem:s21] =	stream.linear.scatter [tilespmem:s26], [sflag:$0x7], $0x1400, $0x38;
	[tilespmem:$0x1E380] =	vst v63  }
0x59: {  	_ =	swait.ge [sflag:s28], $0x1400  }
0x5a: {  	[sflag:s28] =	ssyncset.done $0x0  }
0x5b: {  	[sflag:s28] =	ssyncadd.s32 $0xFFFFEC00  }
0x5c: {  	[spmem:s22] =	stream.linear.scatter [tilespmem:s26], [sflag:$0x7], $0x1400, $0x38;
	[tilespmem:$0x1E380] =	vst v63  }
0x5d: {  	_ =	swait.ge [sflag:s28], $0x1400  }
0x5e: {  	[sflag:s28] =	ssyncset.done $0x0  }
0x5f: {  	[sflag:s28] =	ssyncadd.s32 $0xFFFFEC00  }
0x60: {  	[spmem:s23] =	stream.linear.scatter [tilespmem:s26], [sflag:$0x7], $0x1400, $0x38;
	[tilespmem:$0x1E380] =	vst v63  }
0x61: {  	_ =	swait.ge [sflag:s28], $0x1400  }
0x62: {  	[sflag:s28] =	ssyncset.done $0x0  }
0x63: {  	[sflag:s28] =	ssyncadd.s32 $0xFFFFEC00  }
0x64: {  	[spmem:s24] =	stream.linear.scatter [tilespmem:s26], [sflag:$0x7], $0x1400, $0x38;
	[tilespmem:$0x1E380] =	vst v63  }
0x65: {  	_ =	swait.ge [sflag:s28], $0x1400  }
0x66: {  	[sflag:s28] =	ssyncset.done $0x0  }
0x67: {  	[sflag:s28] =	ssyncadd.s32 $0xFFFFEC00  }
0x68: {  	[spmem:s25] =	stream.linear.scatter [tilespmem:s26], [sflag:$0x7], $0x1400, $0x38;
	[tilespmem:$0x1E380] =	vst v63  }
0x69: {  	_ =	swait.ge [sflag:s28], $0x1400  }
0x6a: {  	[sflag:s28] =	ssyncset.done $0x0  }
0x6b: {  	s17 =	simm.s32 $0x0;
	s16 =	rddreg [dreg:$0x4];
	[sflag:s28] =	ssyncadd.s32 $0xFFFFEC00  }
0x6c: {  	[tilespmem:s17], [sflag:$0x7] =	stream.linear.gather [hbm4b:s16+s17], $0x2710, $0x38;
	[tilespmem:$0x1E380] =	vst v63  }
0x6d: {  	_ =	swait.ge [sflag:s28], $0x2710  }
0x6e: {  	[sflag:s28] =	ssyncset.done $0x0  }
0x6f: {  	[sflag:s28] =	ssyncadd.s32 $0xFFFFD8F0  }
0x70: {  	[bflag:$0x0] =	sbarrier.arrive $0xFFFF  }
0x71: {  	s18 =	rddreg [dreg:$0x5]  }
0x72: {  	[tilespmem:s29], [sflag:$0x7] =	stream.linear.gather [hbm4b:s18+s17], $0x3E80, $0x38;
	[tilespmem:$0x1E380] =	vst v63  }
0x73: {  	_ =	swait.ge [sflag:s28], $0x3E80  }
0x74: {  	[sflag:s28] =	ssyncset.done $0x0  }
0x75: {  	[sflag:s28] =	ssyncadd.s32 $0xFFFFC180  }
0x76: {  	[tilespmem:s26], [sflag:$0x1] =	stream.indirect.gather [hbm4b:s1+s30], $0x80, s17, s30, $0xb8;
	[tilespmem:$0x1E380] =	vst v63  }
0x77: {  	_ = 	snop  }
0x78: {  	[tilespmem:s31], [sflag:$0x2] =	stream.indirect.gather [hbm4b:s1+s30], $0x80, s30, s30, $0xb8;
	[tilespmem:$0x1E380] =	vst v63  }
0x79: {  	_ =	swait.ge [sflag:s2], $0x1400  }
0x7a: {  	[sflag:s2] =	ssyncset.done $0x0  }
0x7b: {  	[sflag:s2] =	ssyncadd.s32 $0xFFFFEC00  }
0x7c: {  	[spmem:s3] =	stream.indirect.scatter.add.f32 [tilespmem:s26], [sflag:$0x4], $0x80, s29, s30, $0xb8;
	[tilespmem:$0x1E380] =	vst v63  }
0x7d: {  	s17 =	simm.s32 $0x50  }
0x7e: {  	[tilespmem:s0], [sflag:$0x3] =	stream.indirect.gather [hbm4b:s1+s30], $0x80, s17, s30, $0xb8;
	[tilespmem:$0x1E380] =	vst v63  }
0x7f: {  	_ =	swait.ge [sflag:s5], $0x1400  }
0x80: {  	[sflag:s5] =	ssyncset.done $0x0  }
0x81: {  	[sflag:s5] =	ssyncadd.s32 $0xFFFFEC00  }
0x82: {  	[spmem:s3] =	stream.indirect.scatter.add.f32 [tilespmem:s31], [sflag:$0x5], $0x80, s6, s30, $0xb8;
	[tilespmem:$0x1E380] =	vst v63  }
0x83: {  	_ =	swait.ge [sflag:s7], $0x1400  }
0x84: {  	[sflag:s7] =	ssyncset.done $0x0  }
0x85: {  	s18 =	simm.s32 $0x78;
	[sflag:s7] =	ssyncadd.s32 $0xFFFFEC00  }
0x86: {  	[tilespmem:s26], [sflag:$0x1] =	stream.indirect.gather [hbm4b:s1+s30], $0x80, s18, s30, $0xb8;
	[tilespmem:$0x1E380] =	vst v63  }
0x87: {  	_ =	swait.ge [sflag:s9], $0x1400  }
0x88: {  	[sflag:s9] =	ssyncset.done $0x0  }
0x89: {  	[sflag:s9] =	ssyncadd.s32 $0xFFFFEC00  }
0x8a: {  	[spmem:s3] =	stream.indirect.scatter.add.f32 [tilespmem:s0], [sflag:$0x6], $0x80, s10, s30, $0xb8;
	[tilespmem:$0x1E380] =	vst v63  }
0x8b: {  	_ =	swait.ge [sflag:s11], $0x1400  }
0x8c: {  	[sflag:s11] =	ssyncset.done $0x0  }
0x8d: {  	s16 =	simm.s32 $0xA0;
	[sflag:s11] =	ssyncadd.s32 $0xFFFFEC00  }
0x8e: {  	[tilespmem:s31], [sflag:$0x2] =	stream.indirect.gather [hbm4b:s1+s30], $0x80, s16, s30, $0xb8;
	[tilespmem:$0x1E380] =	vst v63  }
0x8f: {  	_ =	swait.ge [sflag:s2], $0x1400  }
0x90: {  	[sflag:s2] =	ssyncset.done $0x0  }
0x91: {  	s17 =	simm.s32 $0x2900;
	[sflag:s2] =	ssyncadd.s32 $0xFFFFEC00  }
0x92: {  	[spmem:s3] =	stream.indirect.scatter.add.f32 [tilespmem:s26], [sflag:$0x4], $0x80, s17, s30, $0xb8;
	[tilespmem:$0x1E380] =	vst v63  }
0x93: {  	_ =	swait.ge [sflag:s12], $0x1400  }
0x94: {  	[sflag:s12] =	ssyncset.done $0x0  }
0x95: {  	s18 =	simm.s32 $0xC8;
	[sflag:s12] =	ssyncadd.s32 $0xFFFFEC00  }
0x96: {  	[tilespmem:s0], [sflag:$0x3] =	stream.indirect.gather [hbm4b:s1+s30], $0x80, s18, s30, $0xb8;
	[tilespmem:$0x1E380] =	vst v63  }
0x97: {  	_ =	swait.ge [sflag:s5], $0x1400  }
0x98: {  	[sflag:s5] =	ssyncset.done $0x0  }
0x99: {  	s16 =	simm.s32 $0x2980;
	[sflag:s5] =	ssyncadd.s32 $0xFFFFEC00  }
0x9a: {  	[spmem:s3] =	stream.indirect.scatter.add.f32 [tilespmem:s31], [sflag:$0x5], $0x80, s16, s30, $0xb8;
	[tilespmem:$0x1E380] =	vst v63  }
0x9b: {  	_ =	swait.ge [sflag:s7], $0x1400  }
0x9c: {  	[sflag:s7] =	ssyncset.done $0x0  }
0x9d: {  	s17 =	simm.s32 $0xF0;
	[sflag:s7] =	ssyncadd.s32 $0xFFFFEC00  }
0x9e: {  	[tilespmem:s26], [sflag:$0x1] =	stream.indirect.gather [hbm4b:s1+s30], $0x80, s17, s30, $0xb8;
	[tilespmem:$0x1E380] =	vst v63  }
0x9f: {  	_ =	swait.ge [sflag:s9], $0x1400  }
0xa0: {  	[sflag:s9] =	ssyncset.done $0x0  }
0xa1: {  	s18 =	simm.s32 $0x2A00;
	[sflag:s9] =	ssyncadd.s32 $0xFFFFEC00  }
0xa2: {  	[spmem:s3] =	stream.indirect.scatter.add.f32 [tilespmem:s0], [sflag:$0x6], $0x80, s18, s30, $0xb8;
	[tilespmem:$0x1E380] =	vst v63  }
0xa3: {  	_ =	swait.ge [sflag:s11], $0x1400  }
0xa4: {  	s15 =	simm.s32 $0x1E0;
	[sflag:s11] =	ssyncset.done $0x0  }
0xa5: {  	s16 =	simm.s32 $0x2B80;
	s17 =	simm.s32 $0x118;
	[sflag:s11] =	ssyncadd.s32 $0xFFFFEC00  }
.LBB2_4:
0xa6: {  	[tilespmem:s31], [sflag:$0x2] =	stream.indirect.gather [hbm4b:s1+s30], $0x80, s17, s30, $0xb8;
	[tilespmem:$0x1E380] =	vst v63  }
0xa7: {  	s17 =	smov.u32 s15  }
0xa8: {  	p0 =	sne.s32 s15, $0x4920;
	s15 =	sadd.s32 $0x1E0, s15;
	_ =	swait.ge [sflag:s2], $0x1400  }
0xa9: {  	[sflag:s2] =	ssyncset.done $0x0  }
0xaa: {  	s18 =	sadd.s32 $0xFFFFFF00, s16;
	[sflag:s2] =	ssyncadd.s32 $0xFFFFEC00  }
0xab: {  	[spmem:s3] =	stream.indirect.scatter.add.f32 [tilespmem:s26], [sflag:$0x4], $0x80, s18, s30, $0xb8;
	[tilespmem:$0x1E380] =	vst v63  }
0xac: {  	_ =	swait.ge [sflag:s12], $0x1400  }
0xad: {  	s17 =	sshra.s32 s17, $0x2;
	[sflag:s12] =	ssyncset.done $0x0  }
0xae: {  	s18 =	sadd.s32 $0xC8, s17;
	[sflag:s12] =	ssyncadd.s32 $0xFFFFEC00  }
0xaf: {  	[tilespmem:s0], [sflag:$0x3] =	stream.indirect.gather [hbm4b:s1+s30], $0x80, s18, s30, $0xb8;
	[tilespmem:$0x1E380] =	vst v63  }
0xb0: {  	_ =	swait.ge [sflag:s5], $0x1400  }
0xb1: {  	[sflag:s5] =	ssyncset.done $0x0  }
0xb2: {  	s18 =	sadd.s32 $0xFFFFFF80, s16;
	[sflag:s5] =	ssyncadd.s32 $0xFFFFEC00  }
0xb3: {  	[spmem:s3] =	stream.indirect.scatter.add.f32 [tilespmem:s31], [sflag:$0x5], $0x80, s18, s30, $0xb8;
	[tilespmem:$0x1E380] =	vst v63  }
0xb4: {  	_ =	swait.ge [sflag:s7], $0x1400  }
0xb5: {  	[sflag:s7] =	ssyncset.done $0x0  }
0xb6: {  	s18 =	sadd.s32 $0xF0, s17;
	[sflag:s7] =	ssyncadd.s32 $0xFFFFEC00  }
0xb7: {  	[tilespmem:s26], [sflag:$0x1] =	stream.indirect.gather [hbm4b:s1+s30], $0x80, s18, s30, $0xb8;
	[tilespmem:$0x1E380] =	vst v63  }
0xb8: {  	_ =	swait.ge [sflag:s9], $0x1400  }
0xb9: {  	[sflag:s9] =	ssyncset.done $0x0  }
.Ltmp1:
0xba: {  	[sflag:s9] =	ssyncadd.s32 $0xFFFFEC00;
	(pc) =	sbr.rel @p0 .LBB2_4-.Ltmp1, $4  }
0xbb: {  	[spmem:s3] =	stream.indirect.scatter.add.f32 [tilespmem:s0], [sflag:$0x6], $0x80, s16, s30, $0xb8;
	[tilespmem:$0x1E380] =	vst v63  }
0xbc: {  	_ =	swait.ge [sflag:s11], $0x1400  }
0xbd: {  	[sflag:s11] =	ssyncset.done $0x0  }
0xbe: {  	s17 =	sadd.s32 $0x118, s17;
	s16 =	sadd.s32 $0x180, s16;
	[sflag:s11] =	ssyncadd.s32 $0xFFFFEC00  }
0xbf: {  	[tilespmem:s31], [sflag:$0x2] =	stream.indirect.gather [hbm4b:s1+s30], $0x80, s17, s30, $0xb8;
	[tilespmem:$0x1E380] =	vst v63  }
0xc0: {  	_ =	swait.ge [sflag:s2], $0x1400  }
0xc1: {  	[sflag:s2] =	ssyncset.done $0x0  }
0xc2: {  	[sflag:s2] =	ssyncadd.s32 $0xFFFFEC00  }
0xc3: {  	[spmem:s3] =	stream.indirect.scatter.add.f32 [tilespmem:s26], [sflag:$0x4], $0x80, s13, s30, $0xb8;
	[tilespmem:$0x1E380] =	vst v63  }
0xc4: {  	_ =	swait.ge [sflag:s12], $0x1400  }
0xc5: {  	[sflag:s12] =	ssyncset.done $0x0  }
0xc6: {  	[sflag:s12] =	ssyncadd.s32 $0xFFFFEC00  }
0xc7: {  	_ =	swait.ge [sflag:s5], $0x1400  }
0xc8: {  	[sflag:s5] =	ssyncset.done $0x0  }
0xc9: {  	[sflag:s5] =	ssyncadd.s32 $0xFFFFEC00  }
0xca: {  	[spmem:s3] =	stream.indirect.scatter.add.f32 [tilespmem:s31], [sflag:$0x5], $0x80, s14, s30, $0xb8;
	[tilespmem:$0x1E380] =	vst v63  }
0xcb: {  	_ =	swait.ge [sflag:s7], $0x1400  }
0xcc: {  	[sflag:s7] =	ssyncset.done $0x0  }
0xcd: {  	[sflag:s7] =	ssyncadd.s32 $0xFFFFEC00  }
0xce: {  	_ =	swait.ge [sflag:s11], $0x1400  }
0xcf: {  	[sflag:s11] =	ssyncset.done $0x0  }
0xd0: {  	s15 =	simm.s32 $0x0;
	s16 =	rddreg [dreg:$0x6];
	[sflag:s11] =	ssyncadd.s32 $0xFFFFEC00  }
0xd1: {  	[tilespmem:s29], [sflag:$0x7] =	stream.linear.gather [hbm4b:s16+s15], $0x3E80, $0x38;
	[tilespmem:$0x1E380] =	vst v63  }
0xd2: {  	_ =	swait.ge [sflag:s28], $0x3E80  }
0xd3: {  	[sflag:s28] =	ssyncset.done $0x0  }
0xd4: {  	s18 =	simm.s32 $0x1388;
	[sflag:s28] =	ssyncadd.s32 $0xFFFFC180  }
0xd5: {  	[tilespmem:s26], [sflag:$0x1] =	stream.indirect.gather [hbm4b:s1+s30], $0x80, s18, s30, $0xb8;
	[tilespmem:$0x1E380] =	vst v63  }
0xd6: {  	s16 =	simm.s32 $0x13B0  }
0xd7: {  	[tilespmem:s31], [sflag:$0x2] =	stream.indirect.gather [hbm4b:s1+s30], $0x80, s16, s30, $0xb8;
	[tilespmem:$0x1E380] =	vst v63  }
0xd8: {  	_ =	swait.ge [sflag:s2], $0x1400  }
0xd9: {  	[sflag:s2] =	ssyncset.done $0x0  }
0xda: {  	[sflag:s2] =	ssyncadd.s32 $0xFFFFEC00  }
0xdb: {  	[spmem:s3] =	stream.indirect.scatter.add.f32 [tilespmem:s26], [sflag:$0x4], $0x80, s29, s30, $0xb8;
	[tilespmem:$0x1E380] =	vst v63  }
0xdc: {  	s17 =	simm.s32 $0x13D8  }
0xdd: {  	[tilespmem:s0], [sflag:$0x3] =	stream.indirect.gather [hbm4b:s1+s30], $0x80, s17, s30, $0xb8;
	[tilespmem:$0x1E380] =	vst v63  }
0xde: {  	_ =	swait.ge [sflag:s5], $0x1400  }
0xdf: {  	[sflag:s5] =	ssyncset.done $0x0  }
0xe0: {  	[sflag:s5] =	ssyncadd.s32 $0xFFFFEC00  }
0xe1: {  	[spmem:s3] =	stream.indirect.scatter.add.f32 [tilespmem:s31], [sflag:$0x5], $0x80, s6, s30, $0xb8;
	[tilespmem:$0x1E380] =	vst v63  }
0xe2: {  	_ =	swait.ge [sflag:s7], $0x1400  }
0xe3: {  	[sflag:s7] =	ssyncset.done $0x0  }
0xe4: {  	s18 =	simm.s32 $0x1400;
	[sflag:s7] =	ssyncadd.s32 $0xFFFFEC00  }
0xe5: {  	[tilespmem:s26], [sflag:$0x1] =	stream.indirect.gather [hbm4b:s1+s30], $0x80, s18, s30, $0xb8;
	[tilespmem:$0x1E380] =	vst v63  }
0xe6: {  	_ =	swait.ge [sflag:s9], $0x1400  }
0xe7: {  	[sflag:s9] =	ssyncset.done $0x0  }
0xe8: {  	[sflag:s9] =	ssyncadd.s32 $0xFFFFEC00  }
0xe9: {  	[spmem:s3] =	stream.indirect.scatter.add.f32 [tilespmem:s0], [sflag:$0x6], $0x80, s10, s30, $0xb8;
	[tilespmem:$0x1E380] =	vst v63  }
0xea: {  	_ =	swait.ge [sflag:s11], $0x1400  }
0xeb: {  	[sflag:s11] =	ssyncset.done $0x0  }
0xec: {  	s16 =	simm.s32 $0x1428;
	[sflag:s11] =	ssyncadd.s32 $0xFFFFEC00  }
0xed: {  	[tilespmem:s31], [sflag:$0x2] =	stream.indirect.gather [hbm4b:s1+s30], $0x80, s16, s30, $0xb8;
	[tilespmem:$0x1E380] =	vst v63  }
0xee: {  	_ =	swait.ge [sflag:s2], $0x1400  }
0xef: {  	[sflag:s2] =	ssyncset.done $0x0  }
0xf0: {  	s17 =	simm.s32 $0x2900;
	[sflag:s2] =	ssyncadd.s32 $0xFFFFEC00  }
0xf1: {  	[spmem:s3] =	stream.indirect.scatter.add.f32 [tilespmem:s26], [sflag:$0x4], $0x80, s17, s30, $0xb8;
	[tilespmem:$0x1E380] =	vst v63  }
0xf2: {  	_ =	swait.ge [sflag:s12], $0x1400  }
0xf3: {  	[sflag:s12] =	ssyncset.done $0x0  }
0xf4: {  	s18 =	simm.s32 $0x1450;
	[sflag:s12] =	ssyncadd.s32 $0xFFFFEC00  }
0xf5: {  	[tilespmem:s0], [sflag:$0x3] =	stream.indirect.gather [hbm4b:s1+s30], $0x80, s18, s30, $0xb8;
	[tilespmem:$0x1E380] =	vst v63  }
0xf6: {  	_ =	swait.ge [sflag:s5], $0x1400  }
0xf7: {  	[sflag:s5] =	ssyncset.done $0x0  }
0xf8: {  	s16 =	simm.s32 $0x2980;
	[sflag:s5] =	ssyncadd.s32 $0xFFFFEC00  }
0xf9: {  	[spmem:s3] =	stream.indirect.scatter.add.f32 [tilespmem:s31], [sflag:$0x5], $0x80, s16, s30, $0xb8;
	[tilespmem:$0x1E380] =	vst v63  }
0xfa: {  	_ =	swait.ge [sflag:s7], $0x1400  }
0xfb: {  	[sflag:s7] =	ssyncset.done $0x0  }
0xfc: {  	s17 =	simm.s32 $0x1478;
	[sflag:s7] =	ssyncadd.s32 $0xFFFFEC00  }
0xfd: {  	[tilespmem:s26], [sflag:$0x1] =	stream.indirect.gather [hbm4b:s1+s30], $0x80, s17, s30, $0xb8;
	[tilespmem:$0x1E380] =	vst v63  }
0xfe: {  	_ =	swait.ge [sflag:s9], $0x1400  }
0xff: {  	[sflag:s9] =	ssyncset.done $0x0  }
0x100: {  	s18 =	simm.s32 $0x2A00;
	[sflag:s9] =	ssyncadd.s32 $0xFFFFEC00  }
0x101: {  	[spmem:s3] =	stream.indirect.scatter.add.f32 [tilespmem:s0], [sflag:$0x6], $0x80, s18, s30, $0xb8;
	[tilespmem:$0x1E380] =	vst v63  }
0x102: {  	_ =	swait.ge [sflag:s11], $0x1400  }
0x103: {  	s15 =	simm.s32 $0x1E0;
	[sflag:s11] =	ssyncset.done $0x0  }
0x104: {  	s16 =	simm.s32 $0x2B80;
	s17 =	simm.s32 $0x14A0;
	[sflag:s11] =	ssyncadd.s32 $0xFFFFEC00  }
.LBB2_6:
0x105: {  	[tilespmem:s31], [sflag:$0x2] =	stream.indirect.gather [hbm4b:s1+s30], $0x80, s17, s30, $0xb8;
	[tilespmem:$0x1E380] =	vst v63  }
0x106: {  	s17 =	smov.u32 s15  }
0x107: {  	p0 =	sne.s32 s15, $0x4920;
	s15 =	sadd.s32 $0x1E0, s15;
	_ =	swait.ge [sflag:s2], $0x1400  }
0x108: {  	[sflag:s2] =	ssyncset.done $0x0  }
0x109: {  	s18 =	sadd.s32 $0xFFFFFF00, s16;
	[sflag:s2] =	ssyncadd.s32 $0xFFFFEC00  }
0x10a: {  	[spmem:s3] =	stream.indirect.scatter.add.f32 [tilespmem:s26], [sflag:$0x4], $0x80, s18, s30, $0xb8;
	[tilespmem:$0x1E380] =	vst v63  }
0x10b: {  	_ =	swait.ge [sflag:s12], $0x1400  }
0x10c: {  	s17 =	sshra.s32 s17, $0x2;
	[sflag:s12] =	ssyncset.done $0x0  }
0x10d: {  	s18 =	sadd.s32 $0x1450, s17;
	[sflag:s12] =	ssyncadd.s32 $0xFFFFEC00  }
0x10e: {  	[tilespmem:s0], [sflag:$0x3] =	stream.indirect.gather [hbm4b:s1+s30], $0x80, s18, s30, $0xb8;
	[tilespmem:$0x1E380] =	vst v63  }
0x10f: {  	_ =	swait.ge [sflag:s5], $0x1400  }
0x110: {  	[sflag:s5] =	ssyncset.done $0x0  }
0x111: {  	s18 =	sadd.s32 $0xFFFFFF80, s16;
	[sflag:s5] =	ssyncadd.s32 $0xFFFFEC00  }
0x112: {  	[spmem:s3] =	stream.indirect.scatter.add.f32 [tilespmem:s31], [sflag:$0x5], $0x80, s18, s30, $0xb8;
	[tilespmem:$0x1E380] =	vst v63  }
0x113: {  	_ =	swait.ge [sflag:s7], $0x1400  }
0x114: {  	[sflag:s7] =	ssyncset.done $0x0  }
0x115: {  	s18 =	sadd.s32 $0x1478, s17;
	[sflag:s7] =	ssyncadd.s32 $0xFFFFEC00  }
0x116: {  	[tilespmem:s26], [sflag:$0x1] =	stream.indirect.gather [hbm4b:s1+s30], $0x80, s18, s30, $0xb8;
	[tilespmem:$0x1E380] =	vst v63  }
0x117: {  	_ =	swait.ge [sflag:s9], $0x1400  }
0x118: {  	[sflag:s9] =	ssyncset.done $0x0  }
.Ltmp2:
0x119: {  	[sflag:s9] =	ssyncadd.s32 $0xFFFFEC00;
	(pc) =	sbr.rel @p0 .LBB2_6-.Ltmp2, $4  }
0x11a: {  	[spmem:s3] =	stream.indirect.scatter.add.f32 [tilespmem:s0], [sflag:$0x6], $0x80, s16, s30, $0xb8;
	[tilespmem:$0x1E380] =	vst v63  }
0x11b: {  	_ =	swait.ge [sflag:s11], $0x1400  }
0x11c: {  	[sflag:s11] =	ssyncset.done $0x0  }
0x11d: {  	s17 =	sadd.s32 $0x14A0, s17;
	s16 =	sadd.s32 $0x180, s16;
	[sflag:s11] =	ssyncadd.s32 $0xFFFFEC00  }
0x11e: {  	[tilespmem:s31], [sflag:$0x2] =	stream.indirect.gather [hbm4b:s1+s30], $0x80, s17, s30, $0xb8;
	[tilespmem:$0x1E380] =	vst v63  }
0x11f: {  	_ =	swait.ge [sflag:s2], $0x1400  }
0x120: {  	[sflag:s2] =	ssyncset.done $0x0  }
0x121: {  	[sflag:s2] =	ssyncadd.s32 $0xFFFFEC00  }
0x122: {  	[spmem:s3] =	stream.indirect.scatter.add.f32 [tilespmem:s26], [sflag:$0x4], $0x80, s13, s30, $0xb8;
	[tilespmem:$0x1E380] =	vst v63  }
0x123: {  	_ =	swait.ge [sflag:s12], $0x1400  }
0x124: {  	[sflag:s12] =	ssyncset.done $0x0  }
0x125: {  	[sflag:s12] =	ssyncadd.s32 $0xFFFFEC00  }
0x126: {  	_ =	swait.ge [sflag:s5], $0x1400  }
0x127: {  	[sflag:s5] =	ssyncset.done $0x0  }
0x128: {  	[sflag:s5] =	ssyncadd.s32 $0xFFFFEC00  }
0x129: {  	[spmem:s3] =	stream.indirect.scatter.add.f32 [tilespmem:s31], [sflag:$0x5], $0x80, s14, s30, $0xb8;
	[tilespmem:$0x1E380] =	vst v63  }
0x12a: {  	_ =	swait.ge [sflag:s7], $0x1400  }
0x12b: {  	[sflag:s7] =	ssyncset.done $0x0  }
0x12c: {  	[sflag:s7] =	ssyncadd.s32 $0xFFFFEC00  }
0x12d: {  	_ =	swait.ge [sflag:s11], $0x1400  }
0x12e: {  	[sflag:s11] =	ssyncset.done $0x0  }
0x12f: {  	s15 =	stileid.u32;
	[sflag:s11] =	ssyncadd.s32 $0xFFFFEC00  }
0x130: {  	s15 =	sshll.u32 s15, $0x6;
	[bflag:$0x0] =	sbarrier.arrive $0xFFFF  }
0x131: {  	s16 =	sshrl.u32 s8, $0x3;
	s15 =	sor.u32 $0x1C07, s15;
	s18 =	rddreg [dreg:$0x7]  }
0x132: {  	[hbm:s18], [sflag:s15] =	dma.local [spmem:s16], $0x2800  }
0x133: {  	_ =	swait.ge [sflag:s28], $0x2800  }
0x134: {  	s4 =	sadd.s32 $0x1, s4;
	s18 =	rddreg [dreg:$0x8]  }
0x135: {  	p0 =	sne.s32 s4, s18  }
.Ltmp3:
0x136: {  	_ = 	snop;
	(pc) =	sbr.rel @p0 .LBB2_1-.Ltmp3, $3  }
0x137: {  	_ =	sdelay $0x1  }
0x138: {  	[sflag:s28] =	ssyncset.done $0x0  }
0x139: {  	[sflag:s28] =	ssyncadd.s32 $0xFFFFD800  }
0x13a: {  	_ =	sfence.sel $0x180000  }
0x13b: {  	[bflag:$0x0] =	sbarrier.arrive $0xFFFF  }
0x13c: {  	_ =	strace $0x9000004D  }
0x13d: {  	s0 =	stileid.u32;
	[bflag:$0x2] =	sbarrier.arrive $0xFFFF  }
0x13e: {  	p0 =	sne.s32 s0, $0x0;
	s0 =	rddreg [dreg:$0x3]  }
0x13f: {  	s0 =	sadd.s32 @!p0 $0x100000, s0  }
0x140: {  	[sflag:s0] =	ssyncadd.tile.s32 @!p0 $0x1;
	_ =	shalt  }
.Lfunc_end2:
_tile_overlayer_lowered:
.L_overlay_start_2:
0x141: {  	(tag) =	ssettag $0x2  }
0x142: {  	s0 =	rddreg [dreg:$0x0];
	s2 =	stileid.u32  }
0x143: {  	s1 =	rddreg [dreg:$0x1];
	p0 =	sne.s32 s2, $0x0  }
0x144: {  	s3 =	rddreg [dreg:$0x2];
	[bflag:$0x3] =	sbarrier.arrive $0xFFFF;
	s2 =	simm.s32 @!p0 $0x1C07  }
0x145: {  	[timem:s3], [sflag:s2] =	dma.local @!p0 [hbm:s0], s1  }
0x146: {  	s0 =	simm.s32 @!p0 $0x7  }
0x147: {  	_ =	swait.ge @!p0 [sflag:s0], s1  }
0x148: {  	s1 =	ssub.s32 @!p0 $0x0, s1;
	[sflag:s0] =	ssyncset.done @!p0 $0x0  }
0x149: {  	[sflag:s0] =	ssyncadd.s32 @!p0 s1  }
0x14a: {  	[bflag:$0x3] =	sbarrier.arrive $0xFFFF  }
0x14b: {  	_ =	shalt  }

// kernel: kernel.8.cloned.1.call-start
scs
__scs_entry_jumppad:
0x0: {  	(pc) =	sbr.rel $0x88, $3  }
0x1: {  	(tag) =	ssettag $0x0;
	lr =	simm.s32 $0x1  }
0x2: {  	[smem:$0x3F97] =	sst lr;
	_ =	strace $0xD0000000  }
0x3: {  	_ = 	snop  }
0x4: {  	_ = 	snop  }
0x5: {  	_ = 	snop  }
0x6: {  	_ = 	snop  }
0x7: {  	_ = 	snop  }
__scs_overlays_trampoline_lowered:
0x8: {  	[smem:$0x3FA6] =	sst s0  }
0x9: {  	[smem:$0x3FA7] =	sst s1  }
0xa: {  	[smem:$0x3FA8] =	sst s2  }
0xb: {  	[smem:$0x3FA9] =	sst s3  }
0xc: {  	[smem:$0x3FAA] =	sst s4  }
0xd: {  	[smem:$0x3FAB] =	sst s5  }
0xe: {  	[smem:$0x3FAC] =	sst s6  }
0xf: {  	[smem:$0x3FAD] =	sst s7  }
0x10: {  	[smem:$0x3FAE] =	sst s8  }
0x11: {  	[smem:$0x3FAF] =	sst s9;
	s0 =	simm.s32 @!p0 $0x0  }
0x12: {  	s1 =	sld [smem:$0x3F95];
	s0 =	simm.s32 @p0 $0x1  }
0x13: {  	[smem:$0x3FB0] =	sst s0;
	s0 =	simm.s32 @!p1 $0x0  }
0x14: {  	s2 =	sld [smem:$0x3F94];
	s0 =	simm.s32 @p1 $0x1  }
0x15: {  	[smem:$0x3FB1] =	sst s0;
	s0 =	simm.s32 @!p2 $0x0  }
0x16: {  	s3 =	sld [smem:$0x3FDB];
	s0 =	simm.s32 @p2 $0x1  }
0x17: {  	s4 =	simm.s32 $0x1BF5;
	[smem:$0x3FB3] =	sst s0  }
0x18: {  	s0 =	sld [smem:$0x3F96];
	_ =	swait.ge [sflag:s4], $0x0  }
0x19: {  	s7 =	sld [smem:$0x3F97]  }
0x1a: {  	s8 =	sadd.s32 $0xFFFFE003, lr  }
0x1b: {  	s9 =	sadd.s32 $0xFFFFFEF7, lr;
	s5 =	simm.s32 $0xFFFFFFFF;
	p2 =	slt.u32 s8, $0xFFFFF086  }
0x1c: {  	p1 =	slt.u32 s9, $0xF7A;
	s5 =	simm.s32 @!p2 $0x0  }
0x1d: {  	s5 =	simm.s32 @p1 $0x1;
	p0 =	seq.s32 s7, s2  }
0x1e: {  	s7 =	smul.u32 @!p0 $0xF7A, s2;
	p2 =	seq.s32 @!p0 s5, $0x0  }
0x1f: {  	s9 =	smul.u32 $0xF7A, s1;
	s8 =	simm.s32 @!p0 $0x1BF5;
	p2 =	por !p2, p0  }
0x20: {  	[sflag:s8] =	ssyncset.s32 @!p0 $0xFFFFF086;
	s6 =	sadd.s32 @!p0 s3, s7;
	s7 =	simm.s32 @!p0 $0x108  }
0x21: {  	s3 =	sadd.s32 s3, s9;
	s6 =	sadd.s32 @!p0 $0x88, s6;
	s7 =	simm.s32 @p2 $0x1082  }
0x22: {  	[simem:s7], [sflag:s8] =	dma.local @!p0 [hbm:s6], $0xF7A  }
0x23: {  	s9 =	sor.u32 $0xD0000000, s2;
	s6 =	simm.s32 $0x108;
	_ =	swait.ge @!p0 [sflag:s8], $0x0  }
0x24: {  	s3 =	sadd.s32 $0x88, s3;
	s6 =	simm.s32 @!p1 $0x1082;
	[sflag:s4] =	ssyncset.s32 $0xFFFFF086  }
0x25: {  	[simem:s6], [sflag:s4] =	dma.local [hbm:s3], $0xF7A  }
0x26: {  	[smem:$0x3F97] =	sst s1;
	(tag) =	ssettag s2;
	_ =	strace s9  }
0x27: {  	s1 =	sld [smem:$0x3FA7]  }
0x28: {  	s2 =	sld [smem:$0x3FA8]  }
0x29: {  	s4 =	sld [smem:$0x3FAA]  }
0x2a: {  	p0 =	seq.s32 s5, $0x0;
	s5 =	sld [smem:$0x3FAB]  }
0x2b: {  	s6 =	sld [smem:$0x3FAC]  }
0x2c: {  	s7 =	sld [smem:$0x3FAD]  }
0x2d: {  	s3 =	simm.s32 $0x108;
	s8 =	sld [smem:$0x3FAE]  }
0x2e: {  	s3 =	simm.s32 @!p0 $0x1082;
	s9 =	sld [smem:$0x3FAF]  }
0x2f: {  	lr =	sadd.s32 s0, s3;
	s0 =	sld [smem:$0x3FA6]  }
0x30: {  	s3 =	sld [smem:$0x3FA9]  }
0x31: {  	[smem:$0x3FB2] =	sst s10  }
0x32: {  	s10 =	sld [smem:$0x3FB0];
	_ =	sdelay $0x3  }
0x33: {  	p0 =	seq.s32 s10, $0x1;
	s10 =	sld [smem:$0x3FB2];
	_ =	sdelay $0x3  }
0x34: {  	[smem:$0x3FB2] =	sst s10  }
0x35: {  	s10 =	sld [smem:$0x3FB1];
	_ =	sdelay $0x3  }
0x36: {  	p1 =	seq.s32 s10, $0x1;
	s10 =	sld [smem:$0x3FB2];
	_ =	sdelay $0x3  }
0x37: {  	[smem:$0x3FB2] =	sst s10  }
0x38: {  	s10 =	sld [smem:$0x3FB3]  }
0x39: {  	_ = 	snop;
	(pc) =	sbr.ind lr, $3  }
0x3a: {  	_ = 	snop  }
0x3b: {  	_ = 	snop  }
0x3c: {  	p2 =	seq.s32 s10, $0x1;
	s10 =	sld [smem:$0x3FB2]  }
0x3d: {  	_ =	shalt  }
0x3e: {  	_ =	shalt  }
0x3f: {  	_ =	shalt  }
0x40: {  	_ =	shalt  }
0x41: {  	_ =	shalt  }
0x42: {  	_ =	shalt  }
0x43: {  	_ =	shalt  }
0x44: {  	_ =	shalt  }
0x45: {  	_ =	shalt  }
0x46: {  	_ =	shalt  }
0x47: {  	_ =	shalt  }
0x48: {  	_ =	shalt  }
0x49: {  	_ =	shalt  }
0x4a: {  	_ =	shalt  }
0x4b: {  	_ =	shalt  }
0x4c: {  	_ =	shalt  }
0x4d: {  	_ =	shalt  }
0x4e: {  	_ =	shalt  }
0x4f: {  	_ =	shalt  }
0x50: {  	_ =	shalt  }
0x51: {  	_ =	shalt  }
0x52: {  	_ =	shalt  }
0x53: {  	_ =	shalt  }
0x54: {  	_ =	shalt  }
0x55: {  	_ =	shalt  }
0x56: {  	_ =	shalt  }
0x57: {  	_ =	shalt  }
0x58: {  	_ =	shalt  }
0x59: {  	_ =	shalt  }
0x5a: {  	_ =	shalt  }
0x5b: {  	_ =	shalt  }
0x5c: {  	_ =	shalt  }
0x5d: {  	_ =	shalt  }
0x5e: {  	_ =	shalt  }
0x5f: {  	_ =	shalt  }
0x60: {  	_ =	shalt  }
0x61: {  	_ =	shalt  }
0x62: {  	_ =	shalt  }
0x63: {  	_ =	shalt  }
0x64: {  	_ =	shalt  }
0x65: {  	_ =	shalt  }
0x66: {  	_ =	shalt  }
0x67: {  	_ =	shalt  }
0x68: {  	_ =	shalt  }
0x69: {  	_ =	shalt  }
0x6a: {  	_ =	shalt  }
0x6b: {  	_ =	shalt  }
0x6c: {  	_ =	shalt  }
0x6d: {  	_ =	shalt  }
0x6e: {  	_ =	shalt  }
0x6f: {  	_ =	shalt  }
0x70: {  	_ =	shalt  }
0x71: {  	_ =	shalt  }
0x72: {  	_ =	shalt  }
0x73: {  	_ =	shalt  }
0x74: {  	_ =	shalt  }
0x75: {  	_ =	shalt  }
0x76: {  	_ =	shalt  }
0x77: {  	_ =	shalt  }
0x78: {  	_ =	shalt  }
0x79: {  	_ =	shalt  }
0x7a: {  	_ =	shalt  }
0x7b: {  	_ =	shalt  }
0x7c: {  	_ =	shalt  }
0x7d: {  	_ =	shalt  }
0x7e: {  	_ =	shalt  }
0x7f: {  	_ =	shalt  }
0x80: {  	_ =	shalt  }
0x81: {  	_ =	shalt  }
0x82: {  	_ =	shalt  }
0x83: {  	_ =	shalt  }
0x84: {  	_ =	shalt  }
0x85: {  	_ =	shalt  }
0x86: {  	_ =	shalt  }
0x87: {  	_ =	shalt  }
.Lfunc_end0:
.L_simem_size_0:
called_computation_lowered:
.L_overlay_start_0:
0x88: {  	s2 =	sld [smem:$0x3FD9]  }
0x89: {  	s3 =	sld [smem:$0x3FFE];
	_ =	sdelay $0x1  }
0x8a: {  	s1 =	srdreg.scid  }
0x8b: {  	s0 =	sand.u32 $0x1, s1  }
0x8c: {  	s17 =	sshll.u32 s0, $0xA;
	s2 =	sadd.s32 s3, s2  }
0x8d: {  	s2 =	sadd.s32 s2, s17  }
0x8e: {  	[smem:$0x3FBE] =	sst s2  }
0x8f: {  	_ = 	snop  }
0x90: {  	s2 =	sld [smem:$0x3FD0];
	(tm) =	ssettm $0x1  }
0x91: {  	s18 =	sld [smem:$0x3FFB];
	_ =	sdelay $0x3  }
0x92: {  	_ =	strace s18  }
0x93: {  	s3 =	sld [smem:$0x3FFC];
	_ =	sdelay $0x3  }
0x94: {  	_ =	strace s3  }
0x95: {  	s3 =	sld [smem:$0x3FFD];
	_ =	sdelay $0x3  }
0x96: {  	_ =	strace s3  }
0x97: {  	_ =	strace $0x8FFFFFFF  }
0x98: {  	s19 =	sld [smem:$0x3FDB];
	_ =	sdelay $0x1  }
0x99: {  	s4 =	simm.s32 $_scs_section_size  }
0x9a: {  	s5 =	simm.s32 $_size__tile_overlayer_lowered;
	s6 =	simm.s32 $_tile_overlayer_lowered  }
0x9b: {  	s22 =	simm.s32 $0x1BFF;
	s21 =	sshll.u32 s6, $0x1;
	s3 =	sadd.s32 s4, s19  }
0x9c: {  	s7 =	simm.s32 $0x0;
	s20 =	sshll.u32 s5, $0x1;
	s5 =	sadd.s32 s21, s3  }
0x9d: {  	[timem:s7], [sflag:s22] =	dma.local [hbm:s5], s20  }
0x9e: {  	_ =	swait.ge [sflag:s22], s20  }
0x9f: {  	s4 =	ssub.s32 $0x0, s20;
	[sflag:s22] =	ssyncset.done $0x0  }
0xa0: {  	[sflag:s22] =	ssyncadd.s32 s4;
	_ =	sdelay $0x1  }
0xa1: {  	s23 =	simm.s32 $0x1B8B  }
0xa2: {  	_ =	swait.ge [sflag:s23], $0x1  }
0xa3: {  	[sflag:s23] =	ssyncset.done $0x0  }
0xa4: {  	s25 =	simm.s32 $0x1B8E;
	s24 =	sld [smem:$0x3FFE];
	[sflag:s23] =	ssyncadd.s32 $0xFFFFFFFF  }
0xa5: {  	s26 =	simm.s32 $execute0_lowered;
	[smem:$0x3FD2] =	sst s25  }
0xa6: {  	s5 =	sshll.u32 s26, $0x1;
	_ =	strace $0x80000046;
	[dreg:$0x1] =	wrdreg $0xFFFFFFFF  }
0xa7: {  	s28 =	simm.s32 $_size_execute0_lowered;
	s3 =	sadd.s32 s3, s5;
	[dreg:$0x0] =	wrdreg $0x0  }
0xa8: {  	s5 =	sshll.u32 s28, $0x1;
	[dreg:$0x2] =	wrdreg s3  }
0xa9: {  	[dreg:$0x3] =	wrdreg s5  }
0xaa: {  	[dreg:$0x4] =	wrdreg $0xC0  }
0xab: {  	_ =	task [dreg:s7], $0x5FFFF  }
0xac: {  	[dreg:$0x1] =	wrdreg $0xFFFFFFFF  }
0xad: {  	[dreg:$0x0] =	wrdreg $0x60  }
0xae: {  	[dreg:$0x2] =	wrdreg s2  }
0xaf: {  	[dreg:$0x3] =	wrdreg s24  }
0xb0: {  	[dreg:$0x4] =	wrdreg $0x43000  }
0xb1: {  	[dreg:$0x5] =	wrdreg $0x9  }
0xb2: {  	_ =	task.clear_ibuf [dreg:s7], $0x6FFFF;
	_ =	strace $0x90000046  }
0xb3: {  	s29 =	simm.s32 $0x9;
	_ =	strace $0x80000048  }
0xb4: {  	_ =	swait.ge [sflag:s29], $0x1  }
0xb5: {  	[sflag:s29] =	ssyncadd.s32 $0xFFFFFFFF  }
0xb6: {  	_ =	strace $0x90000048  }
0xb7: {  	_ =	sfence  }
0xb8: {  	s30 =	sld [smem:$0x0];
	_ =	sdelay $0x2  }
0xb9: {  	s31 =	sshll.u32 s1, $0xD;
	s1 =	sshrl.u32 s1, $0x2  }
0xba: {  	s3 =	sand.u32 $0x4000, s31;
	s1 =	sadd.s32 s1, s30  }
0xbb: {  	s0 =	sor.u32 s3, s0;
	s1 =	sshll.u32 s1, $0x11  }
0xbc: {  	s0 =	sor.u32 s1, s0  }
0xbd: {  	s0 =	sadd.s32 $0x8F2B, s0  }
0xbe: {  	[sflag:s0] =	ssyncadd.remote.s32 $0x1  }
0xbf: {  	_ =	sfence.sel $0xFFFF  }
0xc0: {  	[dreg:$0x0] =	wrdreg $0xFFFFFFFF;
	(pc) =	sbr.abs _section_cstart, $3  }
0xc1: {  	[dreg:$0x1] =	wrdreg $0xFFFFFFFF  }
0xc2: {  	_ =	task.clear_ibuf [dreg:s7], $0x2FFFF;
	_ =	strace $0x9FFFFFFF  }
0xc3: {  	(tm) =	ssettm $0x7FFFFFFF  }
tec
execute0_lowered:
.L_overlay_start_1:
0x0: {  	(tag) =	ssettag $0x1  }
0x1: {  	s4 =	rddreg [dreg:$0x0]  }
0x2: {  	s1 =	srdreg.scid;
	s5 =	rddreg [dreg:$0x1]  }
0x3: {  	s0 =	stileid.u32;
	s2 =	rddreg [dreg:$0x2];
	s3 =	simm.s32 $0x0  }
0x4: {  	s11 =	simm.s32 $0x4000;
	s12 =	simm.s32 $0x80;
	s13 =	simm.s32 $0x100  }
0x5: {  	s14 =	simm.s32 $0x180;
	s15 =	simm.s32 $0x200;
	s16 =	simm.s32 $0x1  }
0x6: {  	s17 =	simm.s32 $0x2;
	s18 =	simm.s32 $0x3;
	s19 =	simm.s32 $0x4  }
0x7: {  	s20 =	simm.s32 $0x5;
	s6 =	sand.u32 $0x1, s1;
	s1 =	rddreg [dreg:$0x3]  }
0x8: {  	s23 =	simm.s32 $0x0;
	s7 =	smul.u32 $0x280, s0;
	[smem:$0x7FF] =	sst s3  }
0x9: {  	s10 =	sshll.u32 s0, $0xB;
	s21 =	sshll.u32 s0, $0x6;
	s8 =	smul.u32 $0x2800, s6  }
0xa: {  	_ =	strace $0x80000047;
	s9 =	ssub.s32 $0x2, s6;
	s30 =	sshll.u32 s6, $0xF  }
0xb: {  	s31 =	sadd.s32 s4, s10;
	s10 =	simm.s32 $0x50;
	s21 =	sor.u32 $0x1C06, s21  }
0xc: {  	s29 =	sshrl.u32 s9, $0x1;
	s4 =	sadd.s32 s7, s2;
	s8 =	sadd.s32 s7, s8  }
0xd: {  	s9 =	ssub.s32 s9, s29;
	s22 =	sshrl.u32 s4, $0x3;
	s8 =	sshrl.u32 s8, $0x3  }
0xe: {  	s7 =	smax.u32 s9, $0x1;
	s9 =	simm.s32 $0x6;
	s8 =	sadd.s32 s8, s5  }
0xf: {  	v0 =	vimm.f32 $0.0e+00;
	v1 =	vimm.f32 $1.000000000e+00;
	s5 =	sadd.s32 s30, s31;
	s6 =	sadd.s32 $0xDA00, s8;
	s8 =	simm.s32 $0x4080  }
.LBB2_1:
0x10: {  	[tilespmem:$0x4080] =	vst v0  }
0x11: {  	[tilespmem:$0x4090] =	vst v0  }
0x12: {  	[tilespmem:$0x40A0] =	vst v0  }
0x13: {  	[tilespmem:$0x40B0] =	vst v0  }
0x14: {  	[tilespmem:$0x40C0] =	vst v0  }
0x15: {  	[tilespmem:$0x40D0] =	vst v0  }
0x16: {  	[tilespmem:$0x40E0] =	vst v0  }
0x17: {  	[tilespmem:$0x40F0] =	vst v0  }
0x18: {  	[tilespmem:$0x4100] =	vst v0  }
0x19: {  	[tilespmem:$0x4110] =	vst v0  }
0x1a: {  	[tilespmem:$0x4120] =	vst v0  }
0x1b: {  	[tilespmem:$0x4130] =	vst v0  }
0x1c: {  	[tilespmem:$0x4140] =	vst v0  }
0x1d: {  	[tilespmem:$0x4150] =	vst v0  }
0x1e: {  	[tilespmem:$0x4160] =	vst v0  }
0x1f: {  	[tilespmem:$0x4170] =	vst v0  }
0x20: {  	[tilespmem:$0x4180] =	vst v0  }
0x21: {  	[tilespmem:$0x4190] =	vst v0  }
0x22: {  	[tilespmem:$0x41A0] =	vst v0  }
0x23: {  	[tilespmem:$0x41B0] =	vst v0  }
0x24: {  	[tilespmem:$0x41C0] =	vst v0  }
0x25: {  	[tilespmem:$0x41D0] =	vst v0  }
0x26: {  	[tilespmem:$0x41E0] =	vst v0  }
0x27: {  	[tilespmem:$0x41F0] =	vst v0  }
0x28: {  	[tilespmem:$0x4200] =	vst v0  }
0x29: {  	[tilespmem:$0x4210] =	vst v0  }
0x2a: {  	[tilespmem:$0x4220] =	vst v0  }
0x2b: {  	[tilespmem:$0x4230] =	vst v0  }
0x2c: {  	[tilespmem:$0x4240] =	vst v0  }
0x2d: {  	[tilespmem:$0x4250] =	vst v0  }
0x2e: {  	[tilespmem:$0x4260] =	vst v0  }
0x2f: {  	[tilespmem:$0x4270] =	vst v0  }
0x30: {  	[tilespmem:$0x4280] =	vst v0  }
0x31: {  	[tilespmem:$0x4290] =	vst v0  }
0x32: {  	[tilespmem:$0x42A0] =	vst v0  }
0x33: {  	[tilespmem:$0x42B0] =	vst v0  }
0x34: {  	[tilespmem:$0x42C0] =	vst v0  }
0x35: {  	[tilespmem:$0x42D0] =	vst v0  }
0x36: {  	[tilespmem:$0x42E0] =	vst v0  }
0x37: {  	[tilespmem:$0x42F0] =	vst v0  }
0x38: {  	[tilespmem:$0x4000] =	vst v1  }
0x39: {  	[tilespmem:$0x4010] =	vst v1  }
0x3a: {  	[tilespmem:$0x4020] =	vst v1  }
0x3b: {  	[tilespmem:$0x4030] =	vst v1  }
0x3c: {  	[tilespmem:$0x4040] =	vst v1  }
0x3d: {  	[spmem:s4] =	stream.linear.scatter [tilespmem:s8], [sflag:$0x6], $0x280, $0x38;
	[tilespmem:$0x4580] =	vst v63  }
0x3e: {  	_ =	swait.ge [sflag:s9], $0x280  }
0x3f: {  	[sflag:s9] =	ssyncset.done $0x0  }
0x40: {  	[sflag:s9] =	ssyncadd.s32 $0xFFFFFD80  }
0x41: {  	[tilespmem:s3], [sflag:$0x6] =	stream.linear.gather [hbm4b:s5+s3], $0x3E80, $0x38;
	[tilespmem:$0x4580] =	vst v63  }
0x42: {  	_ =	swait.ge [sflag:s9], $0x3E80  }
0x43: {  	[sflag:s9] =	ssyncset.done $0x0  }
0x44: {  	[sflag:s9] =	ssyncadd.s32 $0xFFFFC180  }
0x45: {  	[bflag:$0x0] =	sbarrier.arrive $0xFFFF  }
0x46: {  	[spmem:s2] =	stream.indirect.scatter.add.f32 [tilespmem:s11], [sflag:$0x1], $0x1, s3, s10, $0xb8;
	[tilespmem:$0x4580] =	vst v63  }
0x47: {  	_ = 	snop  }
0x48: {  	[spmem:s2] =	stream.indirect.scatter.add.f32 [tilespmem:s11], [sflag:$0x2], $0x1, s12, s10, $0xb8;
	[tilespmem:$0x4580] =	vst v63  }
0x49: {  	_ = 	snop  }
0x4a: {  	[spmem:s2] =	stream.indirect.scatter.add.f32 [tilespmem:s11], [sflag:$0x3], $0x1, s13, s10, $0xb8;
	[tilespmem:$0x4580] =	vst v63  }
0x4b: {  	_ = 	snop  }
0x4c: {  	[spmem:s2] =	stream.indirect.scatter.add.f32 [tilespmem:s11], [sflag:$0x4], $0x1, s14, s10, $0xb8;
	[tilespmem:$0x4580] =	vst v63  }
0x4d: {  	_ = 	snop  }
0x4e: {  	[spmem:s2] =	stream.indirect.scatter.add.f32 [tilespmem:s11], [sflag:$0x5], $0x1, s15, s10, $0xb8;
	[tilespmem:$0x4580] =	vst v63  }
0x4f: {  	_ =	swait.ge [sflag:s16], $0x50  }
0x50: {  	[sflag:s16] =	ssyncset.done $0x0  }
0x51: {  	s24 =	simm.s32 $0x280;
	[sflag:s16] =	ssyncadd.s32 $0xFFFFFFB0  }
0x52: {  	[spmem:s2] =	stream.indirect.scatter.add.f32 [tilespmem:s11], [sflag:$0x1], $0x1, s24, s10, $0xb8;
	[tilespmem:$0x4580] =	vst v63  }
0x53: {  	_ =	swait.ge [sflag:s17], $0x50  }
0x54: {  	[sflag:s17] =	ssyncset.done $0x0  }
0x55: {  	s29 =	simm.s32 $0x300;
	[sflag:s17] =	ssyncadd.s32 $0xFFFFFFB0  }
0x56: {  	[spmem:s2] =	stream.indirect.scatter.add.f32 [tilespmem:s11], [sflag:$0x2], $0x1, s29, s10, $0xb8;
	[tilespmem:$0x4580] =	vst v63  }
0x57: {  	_ =	swait.ge [sflag:s18], $0x50  }
0x58: {  	[sflag:s18] =	ssyncset.done $0x0  }
0x59: {  	s30 =	simm.s32 $0x380;
	[sflag:s18] =	ssyncadd.s32 $0xFFFFFFB0  }
0x5a: {  	[spmem:s2] =	stream.indirect.scatter.add.f32 [tilespmem:s11], [sflag:$0x3], $0x1, s30, s10, $0xb8;
	[tilespmem:$0x4580] =	vst v63  }
0x5b: {  	_ =	swait.ge [sflag:s19], $0x50  }
0x5c: {  	[sflag:s19] =	ssyncset.done $0x0  }
0x5d: {  	s31 =	simm.s32 $0x400;
	[sflag:s19] =	ssyncadd.s32 $0xFFFFFFB0  }
0x5e: {  	[spmem:s2] =	stream.indirect.scatter.add.f32 [tilespmem:s11], [sflag:$0x4], $0x1, s31, s10, $0xb8;
	[tilespmem:$0x4580] =	vst v63  }
0x5f: {  	_ =	swait.ge [sflag:s20], $0x50  }
0x60: {  	[sflag:s20] =	ssyncset.done $0x0  }
0x61: {  	s25 =	simm.s32 $0x480;
	s24 =	simm.s32 $0xFFFF1A00;
	[sflag:s20] =	ssyncadd.s32 $0xFFFFFFB0  }
.LBB2_2:
0x62: {  	[spmem:s2] =	stream.indirect.scatter.add.f32 [tilespmem:s11], [sflag:$0x5], $0x1, s25, s10, $0xb8;
	[tilespmem:$0x4580] =	vst v63  }
0x63: {  	s25 =	smov.u32 s24  }
0x64: {  	p0 =	sne.s32 s24, $0xFFFFF600;
	s24 =	sadd.s32 $0xA00, s24;
	_ =	swait.ge [sflag:s16], $0x50  }
0x65: {  	s25 =	sshra.s32 s25, $0x2;
	[sflag:s16] =	ssyncset.done $0x0  }
0x66: {  	s26 =	sadd.s32 $0x3E80, s25;
	[sflag:s16] =	ssyncadd.s32 $0xFFFFFFB0  }
0x67: {  	[spmem:s2] =	stream.indirect.scatter.add.f32 [tilespmem:s11], [sflag:$0x1], $0x1, s26, s10, $0xb8;
	[tilespmem:$0x4580] =	vst v63  }
0x68: {  	_ =	swait.ge [sflag:s17], $0x50  }
0x69: {  	[sflag:s17] =	ssyncset.done $0x0  }
0x6a: {  	s26 =	sadd.s32 $0x3F00, s25;
	[sflag:s17] =	ssyncadd.s32 $0xFFFFFFB0  }
0x6b: {  	[spmem:s2] =	stream.indirect.scatter.add.f32 [tilespmem:s11], [sflag:$0x2], $0x1, s26, s10, $0xb8;
	[tilespmem:$0x4580] =	vst v63  }
0x6c: {  	_ =	swait.ge [sflag:s18], $0x50  }
0x6d: {  	[sflag:s18] =	ssyncset.done $0x0  }
0x6e: {  	s26 =	sadd.s32 $0x3F80, s25;
	[sflag:s18] =	ssyncadd.s32 $0xFFFFFFB0  }
0x6f: {  	[spmem:s2] =	stream.indirect.scatter.add.f32 [tilespmem:s11], [sflag:$0x3], $0x1, s26, s10, $0xb8;
	[tilespmem:$0x4580] =	vst v63  }
0x70: {  	_ =	swait.ge [sflag:s19], $0x50  }
0x71: {  	[sflag:s19] =	ssyncset.done $0x0  }
.Ltmp0:
0x72: {  	s26 =	sadd.s32 $0x4000, s25;
	[sflag:s19] =	ssyncadd.s32 $0xFFFFFFB0;
	(pc) =	sbr.rel @p0 .LBB2_2-.Ltmp0, $4  }
0x73: {  	[spmem:s2] =	stream.indirect.scatter.add.f32 [tilespmem:s11], [sflag:$0x4], $0x1, s26, s10, $0xb8;
	[tilespmem:$0x4580] =	vst v63  }
0x74: {  	_ =	swait.ge [sflag:s20], $0x50  }
0x75: {  	[sflag:s20] =	ssyncset.done $0x0  }
0x76: {  	s25 =	sadd.s32 $0x4080, s25;
	[sflag:s20] =	ssyncadd.s32 $0xFFFFFFB0  }
0x77: {  	[spmem:s2] =	stream.indirect.scatter.add.f32 [tilespmem:s11], [sflag:$0x5], $0x1, s25, s10, $0xb8;
	[tilespmem:$0x4580] =	vst v63  }
0x78: {  	_ =	swait.ge [sflag:s16], $0x50  }
0x79: {  	[sflag:s16] =	ssyncset.done $0x0  }
0x7a: {  	[sflag:s16] =	ssyncadd.s32 $0xFFFFFFB0  }
0x7b: {  	_ =	swait.ge [sflag:s17], $0x50  }
0x7c: {  	[sflag:s17] =	ssyncset.done $0x0  }
0x7d: {  	[sflag:s17] =	ssyncadd.s32 $0xFFFFFFB0  }
0x7e: {  	_ =	swait.ge [sflag:s18], $0x50  }
0x7f: {  	[sflag:s18] =	ssyncset.done $0x0  }
0x80: {  	[sflag:s18] =	ssyncadd.s32 $0xFFFFFFB0  }
0x81: {  	_ =	swait.ge [sflag:s19], $0x50  }
0x82: {  	[sflag:s19] =	ssyncset.done $0x0  }
0x83: {  	[sflag:s19] =	ssyncadd.s32 $0xFFFFFFB0  }
0x84: {  	_ =	swait.ge [sflag:s20], $0x50  }
0x85: {  	s23 =	sadd.s32 $0x1, s23;
	[sflag:s20] =	ssyncset.done $0x0  }
0x86: {  	p0 =	sne.s32 s23, s7;
	[sflag:s20] =	ssyncadd.s32 $0xFFFFFFB0  }
.Ltmp1:
0x87: {  	[bflag:$0x0] =	sbarrier.arrive $0xFFFF;
	(pc) =	sbr.rel @p0 .LBB2_1-.Ltmp1, $4  }
0x88: {  	[hbm:s6], [sflag:s21] =	dma.local [spmem:s22], $0x50  }
0x89: {  	_ =	swait.ge [sflag:s9], $0x50  }
0x8a: {  	[sflag:s9] =	ssyncset.done $0x0  }
0x8b: {  	[sflag:s9] =	ssyncadd.s32 $0xFFFFFFB0  }
0x8c: {  	_ =	sfence.sel $0x180000  }
0x8d: {  	[bflag:$0x0] =	sbarrier.arrive $0xFFFF  }
0x8e: {  	p0 =	sne.s32 s0, $0x0;
	_ =	strace $0x90000047  }
0x8f: {  	s0 =	sadd.s32 @!p0 $0x100000, s1;
	[bflag:$0x2] =	sbarrier.arrive $0xFFFF  }
0x90: {  	[sflag:s0] =	ssyncadd.tile.s32 @!p0 $0x1;
	_ =	shalt  }
.Lfunc_end2:
_tile_overlayer_lowered:
.L_overlay_start_2:
0x91: {  	(tag) =	ssettag $0x2  }
0x92: {  	s0 =	rddreg [dreg:$0x0];
	s2 =	stileid.u32  }
0x93: {  	s1 =	rddreg [dreg:$0x1];
	p0 =	sne.s32 s2, $0x0  }
0x94: {  	s3 =	rddreg [dreg:$0x2];
	[bflag:$0x3] =	sbarrier.arrive $0xFFFF;
	s2 =	simm.s32 @!p0 $0x1C06  }
0x95: {  	[timem:s3], [sflag:s2] =	dma.local @!p0 [hbm:s0], s1  }
0x96: {  	s0 =	simm.s32 @!p0 $0x6  }
0x97: {  	_ =	swait.ge @!p0 [sflag:s0], s1  }
0x98: {  	s1 =	ssub.s32 @!p0 $0x0, s1;
	[sflag:s0] =	ssyncset.done @!p0 $0x0  }
0x99: {  	[sflag:s0] =	ssyncadd.s32 @!p0 s1  }
0x9a: {  	[bflag:$0x3] =	sbarrier.arrive $0xFFFF  }
0x9b: {  	_ =	shalt  }

</sc_bundles>
